<compile_context>
chip_gen: v7x
topology: tpu7x:2x2x1
jax: 0.10.2.dev20260603
libtpu: 0.0.44.dev20260713+nightly
codegen_flags: <defaults>
</compile_context>

<pallas_src>
import functools

import jax
import jax.numpy as jnp
from jax import lax
from jax.experimental import pallas as pl
from jax.experimental.pallas import tpu as pltpu
from jax.experimental.pallas import tpu_sc as plsc

N = 10000
E = 320000
D = 128
H = 128
G = 128
NCLS = 10

NPAD = 10240
NB = NPAD // 128
NCORE = 2
NSUB = 16
NWORK = NCORE * NSUB
CH = 64
NCHUNK = 160
EW = NCHUNK * CH
EPAD = NWORK * EW
NBUF = 2
DB = 1024
RPT = NPAD // NSUB

PREC = lax.Precision.DEFAULT
F32 = jnp.float32


def _mesh():
    return plsc.VectorSubcoreMesh(
        core_axis_name="c", subcore_axis_name="s",
        num_cores=NCORE, num_subcores=NSUB)


def _sc_degree_body(ei_hbm, z_hbm, out_hbm, buf, acc):
    cid = lax.axis_index("c")
    sid = lax.axis_index("s")
    w = cid * NSUB + sid
    pltpu.sync_copy(z_hbm, acc)
    ones16 = jnp.ones((16,), F32)

    def step(blk, carry):
        pltpu.sync_copy(ei_hbm.at[w, pl.ds(blk * (DB // CH), DB // CH)], buf)
        for r in range(DB // CH):
            for j in range(CH // 16):
                v = buf[r, pl.ds(j * 16, 16)]
                plsc.addupdate_scatter(
                    acc, [lax.shift_right_logical(v, 16)], ones16)
        return carry

    lax.fori_loop(0, EW // DB, step, 0)
    pltpu.sync_copy(acc, out_hbm.at[w])


_sc_degree = pl.kernel(
    _sc_degree_body,
    out_type=jax.ShapeDtypeStruct((NWORK, NPAD), F32),
    mesh=_mesh(),
    scratch_types=[
        pltpu.VMEM((DB // CH, CH), jnp.int32),
        pltpu.VMEM((NPAD,), F32),
    ],
    compiler_params=pltpu.CompilerParams(needs_layout_passes=False),
)


def _sc_scatter_body(y_hbm, ei_hbm, z_hbm, out_hbm,
                     pk, sidx0, sidx1, didx0, didx1,
                     rows0, rows1, acc, sem0, sem1):
    cid = lax.axis_index("c")
    sid = lax.axis_index("s")
    w = cid * NSUB + sid
    r0 = sid * RPT
    sidx = (sidx0, sidx1)
    didx = (didx0, didx1)
    rows = (rows0, rows1)
    sems = (sem0, sem1)
    pltpu.sync_copy(ei_hbm.at[w], pk)
    pltpu.sync_copy(z_hbm, acc.at[pl.ds(r0, RPT)])
    plsc.subcore_barrier()

    mask = jnp.full((16,), 0xFFFF, jnp.int32)

    def unpack(b, g):
        for j in range(CH // 16):
            v = pk[g, pl.ds(j * 16, 16)]
            sidx[b][pl.ds(j * 16, 16)] = v & mask
            didx[b][pl.ds(j * 16, 16)] = lax.shift_right_logical(v, 16)

    for b in range(NBUF):
        unpack(b, b)
        pltpu.async_copy(y_hbm.at[sidx[b]], rows[b], sems[b])

    def outer(j, carry):
        for b in range(NBUF):
            g = j * NBUF + b
            pltpu.make_async_copy(y_hbm.at[sidx[b]], rows[b],
                                  sems[b]).wait()
            pltpu.sync_copy(rows[b], acc.at[didx[b]], add=True)
            gn = g + NBUF

            @pl.when(gn < NCHUNK)
            def _():
                unpack(b, gn)
                pltpu.async_copy(y_hbm.at[sidx[b]], rows[b], sems[b])

        return carry

    lax.fori_loop(0, NCHUNK // NBUF, outer, 0)
    plsc.subcore_barrier()
    pltpu.sync_copy(acc.at[pl.ds(r0, RPT)], out_hbm.at[cid, pl.ds(r0, RPT)])


_sc_scatter = pl.kernel(
    _sc_scatter_body,
    out_type=jax.ShapeDtypeStruct((NCORE, NPAD, H), F32),
    mesh=_mesh(),
    scratch_types=(
        [pltpu.VMEM((NCHUNK, CH), jnp.int32)]
        + [pltpu.VMEM((CH,), jnp.int32)] * 4
        + [pltpu.VMEM((CH, H), F32)] * 2
        + [pltpu.VMEM_SHARED((NPAD, H), F32)]
        + [pltpu.SemaphoreType.DMA] * 2
    ),
)


def _col(row):
    return row.reshape(128, 1)


def _dgp_spec():
    return pl.BlockSpec((NWORK, 1, 1, 128), lambda i: (0, i, 0, 0))


def _dot(a, b):
    return jnp.dot(a, b, preferred_element_type=F32, precision=PREC)


def _row_spec(k):
    return pl.BlockSpec((128, k), lambda i: (i, 0))


def _deg_spec():
    return pl.BlockSpec((1, 1, 128), lambda i: (i, 0, 0))


def _whole(shape):
    nd = len(shape)
    return pl.BlockSpec(shape, lambda i: (0,) * nd)


def _part_spec():
    return pl.BlockSpec((NCORE, 128, H), lambda i: (0, i, 0))


def _t1_body(dgp_r, x_r, d0_r, w0_r, l0w_r, l0b_r, y0_r, lin0_r, dinv_r):
    dsum = jnp.sum(dgp_r[...], axis=0)[0]
    drow = lax.rsqrt(dsum + 1.0)
    dinv_r[...] = drow.reshape(1, 1, 128)
    dcol = _col(drow)
    y0_r[...] = _dot(x_r[...], w0_r[...]) * dcol
    lin0_r[...] = jnp.maximum(_dot(d0_r[...], l0w_r[...]) + l0b_r[...], 0.0)


def _t1(dgp, xp, d0p, w0, l0w, l0b):
    return pl.pallas_call(
        _t1_body,
        grid=(NB,),
        in_specs=[_dgp_spec(), _row_spec(D), _row_spec(D),
                  _whole((D, H)), _whole((D, H)), _whole((1, H))],
        out_specs=[_row_spec(H), _row_spec(H), _deg_spec()],
        out_shape=[jax.ShapeDtypeStruct((NPAD, H), F32),
                   jax.ShapeDtypeStruct((NPAD, H), F32),
                   jax.ShapeDtypeStruct((NB, 1, 128), F32)],
    )(dgp, xp, d0p, w0, l0w, l0b)


def _t2_body(p_r, y0_r, lin0_r, dv_r, d1_r, d2_r, b0_r, w1_r,
             l1w_r, l1b_r, y1_r, lin1_r):
    dcol = _col(dv_r[0])
    p = p_r[...]
    conv0 = jnp.maximum(dcol * (p[0] + p[1] + y0_r[...]) + b0_r[...], 0.0)
    comb = jnp.concatenate([lin0_r[...], conv0], axis=1)
    y1_r[...] = dcol * _dot(comb, w1_r[...])
    lf = jnp.concatenate([d1_r[...], d2_r[...]], axis=1)
    lin1_r[...] = jnp.maximum(_dot(lf, l1w_r[...]) + l1b_r[...], 0.0)


def _t2(p0, y0, lin0, dinvr, d1p, d2p, b0, w1, l1ws, l1b):
    return pl.pallas_call(
        _t2_body,
        grid=(NB,),
        in_specs=[_part_spec(), _row_spec(H), _row_spec(H),
                  _deg_spec(), _row_spec(D), _row_spec(D),
                  _whole((1, H)), _whole((2 * H, H)),
                  _whole((2 * D, H)), _whole((1, H))],
        out_specs=[_row_spec(H), _row_spec(H)],
        out_shape=[jax.ShapeDtypeStruct((NPAD, H), F32),
                   jax.ShapeDtypeStruct((NPAD, H), F32)],
    )(p0, y0, lin0, dinvr, d1p, d2p, b0, w1, l1ws, l1b)


def _t3_body(p_r, y1_r, lin1_r, dv_r, b1_r, wc_r, y2_r):
    dcol = _col(dv_r[0])
    p = p_r[...]
    conv1 = jnp.maximum(dcol * (p[0] + p[1] + y1_r[...]) + b1_r[...], 0.0)
    comb = jnp.concatenate([lin1_r[...], conv1], axis=1)
    y2_r[...] = dcol * _dot(comb, wc_r[...])


def _t3(p1, y1, lin1, dinvr, b1, wc):
    return pl.pallas_call(
        _t3_body,
        grid=(NB,),
        in_specs=[_part_spec(), _row_spec(H), _row_spec(H),
                  _deg_spec(), _whole((1, H)),
                  _whole((2 * H, H))],
        out_specs=_row_spec(H),
        out_shape=jax.ShapeDtypeStruct((NPAD, H), F32),
    )(p1, y1, lin1, dinvr, b1, wc)


def _t4_body(p_r, y2_r, dv_r, bat_r, bc_r, fcw_r, fcb_r, out_r, acc):
    i = pl.program_id(0)
    dcol = _col(dv_r[0])
    p = p_r[...]
    convx = dcol * (p[0] + p[1] + y2_r[...]) + bc_r[...]
    gcol = lax.broadcasted_iota(jnp.int32, (G, 1), 0)
    oh = (gcol == bat_r[0]).astype(F32)
    contrib = _dot(oh, convx)

    @pl.when(i == 0)
    def _():
        acc[...] = jnp.zeros_like(acc)

    acc[...] += contrib

    @pl.when(i == NB - 1)
    def _():
        out_r[...] = _dot(acc[...], fcw_r[...]) + fcb_r[...]


def _t4(p2, y2, dinvr, batp, bc, fcwp, fcbp):
    return pl.pallas_call(
        _t4_body,
        grid=(NB,),
        in_specs=[_part_spec(), _row_spec(H), _deg_spec(),
                  pl.BlockSpec((1, 1, 128), lambda i: (i, 0, 0)),
                  _whole((1, H)), _whole((H, 128)),
                  _whole((1, 128))],
        out_specs=_whole((G, 128)),
        out_shape=jax.ShapeDtypeStruct((G, 128), F32),
        scratch_shapes=[pltpu.VMEM((G, H), F32)],
    )(p2, y2, dinvr, batp, bc, fcwp, fcbp)


def kernel(x, edge_index, diff_feat, batch, conv0_W, conv0_b, conv1_W,
           conv1_b, lin0_W, lin0_b, lin1_W, lin1_b, order_weights, cls_W,
           cls_b, fc_W, fc_b):
    i32 = jnp.int32
    src = edge_index[0].astype(i32)
    dst = edge_index[1].astype(i32)
    pad_e = EPAD - E
    srcp = jnp.concatenate([src, jnp.full((pad_e,), N, i32)])
    dstp = jnp.concatenate([dst, jnp.full((pad_e,), N, i32)])
    epk = (srcp | (dstp << 16)).reshape(NWORK, NCHUNK, CH)

    pad_n = NPAD - N
    xp = jnp.pad(x, ((0, pad_n), (0, 0)))
    d0p = jnp.pad(diff_feat[0], ((0, pad_n), (0, 0)))
    d1p = jnp.pad(diff_feat[1], ((0, pad_n), (0, 0)))
    d2p = jnp.pad(diff_feat[2], ((0, pad_n), (0, 0)))
    batp = jnp.concatenate([batch.astype(i32),
                            jnp.full((pad_n,), G, i32)]).reshape(NB, 1, 128)

    zdeg = jnp.zeros((NPAD,), F32)
    zrows = jnp.zeros((RPT, H), F32)

    l1ws = jnp.concatenate([lin1_W[:D] * order_weights[0],
                            lin1_W[D:] * order_weights[1]])

    b0 = conv0_b.reshape(1, H)
    b1 = conv1_b.reshape(1, H)
    bcls = cls_b.reshape(1, H)
    l0b = lin0_b.reshape(1, H)
    l1b = lin1_b.reshape(1, H)
    fcwp = jnp.pad(fc_W, ((0, 0), (0, 128 - NCLS)))
    fcbp = jnp.pad(fc_b, (0, 128 - NCLS)).reshape(1, 128)

    degp = _sc_degree(epk, zdeg)
    dgp = degp.reshape(NWORK, NB, 1, 128)

    y0, lin0, dinvr = _t1(dgp, xp, d0p, conv0_W, lin0_W, l0b)
    p0 = _sc_scatter(y0, epk, zrows)
    y1, lin1 = _t2(p0, y0, lin0, dinvr, d1p, d2p, b0, conv1_W, l1ws, l1b)
    p1 = _sc_scatter(y1, epk, zrows)
    y2 = _t3(p1, y1, lin1, dinvr, b1, cls_W)
    p2 = _sc_scatter(y2, epk, zrows)
    out = _t4(p2, y2, dinvr, batp, bcls, fcwp, fcbp)
    return out[:, :NCLS]

# --- scband reference (transcript-rebuilt; emitter-appended) ---
"""Pipeline reference for scband-hdsgnn-90744069030457 (READ-ONLY COPY).

The authoritative reference and input builder live on the scoring server;
editing this copy changes nothing except your own understanding.
"""

import jax, jax.numpy as jnp
import numpy as np

N_NODES = 10000
N_EDGES = 320000
D = 128
NHID = 128
NUM_CLASSES = 10
NUM_GRAPHS = 128


def setup_inputs(seed: int = 0):
    key = jax.random.key(seed)
    ks = jax.random.split(key, 20)

    def glorot(k, shape):
        return jax.random.normal(k, shape, jnp.float32) / np.sqrt(shape[0])

    inp = {}
    inp["x"] = jax.random.normal(ks[0], (N_NODES, D), jnp.float32)
    inp["edge_index"] = jax.random.randint(ks[1], (2, N_EDGES), 0, N_NODES)
    inp["diff_feat"] = jax.random.normal(ks[2], (3, N_NODES, D), jnp.float32)
    inp["batch"] = jnp.sort(jax.random.randint(ks[3], (N_NODES,), 0, NUM_GRAPHS))
    inp["conv0_W"] = glorot(ks[4], (D, NHID))
    inp["conv0_b"] = jnp.zeros((NHID,), jnp.float32)
    inp["conv1_W"] = glorot(ks[5], (2 * NHID, NHID))
    inp["conv1_b"] = jnp.zeros((NHID,), jnp.float32)
    inp["lin0_W"] = glorot(ks[6], (D, NHID))
    inp["lin0_b"] = jnp.zeros((NHID,), jnp.float32)
    inp["lin1_W"] = glorot(ks[7], (2 * D, NHID))
    inp["lin1_b"] = jnp.zeros((NHID,), jnp.float32)
    bound = 1.0 / np.sqrt(2.0)
    inp["order_weights"] = jax.random.uniform(ks[8], (2,), jnp.float32, -bound, bound)
    inp["cls_W"] = glorot(ks[9], (2 * NHID, NHID))
    inp["cls_b"] = jnp.zeros((NHID,), jnp.float32)
    inp["fc_W"] = glorot(ks[10], (NHID, NUM_CLASSES))
    inp["fc_b"] = jnp.zeros((NUM_CLASSES,), jnp.float32)
    return inp


def _gcn_conv(x, edge_index, W, b):
    # PyG GCNConv: add self-loops, symmetric D^-1/2 (A+I) D^-1/2 normalization
    src = edge_index[0]
    dst = edge_index[1]
    loop = jnp.arange(N_NODES, dtype=src.dtype)
    src = jnp.concatenate([src, loop])
    dst = jnp.concatenate([dst, loop])
    deg = jax.ops.segment_sum(jnp.ones(src.shape[0], jnp.float32), dst, num_segments=N_NODES)
    dinv = jnp.where(deg > 0, 1.0 / jnp.sqrt(deg), 0.0)
    norm = dinv[src] * dinv[dst]
    xw = x @ W
    out = jax.ops.segment_sum(xw[src] * norm[:, None], dst, num_segments=N_NODES)
    return out + b


def _forward(x, diff_feat, edge_index, batch, conv0_W, conv0_b, conv1_W, conv1_b,
             lin0_W, lin0_b, lin1_W, lin1_b, order_weights, cls_W, cls_b, fc_W, fc_b):
    feature = diff_feat  # already stacked: [3, N, D]
    comb = x
    # layer i=0 (count = J**0 = 1, no order weighting)
    convx = jax.nn.relu(_gcn_conv(comb, edge_index, conv0_W, conv0_b))
    lf = feature[0:1]
    lf = jnp.moveaxis(lf, 0, 1).reshape(N_NODES, -1)
    lin_sct = jax.nn.relu(lf @ lin0_W + lin0_b)
    comb = jnp.concatenate([lin_sct, convx], axis=-1)
    # layer i=1 (count = J**1 = 2, order weights repeated J**0 = 1 times)
    convx = jax.nn.relu(_gcn_conv(comb, edge_index, conv1_W, conv1_b))
    lf = feature[1:3]
    ow = order_weights.reshape(-1, 1, 1)
    lf = ow * lf
    lf = jnp.moveaxis(lf, 0, 1).reshape(N_NODES, -1)
    lin_sct = jax.nn.relu(lf @ lin1_W + lin1_b)
    comb = jnp.concatenate([lin_sct, convx], axis=-1)
    # classification conv + global add pool + fc (eval mode: dropout = identity)
    convx = _gcn_conv(comb, edge_index, cls_W, cls_b)
    h_pooled = jax.ops.segment_sum(convx, batch, num_segments=NUM_GRAPHS)
    return h_pooled @ fc_W + fc_b


def reference(x, edge_index, diff_feat, batch, conv0_W, conv0_b, conv1_W, conv1_b,
              lin0_W, lin0_b, lin1_W, lin1_b, order_weights, cls_W, cls_b, fc_W, fc_b):
    return _forward(x, diff_feat, edge_index, batch, conv0_W, conv0_b, conv1_W, conv1_b,
                    lin0_W, lin0_b, lin1_W, lin1_b, order_weights, cls_W, cls_b, fc_W, fc_b)

if __name__ == "__main__":
    import jax
    _d = setup_inputs()
    print(jax.jit(kernel)(*tuple(_d.values())))

</pallas_src>

<mosaic_0001>
#map = affine_map<(d0, d1) -> (0, 0)>
#map1 = affine_map<(d0, d1) -> (0, 0, 0)>
module attributes {stable_mosaic.version = 14 : i64} {
  func.func @_sc_scatter_body(%arg0: i32, %arg1: i32, %arg2: memref<10240x128xf32, #tpu.memory_space<hbm>>, %arg3: memref<32x160x64xi32, #tpu.memory_space<hbm>>, %arg4: memref<640x128xf32, #tpu.memory_space<hbm>>, %arg5: memref<2x10240x128xf32, #tpu.memory_space<hbm>>, %arg6: memref<160x64xi32, #tpu.memory_space<vmem>>, %arg7: memref<64xi32, #tpu.memory_space<vmem>>, %arg8: memref<64xi32, #tpu.memory_space<vmem>>, %arg9: memref<64xi32, #tpu.memory_space<vmem>>, %arg10: memref<64xi32, #tpu.memory_space<vmem>>, %arg11: memref<64x128xf32, #tpu.memory_space<vmem>>, %arg12: memref<64x128xf32, #tpu.memory_space<vmem>>, %arg13: memref<10240x128xf32, #tpu.memory_space<vmem_shared>>, %arg14: memref<!tpu.dma_semaphore, #tpu.memory_space<semaphore_mem>>, %arg15: memref<!tpu.dma_semaphore, #tpu.memory_space<semaphore_mem>>) attributes {dimension_semantics = [#tpu.dimension_semantics<core_parallel>, #tpu.dimension_semantics<subcore_parallel>], iteration_bounds = array<i64: 2, 16>, scalar_prefetch = 0 : i64, scratch_operands = 10 : i64, tpu.core_type = #tpu.core_type<sc_vector_subcore>, window_params = [{transform_indices = #map}, {transform_indices = #map1}, {transform_indices = #map}, {transform_indices = #map1}]} {
    %mul3A = arith.constant 16 : i32
    %mul3A_0 = arith.muli %arg0, %mul3A : i32
    %add3A = arith.addi %mul3A_0, %arg1 : i32
    %mul3A_1 = arith.constant 640 : i32
    %mul3A_2 = arith.muli %arg1, %mul3A_1 : i32
    "tpu.region"() ({
      %run_scoped3A = tpu.sem_alloc : memref<!tpu.dma_semaphore, #tpu.memory_space<semaphore_mem>>
      %dma_start3A_147 = arith.constant 0 : i32
      %dma_start3A_148 = arith.constant 0 : i32
      %dma_start3A_149 = tpu.memref_slice %arg3[%add3A, %dma_start3A_147, %dma_start3A_148] : memref<32x160x64xi32, #tpu.memory_space<hbm>> -> memref<1x160x64xi32, #tpu.memory_space<hbm>>
      %dma_start3A_150 = tpu.memref_squeeze %dma_start3A_149 : memref<1x160x64xi32, #tpu.memory_space<hbm>> -> memref<160x64xi32, #tpu.memory_space<hbm>>
      %dma_start3A_151 = arith.constant 0 : i32
      %dma_start3A_152 = arith.constant 0 : i32
      %dma_start3A_153 = tpu.memref_slice %arg3[%add3A, %dma_start3A_151, %dma_start3A_152] : memref<32x160x64xi32, #tpu.memory_space<hbm>> -> memref<1x160x64xi32, #tpu.memory_space<hbm>>
      %dma_start3A_154 = tpu.memref_squeeze %dma_start3A_153 : memref<1x160x64xi32, #tpu.memory_space<hbm>> -> memref<160x64xi32, #tpu.memory_space<hbm>>
      tpu.enqueue_dma source(%dma_start3A_154 : memref<160x64xi32, #tpu.memory_space<hbm>>) target(%arg6 : memref<160x64xi32, #tpu.memory_space<vmem>>) target_semaphore(%run_scoped3A : memref<!tpu.dma_semaphore, #tpu.memory_space<semaphore_mem>>)
      %dma_wait3A = arith.constant 0 : i32
      %dma_wait3A_155 = arith.constant 0 : i32
      %dma_wait3A_156 = tpu.memref_slice %arg3[%add3A, %dma_wait3A, %dma_wait3A_155] : memref<32x160x64xi32, #tpu.memory_space<hbm>> -> memref<1x160x64xi32, #tpu.memory_space<hbm>>
      %dma_wait3A_157 = tpu.memref_squeeze %dma_wait3A_156 : memref<1x160x64xi32, #tpu.memory_space<hbm>> -> memref<160x64xi32, #tpu.memory_space<hbm>>
      %dma_wait3A_158 = arith.constant 0 : i32
      %dma_wait3A_159 = arith.constant 0 : i32
      %dma_wait3A_160 = tpu.memref_slice %arg3[%add3A, %dma_wait3A_158, %dma_wait3A_159] : memref<32x160x64xi32, #tpu.memory_space<hbm>> -> memref<1x160x64xi32, #tpu.memory_space<hbm>>
      %dma_wait3A_161 = tpu.memref_squeeze %dma_wait3A_160 : memref<1x160x64xi32, #tpu.memory_space<hbm>> -> memref<160x64xi32, #tpu.memory_space<hbm>>
      tpu.wait_dma2 semaphore(%run_scoped3A : memref<!tpu.dma_semaphore, #tpu.memory_space<semaphore_mem>>) src(%dma_wait3A_161 : memref<160x64xi32, #tpu.memory_space<hbm>>) dst(%arg6 : memref<160x64xi32, #tpu.memory_space<vmem>>)
      tpu.yield
    }) : () -> ()
    "tpu.region"() ({
      %run_scoped3A = tpu.sem_alloc : memref<!tpu.dma_semaphore, #tpu.memory_space<semaphore_mem>>
      %dma_start3A_147 = arith.constant 0 : i32
      %dma_start3A_148 = tpu.memref_slice %arg13[%mul3A_2, %dma_start3A_147] : memref<10240x128xf32, #tpu.memory_space<vmem_shared>> -> memref<640x128xf32, #tpu.memory_space<vmem_shared>>
      tpu.enqueue_dma source(%arg4 : memref<640x128xf32, #tpu.memory_space<hbm>>) target(%dma_start3A_148 : memref<640x128xf32, #tpu.memory_space<vmem_shared>>) target_semaphore(%run_scoped3A : memref<!tpu.dma_semaphore, #tpu.memory_space<semaphore_mem>>)
      %dma_wait3A = arith.constant 0 : i32
      %dma_wait3A_149 = tpu.memref_slice %arg13[%mul3A_2, %dma_wait3A] : memref<10240x128xf32, #tpu.memory_space<vmem_shared>> -> memref<640x128xf32, #tpu.memory_space<vmem_shared>>
      tpu.wait_dma2 semaphore(%run_scoped3A : memref<!tpu.dma_semaphore, #tpu.memory_space<semaphore_mem>>) src(%arg4 : memref<640x128xf32, #tpu.memory_space<hbm>>) dst(%dma_wait3A_149 : memref<640x128xf32, #tpu.memory_space<vmem_shared>>)
      tpu.yield
    }) : () -> ()
    %barrier3A = arith.constant 0 : index
    tpu.barrier barrier_id(%barrier3A)
    %broadcast_in_dim3A = arith.constant 65535 : i32
    %broadcast_in_dim3A_3 = vector.broadcast %broadcast_in_dim3A : i32 to vector<16xi32>
    %get3A = arith.constant 0 : i32
    %get3A_4 = arith.index_cast %get3A : i32 to index
    %get3A_5 = arith.constant 0 : index
    %get3A_6 = tpu.vector_load %arg6[%get3A_4, %get3A_5] {strides = array<i32>} : memref<160x64xi32, #tpu.memory_space<vmem>>, vector<1x16xi32>,
    %get3A_7 = vector.shape_cast %get3A_6 : vector<1x16xi32> to vector<16xi32>
    %and3A = arith.andi %get3A_7, %broadcast_in_dim3A_3 : vector<16xi32>
    %swap3A = arith.constant 0 : index
    %swap3A_8 = tpu.vector_load %arg7[%swap3A] {strides = array<i32>} : memref<64xi32, #tpu.memory_space<vmem>>, vector<16xi32>,
    %swap3A_9 = vector.shape_cast %swap3A_8 : vector<16xi32> to vector<16xi32>
    %swap3A_10 = vector.shape_cast %and3A : vector<16xi32> to vector<16xi32>
    tpu.vector_store %arg7[%swap3A], %swap3A_10 {strides = array<i32>} : memref<64xi32, #tpu.memory_space<vmem>>, vector<16xi32>,
    %shift_right_logical3A = arith.constant 16 : i32
    %shift_right_logical3A_11 = vector.broadcast %shift_right_logical3A : i32 to vector<16xi32>
    %shift_right_logical3A_12 = arith.shrui %get3A_7, %shift_right_logical3A_11 : vector<16xi32>
    %swap3A_13 = arith.constant 0 : index
    %swap3A_14 = tpu.vector_load %arg9[%swap3A_13] {strides = array<i32>} : memref<64xi32, #tpu.memory_space<vmem>>, vector<16xi32>,
    %swap3A_15 = vector.shape_cast %swap3A_14 : vector<16xi32> to vector<16xi32>
    %swap3A_16 = vector.shape_cast %shift_right_logical3A_12 : vector<16xi32> to vector<16xi32>
    tpu.vector_store %arg9[%swap3A_13], %swap3A_16 {strides = array<i32>} : memref<64xi32, #tpu.memory_space<vmem>>, vector<16xi32>,
    %get3A_17 = arith.constant 0 : i32
    %get3A_18 = arith.index_cast %get3A_17 : i32 to index
    %get3A_19 = arith.constant 16 : index
    %get3A_20 = tpu.vector_load %arg6[%get3A_18, %get3A_19] {strides = array<i32>} : memref<160x64xi32, #tpu.memory_space<vmem>>, vector<1x16xi32>,
    %get3A_21 = vector.shape_cast %get3A_20 : vector<1x16xi32> to vector<16xi32>
    %and3A_22 = arith.andi %get3A_21, %broadcast_in_dim3A_3 : vector<16xi32>
    %swap3A_23 = arith.constant 16 : index
    %swap3A_24 = tpu.vector_load %arg7[%swap3A_23] {strides = array<i32>} : memref<64xi32, #tpu.memory_space<vmem>>, vector<16xi32>,
    %swap3A_25 = vector.shape_cast %swap3A_24 : vector<16xi32> to vector<16xi32>
    %swap3A_26 = vector.shape_cast %and3A_22 : vector<16xi32> to vector<16xi32>
    tpu.vector_store %arg7[%swap3A_23], %swap3A_26 {strides = array<i32>} : memref<64xi32, #tpu.memory_space<vmem>>, vector<16xi32>,
    %shift_right_logical3A_27 = arith.constant 16 : i32
    %shift_right_logical3A_28 = vector.broadcast %shift_right_logical3A_27 : i32 to vector<16xi32>
    %shift_right_logical3A_29 = arith.shrui %get3A_21, %shift_right_logical3A_28 : vector<16xi32>
    %swap3A_30 = arith.constant 16 : index
    %swap3A_31 = tpu.vector_load %arg9[%swap3A_30] {strides = array<i32>} : memref<64xi32, #tpu.memory_space<vmem>>, vector<16xi32>,
    %swap3A_32 = vector.shape_cast %swap3A_31 : vector<16xi32> to vector<16xi32>
    %swap3A_33 = vector.shape_cast %shift_right_logical3A_29 : vector<16xi32> to vector<16xi32>
    tpu.vector_store %arg9[%swap3A_30], %swap3A_33 {strides = array<i32>} : memref<64xi32, #tpu.memory_space<vmem>>, vector<16xi32>,
    %get3A_34 = arith.constant 0 : i32
    %get3A_35 = arith.index_cast %get3A_34 : i32 to index
    %get3A_36 = arith.constant 32 : index
    %get3A_37 = tpu.vector_load %arg6[%get3A_35, %get3A_36] {strides = array<i32>} : memref<160x64xi32, #tpu.memory_space<vmem>>, vector<1x16xi32>,
    %get3A_38 = vector.shape_cast %get3A_37 : vector<1x16xi32> to vector<16xi32>
    %and3A_39 = arith.andi %get3A_38, %broadcast_in_dim3A_3 : vector<16xi32>
    %swap3A_40 = arith.constant 32 : index
    %swap3A_41 = tpu.vector_load %arg7[%swap3A_40] {strides = array<i32>} : memref<64xi32, #tpu.memory_space<vmem>>, vector<16xi32>,
    %swap3A_42 = vector.shape_cast %swap3A_41 : vector<16xi32> to vector<16xi32>
    %swap3A_43 = vector.shape_cast %and3A_39 : vector<16xi32> to vector<16xi32>
    tpu.vector_store %arg7[%swap3A_40], %swap3A_43 {strides = array<i32>} : memref<64xi32, #tpu.memory_space<vmem>>, vector<16xi32>,
    %shift_right_logical3A_44 = arith.constant 16 : i32
    %shift_right_logical3A_45 = vector.broadcast %shift_right_logical3A_44 : i32 to vector<16xi32>
    %shift_right_logical3A_46 = arith.shrui %get3A_38, %shift_right_logical3A_45 : vector<16xi32>
    %swap3A_47 = arith.constant 32 : index
    %swap3A_48 = tpu.vector_load %arg9[%swap3A_47] {strides = array<i32>} : memref<64xi32, #tpu.memory_space<vmem>>, vector<16xi32>,
    %swap3A_49 = vector.shape_cast %swap3A_48 : vector<16xi32> to vector<16xi32>
    %swap3A_50 = vector.shape_cast %shift_right_logical3A_46 : vector<16xi32> to vector<16xi32>
    tpu.vector_store %arg9[%swap3A_47], %swap3A_50 {strides = array<i32>} : memref<64xi32, #tpu.memory_space<vmem>>, vector<16xi32>,
    %get3A_51 = arith.constant 0 : i32
    %get3A_52 = arith.index_cast %get3A_51 : i32 to index
    %get3A_53 = arith.constant 48 : index
    %get3A_54 = tpu.vector_load %arg6[%get3A_52, %get3A_53] {strides = array<i32>} : memref<160x64xi32, #tpu.memory_space<vmem>>, vector<1x16xi32>,
    %get3A_55 = vector.shape_cast %get3A_54 : vector<1x16xi32> to vector<16xi32>
    %and3A_56 = arith.andi %get3A_55, %broadcast_in_dim3A_3 : vector<16xi32>
    %swap3A_57 = arith.constant 48 : index
    %swap3A_58 = tpu.vector_load %arg7[%swap3A_57] {strides = array<i32>} : memref<64xi32, #tpu.memory_space<vmem>>, vector<16xi32>,
    %swap3A_59 = vector.shape_cast %swap3A_58 : vector<16xi32> to vector<16xi32>
    %swap3A_60 = vector.shape_cast %and3A_56 : vector<16xi32> to vector<16xi32>
    tpu.vector_store %arg7[%swap3A_57], %swap3A_60 {strides = array<i32>} : memref<64xi32, #tpu.memory_space<vmem>>, vector<16xi32>,
    %shift_right_logical3A_61 = arith.constant 16 : i32
    %shift_right_logical3A_62 = vector.broadcast %shift_right_logical3A_61 : i32 to vector<16xi32>
    %shift_right_logical3A_63 = arith.shrui %get3A_55, %shift_right_logical3A_62 : vector<16xi32>
    %swap3A_64 = arith.constant 48 : index
    %swap3A_65 = tpu.vector_load %arg9[%swap3A_64] {strides = array<i32>} : memref<64xi32, #tpu.memory_space<vmem>>, vector<16xi32>,
    %swap3A_66 = vector.shape_cast %swap3A_65 : vector<16xi32> to vector<16xi32>
    %swap3A_67 = vector.shape_cast %shift_right_logical3A_63 : vector<16xi32> to vector<16xi32>
    tpu.vector_store %arg9[%swap3A_64], %swap3A_67 {strides = array<i32>} : memref<64xi32, #tpu.memory_space<vmem>>, vector<16xi32>,
    %dma_start3A = arith.constant 0 : i32
    %dma_start3A_68 = arith.constant 0 : i32
    %dma_start3A_69 = tpu.memref_slice %arg2[%dma_start3A, %dma_start3A_68] : memref<10240x128xf32, #tpu.memory_space<hbm>> -> memref<10240x128xf32, #tpu.memory_space<hbm>>
    tpu.enqueue_indirect_dma source(%dma_start3A_69 : memref<10240x128xf32, #tpu.memory_space<hbm>>) target(%arg11 : memref<64x128xf32, #tpu.memory_space<vmem>>) offsets(%arg7 : memref<64xi32, #tpu.memory_space<vmem>>) semaphore(%arg14 : memref<!tpu.dma_semaphore, #tpu.memory_space<semaphore_mem>>)
    %get3A_70 = arith.constant 1 : i32
    %get3A_71 = arith.index_cast %get3A_70 : i32 to index
    %get3A_72 = arith.constant 0 : index
    %get3A_73 = tpu.vector_load %arg6[%get3A_71, %get3A_72] {strides = array<i32>} : memref<160x64xi32, #tpu.memory_space<vmem>>, vector<1x16xi32>,
    %get3A_74 = vector.shape_cast %get3A_73 : vector<1x16xi32> to vector<16xi32>
    %and3A_75 = arith.andi %get3A_74, %broadcast_in_dim3A_3 : vector<16xi32>
    %swap3A_76 = arith.constant 0 : index
    %swap3A_77 = tpu.vector_load %arg8[%swap3A_76] {strides = array<i32>} : memref<64xi32, #tpu.memory_space<vmem>>, vector<16xi32>,
    %swap3A_78 = vector.shape_cast %swap3A_77 : vector<16xi32> to vector<16xi32>
    %swap3A_79 = vector.shape_cast %and3A_75 : vector<16xi32> to vector<16xi32>
    tpu.vector_store %arg8[%swap3A_76], %swap3A_79 {strides = array<i32>} : memref<64xi32, #tpu.memory_space<vmem>>, vector<16xi32>,
    %shift_right_logical3A_80 = arith.constant 16 : i32
    %shift_right_logical3A_81 = vector.broadcast %shift_right_logical3A_80 : i32 to vector<16xi32>
    %shift_right_logical3A_82 = arith.shrui %get3A_74, %shift_right_logical3A_81 : vector<16xi32>
    %swap3A_83 = arith.constant 0 : index
    %swap3A_84 = tpu.vector_load %arg10[%swap3A_83] {strides = array<i32>} : memref<64xi32, #tpu.memory_space<vmem>>, vector<16xi32>,
    %swap3A_85 = vector.shape_cast %swap3A_84 : vector<16xi32> to vector<16xi32>
    %swap3A_86 = vector.shape_cast %shift_right_logical3A_82 : vector<16xi32> to vector<16xi32>
    tpu.vector_store %arg10[%swap3A_83], %swap3A_86 {strides = array<i32>} : memref<64xi32, #tpu.memory_space<vmem>>, vector<16xi32>,
    %get3A_87 = arith.constant 1 : i32
    %get3A_88 = arith.index_cast %get3A_87 : i32 to index
    %get3A_89 = arith.constant 16 : index
    %get3A_90 = tpu.vector_load %arg6[%get3A_88, %get3A_89] {strides = array<i32>} : memref<160x64xi32, #tpu.memory_space<vmem>>, vector<1x16xi32>,
    %get3A_91 = vector.shape_cast %get3A_90 : vector<1x16xi32> to vector<16xi32>
    %and3A_92 = arith.andi %get3A_91, %broadcast_in_dim3A_3 : vector<16xi32>
    %swap3A_93 = arith.constant 16 : index
    %swap3A_94 = tpu.vector_load %arg8[%swap3A_93] {strides = array<i32>} : memref<64xi32, #tpu.memory_space<vmem>>, vector<16xi32>,
    %swap3A_95 = vector.shape_cast %swap3A_94 : vector<16xi32> to vector<16xi32>
    %swap3A_96 = vector.shape_cast %and3A_92 : vector<16xi32> to vector<16xi32>
    tpu.vector_store %arg8[%swap3A_93], %swap3A_96 {strides = array<i32>} : memref<64xi32, #tpu.memory_space<vmem>>, vector<16xi32>,
    %shift_right_logical3A_97 = arith.constant 16 : i32
    %shift_right_logical3A_98 = vector.broadcast %shift_right_logical3A_97 : i32 to vector<16xi32>
    %shift_right_logical3A_99 = arith.shrui %get3A_91, %shift_right_logical3A_98 : vector<16xi32>
    %swap3A_100 = arith.constant 16 : index
    %swap3A_101 = tpu.vector_load %arg10[%swap3A_100] {strides = array<i32>} : memref<64xi32, #tpu.memory_space<vmem>>, vector<16xi32>,
    %swap3A_102 = vector.shape_cast %swap3A_101 : vector<16xi32> to vector<16xi32>
    %swap3A_103 = vector.shape_cast %shift_right_logical3A_99 : vector<16xi32> to vector<16xi32>
    tpu.vector_store %arg10[%swap3A_100], %swap3A_103 {strides = array<i32>} : memref<64xi32, #tpu.memory_space<vmem>>, vector<16xi32>,
    %get3A_104 = arith.constant 1 : i32
    %get3A_105 = arith.index_cast %get3A_104 : i32 to index
    %get3A_106 = arith.constant 32 : index
    %get3A_107 = tpu.vector_load %arg6[%get3A_105, %get3A_106] {strides = array<i32>} : memref<160x64xi32, #tpu.memory_space<vmem>>, vector<1x16xi32>,
    %get3A_108 = vector.shape_cast %get3A_107 : vector<1x16xi32> to vector<16xi32>
    %and3A_109 = arith.andi %get3A_108, %broadcast_in_dim3A_3 : vector<16xi32>
    %swap3A_110 = arith.constant 32 : index
    %swap3A_111 = tpu.vector_load %arg8[%swap3A_110] {strides = array<i32>} : memref<64xi32, #tpu.memory_space<vmem>>, vector<16xi32>,
    %swap3A_112 = vector.shape_cast %swap3A_111 : vector<16xi32> to vector<16xi32>
    %swap3A_113 = vector.shape_cast %and3A_109 : vector<16xi32> to vector<16xi32>
    tpu.vector_store %arg8[%swap3A_110], %swap3A_113 {strides = array<i32>} : memref<64xi32, #tpu.memory_space<vmem>>, vector<16xi32>,
    %shift_right_logical3A_114 = arith.constant 16 : i32
    %shift_right_logical3A_115 = vector.broadcast %shift_right_logical3A_114 : i32 to vector<16xi32>
    %shift_right_logical3A_116 = arith.shrui %get3A_108, %shift_right_logical3A_115 : vector<16xi32>
    %swap3A_117 = arith.constant 32 : index
    %swap3A_118 = tpu.vector_load %arg10[%swap3A_117] {strides = array<i32>} : memref<64xi32, #tpu.memory_space<vmem>>, vector<16xi32>,
    %swap3A_119 = vector.shape_cast %swap3A_118 : vector<16xi32> to vector<16xi32>
    %swap3A_120 = vector.shape_cast %shift_right_logical3A_116 : vector<16xi32> to vector<16xi32>
    tpu.vector_store %arg10[%swap3A_117], %swap3A_120 {strides = array<i32>} : memref<64xi32, #tpu.memory_space<vmem>>, vector<16xi32>,
    %get3A_121 = arith.constant 1 : i32
    %get3A_122 = arith.index_cast %get3A_121 : i32 to index
    %get3A_123 = arith.constant 48 : index
    %get3A_124 = tpu.vector_load %arg6[%get3A_122, %get3A_123] {strides = array<i32>} : memref<160x64xi32, #tpu.memory_space<vmem>>, vector<1x16xi32>,
    %get3A_125 = vector.shape_cast %get3A_124 : vector<1x16xi32> to vector<16xi32>
    %and3A_126 = arith.andi %get3A_125, %broadcast_in_dim3A_3 : vector<16xi32>
    %swap3A_127 = arith.constant 48 : index
    %swap3A_128 = tpu.vector_load %arg8[%swap3A_127] {strides = array<i32>} : memref<64xi32, #tpu.memory_space<vmem>>, vector<16xi32>,
    %swap3A_129 = vector.shape_cast %swap3A_128 : vector<16xi32> to vector<16xi32>
    %swap3A_130 = vector.shape_cast %and3A_126 : vector<16xi32> to vector<16xi32>
    tpu.vector_store %arg8[%swap3A_127], %swap3A_130 {strides = array<i32>} : memref<64xi32, #tpu.memory_space<vmem>>, vector<16xi32>,
    %shift_right_logical3A_131 = arith.constant 16 : i32
    %shift_right_logical3A_132 = vector.broadcast %shift_right_logical3A_131 : i32 to vector<16xi32>
    %shift_right_logical3A_133 = arith.shrui %get3A_125, %shift_right_logical3A_132 : vector<16xi32>
    %swap3A_134 = arith.constant 48 : index
    %swap3A_135 = tpu.vector_load %arg10[%swap3A_134] {strides = array<i32>} : memref<64xi32, #tpu.memory_space<vmem>>, vector<16xi32>,
    %swap3A_136 = vector.shape_cast %swap3A_135 : vector<16xi32> to vector<16xi32>
    %swap3A_137 = vector.shape_cast %shift_right_logical3A_133 : vector<16xi32> to vector<16xi32>
    tpu.vector_store %arg10[%swap3A_134], %swap3A_137 {strides = array<i32>} : memref<64xi32, #tpu.memory_space<vmem>>, vector<16xi32>,
    %dma_start3A_138 = arith.constant 0 : i32
    %dma_start3A_139 = arith.constant 0 : i32
    %dma_start3A_140 = tpu.memref_slice %arg2[%dma_start3A_138, %dma_start3A_139] : memref<10240x128xf32, #tpu.memory_space<hbm>> -> memref<10240x128xf32, #tpu.memory_space<hbm>>
    tpu.enqueue_indirect_dma source(%dma_start3A_140 : memref<10240x128xf32, #tpu.memory_space<hbm>>) target(%arg12 : memref<64x128xf32, #tpu.memory_space<vmem>>) offsets(%arg8 : memref<64xi32, #tpu.memory_space<vmem>>) semaphore(%arg15 : memref<!tpu.dma_semaphore, #tpu.memory_space<semaphore_mem>>)
    %scan3A = arith.constant 0 : i32
    %scan3A_141 = arith.constant 0 : i32
    %scan3A_142 = arith.constant 80 : i32
    %scan3A_143 = arith.addi %scan3A_141, %scan3A_142 : i32
    %scan3A_144 = arith.constant 1 : i32
    scf.for %scan3A_147 = %scan3A_141 to %scan3A_143 step %scan3A_144  : i32 {
      %mul3A_148 = arith.constant 2 : i32
      %mul3A_149 = arith.muli %scan3A_147, %mul3A_148 : i32
      %add3A_150 = arith.constant 0 : i32
      %add3A_151 = arith.addi %mul3A_149, %add3A_150 : i32
      %dma_wait3A = arith.constant 0 : i32
      %dma_wait3A_152 = arith.constant 0 : i32
      %dma_wait3A_153 = tpu.memref_slice %arg2[%dma_wait3A, %dma_wait3A_152] : memref<10240x128xf32, #tpu.memory_space<hbm>> -> memref<10240x128xf32, #tpu.memory_space<hbm>>
      tpu.wait_indirect_dma semaphore(%arg14 : memref<!tpu.dma_semaphore, #tpu.memory_space<semaphore_mem>>) src(%dma_wait3A_153 : memref<10240x128xf32, #tpu.memory_space<hbm>>) dst(%arg11 : memref<64x128xf32, #tpu.memory_space<vmem>>)
      "tpu.region"() ({
        %run_scoped3A = tpu.sem_alloc : memref<!tpu.dma_semaphore, #tpu.memory_space<semaphore_mem>>
        %dma_start3A_172 = arith.constant 0 : i32
        %dma_start3A_173 = arith.constant 0 : i32
        %dma_start3A_174 = tpu.memref_slice %arg13[%dma_start3A_172, %dma_start3A_173] : memref<10240x128xf32, #tpu.memory_space<vmem_shared>> -> memref<10240x128xf32, #tpu.memory_space<vmem_shared>>
        tpu.enqueue_indirect_dma source(%arg11 : memref<64x128xf32, #tpu.memory_space<vmem>>) target(%dma_start3A_174 : memref<10240x128xf32, #tpu.memory_space<vmem_shared>>) offsets(%arg9 : memref<64xi32, #tpu.memory_space<vmem>>) semaphore(%run_scoped3A : memref<!tpu.dma_semaphore, #tpu.memory_space<semaphore_mem>>) {add = true}
        %dma_wait3A_175 = arith.constant 0 : i32
        %dma_wait3A_176 = arith.constant 0 : i32
        %dma_wait3A_177 = tpu.memref_slice %arg13[%dma_wait3A_175, %dma_wait3A_176] : memref<10240x128xf32, #tpu.memory_space<vmem_shared>> -> memref<10240x128xf32, #tpu.memory_space<vmem_shared>>
        tpu.wait_indirect_dma semaphore(%run_scoped3A : memref<!tpu.dma_semaphore, #tpu.memory_space<semaphore_mem>>) src(%arg11 : memref<64x128xf32, #tpu.memory_space<vmem>>) dst(%dma_wait3A_177 : memref<10240x128xf32, #tpu.memory_space<vmem_shared>>)
        tpu.yield
      }) : () -> ()
      %add3A_154 = arith.constant 2 : i32
      %add3A_155 = arith.addi %add3A_151, %add3A_154 : i32
      %lt3A = arith.constant 160 : i32
      %lt3A_156 = arith.cmpi slt, %add3A_155, %lt3A : i32
      %convert_element_type3A = arith.extui %lt3A_156 : i1 to i32
      %cond3A = arith.constant 0 : i32
      %cond3A_157 = arith.cmpi ne, %convert_element_type3A, %cond3A : i32
      scf.if %cond3A_157 {
        %get3A_172 = arith.index_cast %add3A_155 : i32 to index
        %get3A_173 = arith.constant 0 : index
        %get3A_174 = tpu.vector_load %arg6[%get3A_172, %get3A_173] {strides = array<i32>} : memref<160x64xi32, #tpu.memory_space<vmem>>, vector<1x16xi32>,
        %get3A_175 = vector.shape_cast %get3A_174 : vector<1x16xi32> to vector<16xi32>
        %and3A_176 = arith.andi %get3A_175, %broadcast_in_dim3A_3 : vector<16xi32>
        %swap3A_177 = arith.constant 0 : index
        %swap3A_178 = tpu.vector_load %arg7[%swap3A_177] {strides = array<i32>} : memref<64xi32, #tpu.memory_space<vmem>>, vector<16xi32>,
        %swap3A_179 = vector.shape_cast %swap3A_178 : vector<16xi32> to vector<16xi32>
        %swap3A_180 = vector.shape_cast %and3A_176 : vector<16xi32> to vector<16xi32>
        tpu.vector_store %arg7[%swap3A_177], %swap3A_180 {strides = array<i32>} : memref<64xi32, #tpu.memory_space<vmem>>, vector<16xi32>,
        %shift_right_logical3A_181 = arith.constant 16 : i32
        %shift_right_logical3A_182 = vector.broadcast %shift_right_logical3A_181 : i32 to vector<16xi32>
        %shift_right_logical3A_183 = arith.shrui %get3A_175, %shift_right_logical3A_182 : vector<16xi32>
        %swap3A_184 = arith.constant 0 : index
        %swap3A_185 = tpu.vector_load %arg9[%swap3A_184] {strides = array<i32>} : memref<64xi32, #tpu.memory_space<vmem>>, vector<16xi32>,
        %swap3A_186 = vector.shape_cast %swap3A_185 : vector<16xi32> to vector<16xi32>
        %swap3A_187 = vector.shape_cast %shift_right_logical3A_183 : vector<16xi32> to vector<16xi32>
        tpu.vector_store %arg9[%swap3A_184], %swap3A_187 {strides = array<i32>} : memref<64xi32, #tpu.memory_space<vmem>>, vector<16xi32>,
        %get3A_188 = arith.index_cast %add3A_155 : i32 to index
        %get3A_189 = arith.constant 16 : index
        %get3A_190 = tpu.vector_load %arg6[%get3A_188, %get3A_189] {strides = array<i32>} : memref<160x64xi32, #tpu.memory_space<vmem>>, vector<1x16xi32>,
        %get3A_191 = vector.shape_cast %get3A_190 : vector<1x16xi32> to vector<16xi32>
        %and3A_192 = arith.andi %get3A_191, %broadcast_in_dim3A_3 : vector<16xi32>
        %swap3A_193 = arith.constant 16 : index
        %swap3A_194 = tpu.vector_load %arg7[%swap3A_193] {strides = array<i32>} : memref<64xi32, #tpu.memory_space<vmem>>, vector<16xi32>,
        %swap3A_195 = vector.shape_cast %swap3A_194 : vector<16xi32> to vector<16xi32>
        %swap3A_196 = vector.shape_cast %and3A_192 : vector<16xi32> to vector<16xi32>
        tpu.vector_store %arg7[%swap3A_193], %swap3A_196 {strides = array<i32>} : memref<64xi32, #tpu.memory_space<vmem>>, vector<16xi32>,
        %shift_right_logical3A_197 = arith.constant 16 : i32
        %shift_right_logical3A_198 = vector.broadcast %shift_right_logical3A_197 : i32 to vector<16xi32>
        %shift_right_logical3A_199 = arith.shrui %get3A_191, %shift_right_logical3A_198 : vector<16xi32>
        %swap3A_200 = arith.constant 16 : index
        %swap3A_201 = tpu.vector_load %arg9[%swap3A_200] {strides = array<i32>} : memref<64xi32, #tpu.memory_space<vmem>>, vector<16xi32>,
        %swap3A_202 = vector.shape_cast %swap3A_201 : vector<16xi32> to vector<16xi32>
        %swap3A_203 = vector.shape_cast %shift_right_logical3A_199 : vector<16xi32> to vector<16xi32>
        tpu.vector_store %arg9[%swap3A_200], %swap3A_203 {strides = array<i32>} : memref<64xi32, #tpu.memory_space<vmem>>, vector<16xi32>,
        %get3A_204 = arith.index_cast %add3A_155 : i32 to index
        %get3A_205 = arith.constant 32 : index
        %get3A_206 = tpu.vector_load %arg6[%get3A_204, %get3A_205] {strides = array<i32>} : memref<160x64xi32, #tpu.memory_space<vmem>>, vector<1x16xi32>,
        %get3A_207 = vector.shape_cast %get3A_206 : vector<1x16xi32> to vector<16xi32>
        %and3A_208 = arith.andi %get3A_207, %broadcast_in_dim3A_3 : vector<16xi32>
        %swap3A_209 = arith.constant 32 : index
        %swap3A_210 = tpu.vector_load %arg7[%swap3A_209] {strides = array<i32>} : memref<64xi32, #tpu.memory_space<vmem>>, vector<16xi32>,
        %swap3A_211 = vector.shape_cast %swap3A_210 : vector<16xi32> to vector<16xi32>
        %swap3A_212 = vector.shape_cast %and3A_208 : vector<16xi32> to vector<16xi32>
        tpu.vector_store %arg7[%swap3A_209], %swap3A_212 {strides = array<i32>} : memref<64xi32, #tpu.memory_space<vmem>>, vector<16xi32>,
        %shift_right_logical3A_213 = arith.constant 16 : i32
        %shift_right_logical3A_214 = vector.broadcast %shift_right_logical3A_213 : i32 to vector<16xi32>
        %shift_right_logical3A_215 = arith.shrui %get3A_207, %shift_right_logical3A_214 : vector<16xi32>
        %swap3A_216 = arith.constant 32 : index
        %swap3A_217 = tpu.vector_load %arg9[%swap3A_216] {strides = array<i32>} : memref<64xi32, #tpu.memory_space<vmem>>, vector<16xi32>,
        %swap3A_218 = vector.shape_cast %swap3A_217 : vector<16xi32> to vector<16xi32>
        %swap3A_219 = vector.shape_cast %shift_right_logical3A_215 : vector<16xi32> to vector<16xi32>
        tpu.vector_store %arg9[%swap3A_216], %swap3A_219 {strides = array<i32>} : memref<64xi32, #tpu.memory_space<vmem>>, vector<16xi32>,
        %get3A_220 = arith.index_cast %add3A_155 : i32 to index
        %get3A_221 = arith.constant 48 : index
        %get3A_222 = tpu.vector_load %arg6[%get3A_220, %get3A_221] {strides = array<i32>} : memref<160x64xi32, #tpu.memory_space<vmem>>, vector<1x16xi32>,
        %get3A_223 = vector.shape_cast %get3A_222 : vector<1x16xi32> to vector<16xi32>
        %and3A_224 = arith.andi %get3A_223, %broadcast_in_dim3A_3 : vector<16xi32>
        %swap3A_225 = arith.constant 48 : index
        %swap3A_226 = tpu.vector_load %arg7[%swap3A_225] {strides = array<i32>} : memref<64xi32, #tpu.memory_space<vmem>>, vector<16xi32>,
        %swap3A_227 = vector.shape_cast %swap3A_226 : vector<16xi32> to vector<16xi32>
        %swap3A_228 = vector.shape_cast %and3A_224 : vector<16xi32> to vector<16xi32>
        tpu.vector_store %arg7[%swap3A_225], %swap3A_228 {strides = array<i32>} : memref<64xi32, #tpu.memory_space<vmem>>, vector<16xi32>,
        %shift_right_logical3A_229 = arith.constant 16 : i32
        %shift_right_logical3A_230 = vector.broadcast %shift_right_logical3A_229 : i32 to vector<16xi32>
        %shift_right_logical3A_231 = arith.shrui %get3A_223, %shift_right_logical3A_230 : vector<16xi32>
        %swap3A_232 = arith.constant 48 : index
        %swap3A_233 = tpu.vector_load %arg9[%swap3A_232] {strides = array<i32>} : memref<64xi32, #tpu.memory_space<vmem>>, vector<16xi32>,
        %swap3A_234 = vector.shape_cast %swap3A_233 : vector<16xi32> to vector<16xi32>
        %swap3A_235 = vector.shape_cast %shift_right_logical3A_231 : vector<16xi32> to vector<16xi32>
        tpu.vector_store %arg9[%swap3A_232], %swap3A_235 {strides = array<i32>} : memref<64xi32, #tpu.memory_space<vmem>>, vector<16xi32>,
        %dma_start3A_236 = arith.constant 0 : i32
        %dma_start3A_237 = arith.constant 0 : i32
        %dma_start3A_238 = tpu.memref_slice %arg2[%dma_start3A_236, %dma_start3A_237] : memref<10240x128xf32, #tpu.memory_space<hbm>> -> memref<10240x128xf32, #tpu.memory_space<hbm>>
        tpu.enqueue_indirect_dma source(%dma_start3A_238 : memref<10240x128xf32, #tpu.memory_space<hbm>>) target(%arg11 : memref<64x128xf32, #tpu.memory_space<vmem>>) offsets(%arg7 : memref<64xi32, #tpu.memory_space<vmem>>) semaphore(%arg14 : memref<!tpu.dma_semaphore, #tpu.memory_space<semaphore_mem>>)
      } else {
      }
      %mul3A_158 = arith.constant 2 : i32
      %mul3A_159 = arith.muli %scan3A_147, %mul3A_158 : i32
      %add3A_160 = arith.constant 1 : i32
      %add3A_161 = arith.addi %mul3A_159, %add3A_160 : i32
      %dma_wait3A_162 = arith.constant 0 : i32
      %dma_wait3A_163 = arith.constant 0 : i32
      %dma_wait3A_164 = tpu.memref_slice %arg2[%dma_wait3A_162, %dma_wait3A_163] : memref<10240x128xf32, #tpu.memory_space<hbm>> -> memref<10240x128xf32, #tpu.memory_space<hbm>>
      tpu.wait_indirect_dma semaphore(%arg15 : memref<!tpu.dma_semaphore, #tpu.memory_space<semaphore_mem>>) src(%dma_wait3A_164 : memref<10240x128xf32, #tpu.memory_space<hbm>>) dst(%arg12 : memref<64x128xf32, #tpu.memory_space<vmem>>)
      "tpu.region"() ({
        %run_scoped3A = tpu.sem_alloc : memref<!tpu.dma_semaphore, #tpu.memory_space<semaphore_mem>>
        %dma_start3A_172 = arith.constant 0 : i32
        %dma_start3A_173 = arith.constant 0 : i32
        %dma_start3A_174 = tpu.memref_slice %arg13[%dma_start3A_172, %dma_start3A_173] : memref<10240x128xf32, #tpu.memory_space<vmem_shared>> -> memref<10240x128xf32, #tpu.memory_space<vmem_shared>>
        tpu.enqueue_indirect_dma source(%arg12 : memref<64x128xf32, #tpu.memory_space<vmem>>) target(%dma_start3A_174 : memref<10240x128xf32, #tpu.memory_space<vmem_shared>>) offsets(%arg10 : memref<64xi32, #tpu.memory_space<vmem>>) semaphore(%run_scoped3A : memref<!tpu.dma_semaphore, #tpu.memory_space<semaphore_mem>>) {add = true}
        %dma_wait3A_175 = arith.constant 0 : i32
        %dma_wait3A_176 = arith.constant 0 : i32
        %dma_wait3A_177 = tpu.memref_slice %arg13[%dma_wait3A_175, %dma_wait3A_176] : memref<10240x128xf32, #tpu.memory_space<vmem_shared>> -> memref<10240x128xf32, #tpu.memory_space<vmem_shared>>
        tpu.wait_indirect_dma semaphore(%run_scoped3A : memref<!tpu.dma_semaphore, #tpu.memory_space<semaphore_mem>>) src(%arg12 : memref<64x128xf32, #tpu.memory_space<vmem>>) dst(%dma_wait3A_177 : memref<10240x128xf32, #tpu.memory_space<vmem_shared>>)
        tpu.yield
      }) : () -> ()
      %add3A_165 = arith.constant 2 : i32
      %add3A_166 = arith.addi %add3A_161, %add3A_165 : i32
      %lt3A_167 = arith.constant 160 : i32
      %lt3A_168 = arith.cmpi slt, %add3A_166, %lt3A_167 : i32
      %convert_element_type3A_169 = arith.extui %lt3A_168 : i1 to i32
      %cond3A_170 = arith.constant 0 : i32
      %cond3A_171 = arith.cmpi ne, %convert_element_type3A_169, %cond3A_170 : i32
      scf.if %cond3A_171 {
        %get3A_172 = arith.index_cast %add3A_166 : i32 to index
        %get3A_173 = arith.constant 0 : index
        %get3A_174 = tpu.vector_load %arg6[%get3A_172, %get3A_173] {strides = array<i32>} : memref<160x64xi32, #tpu.memory_space<vmem>>, vector<1x16xi32>,
        %get3A_175 = vector.shape_cast %get3A_174 : vector<1x16xi32> to vector<16xi32>
        %and3A_176 = arith.andi %get3A_175, %broadcast_in_dim3A_3 : vector<16xi32>
        %swap3A_177 = arith.constant 0 : index
        %swap3A_178 = tpu.vector_load %arg8[%swap3A_177] {strides = array<i32>} : memref<64xi32, #tpu.memory_space<vmem>>, vector<16xi32>,
        %swap3A_179 = vector.shape_cast %swap3A_178 : vector<16xi32> to vector<16xi32>
        %swap3A_180 = vector.shape_cast %and3A_176 : vector<16xi32> to vector<16xi32>
        tpu.vector_store %arg8[%swap3A_177], %swap3A_180 {strides = array<i32>} : memref<64xi32, #tpu.memory_space<vmem>>, vector<16xi32>,
        %shift_right_logical3A_181 = arith.constant 16 : i32
        %shift_right_logical3A_182 = vector.broadcast %shift_right_logical3A_181 : i32 to vector<16xi32>
        %shift_right_logical3A_183 = arith.shrui %get3A_175, %shift_right_logical3A_182 : vector<16xi32>
        %swap3A_184 = arith.constant 0 : index
        %swap3A_185 = tpu.vector_load %arg10[%swap3A_184] {strides = array<i32>} : memref<64xi32, #tpu.memory_space<vmem>>, vector<16xi32>,
        %swap3A_186 = vector.shape_cast %swap3A_185 : vector<16xi32> to vector<16xi32>
        %swap3A_187 = vector.shape_cast %shift_right_logical3A_183 : vector<16xi32> to vector<16xi32>
        tpu.vector_store %arg10[%swap3A_184], %swap3A_187 {strides = array<i32>} : memref<64xi32, #tpu.memory_space<vmem>>, vector<16xi32>,
        %get3A_188 = arith.index_cast %add3A_166 : i32 to index
        %get3A_189 = arith.constant 16 : index
        %get3A_190 = tpu.vector_load %arg6[%get3A_188, %get3A_189] {strides = array<i32>} : memref<160x64xi32, #tpu.memory_space<vmem>>, vector<1x16xi32>,
        %get3A_191 = vector.shape_cast %get3A_190 : vector<1x16xi32> to vector<16xi32>
        %and3A_192 = arith.andi %get3A_191, %broadcast_in_dim3A_3 : vector<16xi32>
        %swap3A_193 = arith.constant 16 : index
        %swap3A_194 = tpu.vector_load %arg8[%swap3A_193] {strides = array<i32>} : memref<64xi32, #tpu.memory_space<vmem>>, vector<16xi32>,
        %swap3A_195 = vector.shape_cast %swap3A_194 : vector<16xi32> to vector<16xi32>
        %swap3A_196 = vector.shape_cast %and3A_192 : vector<16xi32> to vector<16xi32>
        tpu.vector_store %arg8[%swap3A_193], %swap3A_196 {strides = array<i32>} : memref<64xi32, #tpu.memory_space<vmem>>, vector<16xi32>,
        %shift_right_logical3A_197 = arith.constant 16 : i32
        %shift_right_logical3A_198 = vector.broadcast %shift_right_logical3A_197 : i32 to vector<16xi32>
        %shift_right_logical3A_199 = arith.shrui %get3A_191, %shift_right_logical3A_198 : vector<16xi32>
        %swap3A_200 = arith.constant 16 : index
        %swap3A_201 = tpu.vector_load %arg10[%swap3A_200] {strides = array<i32>} : memref<64xi32, #tpu.memory_space<vmem>>, vector<16xi32>,
        %swap3A_202 = vector.shape_cast %swap3A_201 : vector<16xi32> to vector<16xi32>
        %swap3A_203 = vector.shape_cast %shift_right_logical3A_199 : vector<16xi32> to vector<16xi32>
        tpu.vector_store %arg10[%swap3A_200], %swap3A_203 {strides = array<i32>} : memref<64xi32, #tpu.memory_space<vmem>>, vector<16xi32>,
        %get3A_204 = arith.index_cast %add3A_166 : i32 to index
        %get3A_205 = arith.constant 32 : index
        %get3A_206 = tpu.vector_load %arg6[%get3A_204, %get3A_205] {strides = array<i32>} : memref<160x64xi32, #tpu.memory_space<vmem>>, vector<1x16xi32>,
        %get3A_207 = vector.shape_cast %get3A_206 : vector<1x16xi32> to vector<16xi32>
        %and3A_208 = arith.andi %get3A_207, %broadcast_in_dim3A_3 : vector<16xi32>
        %swap3A_209 = arith.constant 32 : index
        %swap3A_210 = tpu.vector_load %arg8[%swap3A_209] {strides = array<i32>} : memref<64xi32, #tpu.memory_space<vmem>>, vector<16xi32>,
        %swap3A_211 = vector.shape_cast %swap3A_210 : vector<16xi32> to vector<16xi32>
        %swap3A_212 = vector.shape_cast %and3A_208 : vector<16xi32> to vector<16xi32>
        tpu.vector_store %arg8[%swap3A_209], %swap3A_212 {strides = array<i32>} : memref<64xi32, #tpu.memory_space<vmem>>, vector<16xi32>,
        %shift_right_logical3A_213 = arith.constant 16 : i32
        %shift_right_logical3A_214 = vector.broadcast %shift_right_logical3A_213 : i32 to vector<16xi32>
        %shift_right_logical3A_215 = arith.shrui %get3A_207, %shift_right_logical3A_214 : vector<16xi32>
        %swap3A_216 = arith.constant 32 : index
        %swap3A_217 = tpu.vector_load %arg10[%swap3A_216] {strides = array<i32>} : memref<64xi32, #tpu.memory_space<vmem>>, vector<16xi32>,
        %swap3A_218 = vector.shape_cast %swap3A_217 : vector<16xi32> to vector<16xi32>
        %swap3A_219 = vector.shape_cast %shift_right_logical3A_215 : vector<16xi32> to vector<16xi32>
        tpu.vector_store %arg10[%swap3A_216], %swap3A_219 {strides = array<i32>} : memref<64xi32, #tpu.memory_space<vmem>>, vector<16xi32>,
        %get3A_220 = arith.index_cast %add3A_166 : i32 to index
        %get3A_221 = arith.constant 48 : index
        %get3A_222 = tpu.vector_load %arg6[%get3A_220, %get3A_221] {strides = array<i32>} : memref<160x64xi32, #tpu.memory_space<vmem>>, vector<1x16xi32>,
        %get3A_223 = vector.shape_cast %get3A_222 : vector<1x16xi32> to vector<16xi32>
        %and3A_224 = arith.andi %get3A_223, %broadcast_in_dim3A_3 : vector<16xi32>
        %swap3A_225 = arith.constant 48 : index
        %swap3A_226 = tpu.vector_load %arg8[%swap3A_225] {strides = array<i32>} : memref<64xi32, #tpu.memory_space<vmem>>, vector<16xi32>,
        %swap3A_227 = vector.shape_cast %swap3A_226 : vector<16xi32> to vector<16xi32>
        %swap3A_228 = vector.shape_cast %and3A_224 : vector<16xi32> to vector<16xi32>
        tpu.vector_store %arg8[%swap3A_225], %swap3A_228 {strides = array<i32>} : memref<64xi32, #tpu.memory_space<vmem>>, vector<16xi32>,
        %shift_right_logical3A_229 = arith.constant 16 : i32
        %shift_right_logical3A_230 = vector.broadcast %shift_right_logical3A_229 : i32 to vector<16xi32>
        %shift_right_logical3A_231 = arith.shrui %get3A_223, %shift_right_logical3A_230 : vector<16xi32>
        %swap3A_232 = arith.constant 48 : index
        %swap3A_233 = tpu.vector_load %arg10[%swap3A_232] {strides = array<i32>} : memref<64xi32, #tpu.memory_space<vmem>>, vector<16xi32>,
        %swap3A_234 = vector.shape_cast %swap3A_233 : vector<16xi32> to vector<16xi32>
        %swap3A_235 = vector.shape_cast %shift_right_logical3A_231 : vector<16xi32> to vector<16xi32>
        tpu.vector_store %arg10[%swap3A_232], %swap3A_235 {strides = array<i32>} : memref<64xi32, #tpu.memory_space<vmem>>, vector<16xi32>,
        %dma_start3A_236 = arith.constant 0 : i32
        %dma_start3A_237 = arith.constant 0 : i32
        %dma_start3A_238 = tpu.memref_slice %arg2[%dma_start3A_236, %dma_start3A_237] : memref<10240x128xf32, #tpu.memory_space<hbm>> -> memref<10240x128xf32, #tpu.memory_space<hbm>>
        tpu.enqueue_indirect_dma source(%dma_start3A_238 : memref<10240x128xf32, #tpu.memory_space<hbm>>) target(%arg12 : memref<64x128xf32, #tpu.memory_space<vmem>>) offsets(%arg8 : memref<64xi32, #tpu.memory_space<vmem>>) semaphore(%arg15 : memref<!tpu.dma_semaphore, #tpu.memory_space<semaphore_mem>>)
      } else {
      }
    }
    %scan3A_145 = arith.constant 80 : i32
    %barrier3A_146 = arith.constant 0 : index
    tpu.barrier barrier_id(%barrier3A_146)
    "tpu.region"() ({
      %run_scoped3A = tpu.sem_alloc : memref<!tpu.dma_semaphore, #tpu.memory_space<semaphore_mem>>
      %dma_start3A_147 = arith.constant 0 : i32
      %dma_start3A_148 = tpu.memref_slice %arg5[%arg0, %mul3A_2, %dma_start3A_147] : memref<2x10240x128xf32, #tpu.memory_space<hbm>> -> memref<1x640x128xf32, #tpu.memory_space<hbm>>
      %dma_start3A_149 = tpu.memref_squeeze %dma_start3A_148 : memref<1x640x128xf32, #tpu.memory_space<hbm>> -> memref<640x128xf32, #tpu.memory_space<hbm>>
      %dma_start3A_150 = arith.constant 0 : i32
      %dma_start3A_151 = tpu.memref_slice %arg13[%mul3A_2, %dma_start3A_150] : memref<10240x128xf32, #tpu.memory_space<vmem_shared>> -> memref<640x128xf32, #tpu.memory_space<vmem_shared>>
      tpu.enqueue_dma source(%dma_start3A_151 : memref<640x128xf32, #tpu.memory_space<vmem_shared>>) target(%dma_start3A_149 : memref<640x128xf32, #tpu.memory_space<hbm>>) target_semaphore(%run_scoped3A : memref<!tpu.dma_semaphore, #tpu.memory_space<semaphore_mem>>)
      %dma_wait3A = arith.constant 0 : i32
      %dma_wait3A_152 = tpu.memref_slice %arg5[%arg0, %mul3A_2, %dma_wait3A] : memref<2x10240x128xf32, #tpu.memory_space<hbm>> -> memref<1x640x128xf32, #tpu.memory_space<hbm>>
      %dma_wait3A_153 = tpu.memref_squeeze %dma_wait3A_152 : memref<1x640x128xf32, #tpu.memory_space<hbm>> -> memref<640x128xf32, #tpu.memory_space<hbm>>
      %dma_wait3A_154 = arith.constant 0 : i32
      %dma_wait3A_155 = tpu.memref_slice %arg13[%mul3A_2, %dma_wait3A_154] : memref<10240x128xf32, #tpu.memory_space<vmem_shared>> -> memref<640x128xf32, #tpu.memory_space<vmem_shared>>
      tpu.wait_dma2 semaphore(%run_scoped3A : memref<!tpu.dma_semaphore, #tpu.memory_space<semaphore_mem>>) src(%dma_wait3A_155 : memref<640x128xf32, #tpu.memory_space<vmem_shared>>) dst(%dma_wait3A_153 : memref<640x128xf32, #tpu.memory_space<hbm>>)
      tpu.yield
    }) : () -> ()
    return
  }
}

#map = affine_map<(d0, d1) -> (0, 0)>
#map1 = affine_map<(d0, d1) -> (0, 0, 0)>
module attributes {stable_mosaic.version = 14 : i64} {
  func.func @_sc_scatter_body(%arg0: i32, %arg1: i32, %arg2: memref<10240x128xf32, #tpu.memory_space<hbm>>, %arg3: memref<32x160x64xi32, #tpu.memory_space<hbm>>, %arg4: memref<640x128xf32, #tpu.memory_space<hbm>>, %arg5: memref<2x10240x128xf32, #tpu.memory_space<hbm>>, %arg6: memref<160x64xi32, #tpu.memory_space<vmem>>, %arg7: memref<64xi32, #tpu.memory_space<vmem>>, %arg8: memref<64xi32, #tpu.memory_space<vmem>>, %arg9: memref<64xi32, #tpu.memory_space<vmem>>, %arg10: memref<64xi32, #tpu.memory_space<vmem>>, %arg11: memref<64x128xf32, #tpu.memory_space<vmem>>, %arg12: memref<64x128xf32, #tpu.memory_space<vmem>>, %arg13: memref<10240x128xf32, #tpu.memory_space<vmem_shared>>, %arg14: memref<!tpu.dma_semaphore, #tpu.memory_space<semaphore_mem>>, %arg15: memref<!tpu.dma_semaphore, #tpu.memory_space<semaphore_mem>>) attributes {dimension_semantics = [#tpu.dimension_semantics<core_parallel>, #tpu.dimension_semantics<subcore_parallel>], iteration_bounds = array<i64: 2, 16>, scalar_prefetch = 0 : i64, scratch_operands = 10 : i64, tpu.core_type = #tpu.core_type<sc_vector_subcore>, window_params = [{transform_indices = #map}, {transform_indices = #map1}, {transform_indices = #map}, {transform_indices = #map1}]} {
    %mul3A = arith.constant 16 : i32
    %mul3A_0 = arith.muli %arg0, %mul3A : i32
    %add3A = arith.addi %mul3A_0, %arg1 : i32
    %mul3A_1 = arith.constant 640 : i32
    %mul3A_2 = arith.muli %arg1, %mul3A_1 : i32
    "tpu.region"() ({
      %run_scoped3A = tpu.sem_alloc : memref<!tpu.dma_semaphore, #tpu.memory_space<semaphore_mem>>
      %dma_start3A_147 = arith.constant 0 : i32
      %dma_start3A_148 = arith.constant 0 : i32
      %dma_start3A_149 = tpu.memref_slice %arg3[%add3A, %dma_start3A_147, %dma_start3A_148] : memref<32x160x64xi32, #tpu.memory_space<hbm>> -> memref<1x160x64xi32, #tpu.memory_space<hbm>>
      %dma_start3A_150 = tpu.memref_squeeze %dma_start3A_149 : memref<1x160x64xi32, #tpu.memory_space<hbm>> -> memref<160x64xi32, #tpu.memory_space<hbm>>
      %dma_start3A_151 = arith.constant 0 : i32
      %dma_start3A_152 = arith.constant 0 : i32
      %dma_start3A_153 = tpu.memref_slice %arg3[%add3A, %dma_start3A_151, %dma_start3A_152] : memref<32x160x64xi32, #tpu.memory_space<hbm>> -> memref<1x160x64xi32, #tpu.memory_space<hbm>>
      %dma_start3A_154 = tpu.memref_squeeze %dma_start3A_153 : memref<1x160x64xi32, #tpu.memory_space<hbm>> -> memref<160x64xi32, #tpu.memory_space<hbm>>
      tpu.enqueue_dma source(%dma_start3A_154 : memref<160x64xi32, #tpu.memory_space<hbm>>) target(%arg6 : memref<160x64xi32, #tpu.memory_space<vmem>>) target_semaphore(%run_scoped3A : memref<!tpu.dma_semaphore, #tpu.memory_space<semaphore_mem>>)
      %dma_wait3A = arith.constant 0 : i32
      %dma_wait3A_155 = arith.constant 0 : i32
      %dma_wait3A_156 = tpu.memref_slice %arg3[%add3A, %dma_wait3A, %dma_wait3A_155] : memref<32x160x64xi32, #tpu.memory_space<hbm>> -> memref<1x160x64xi32, #tpu.memory_space<hbm>>
      %dma_wait3A_157 = tpu.memref_squeeze %dma_wait3A_156 : memref<1x160x64xi32, #tpu.memory_space<hbm>> -> memref<160x64xi32, #tpu.memory_space<hbm>>
      %dma_wait3A_158 = arith.constant 0 : i32
      %dma_wait3A_159 = arith.constant 0 : i32
      %dma_wait3A_160 = tpu.memref_slice %arg3[%add3A, %dma_wait3A_158, %dma_wait3A_159] : memref<32x160x64xi32, #tpu.memory_space<hbm>> -> memref<1x160x64xi32, #tpu.memory_space<hbm>>
      %dma_wait3A_161 = tpu.memref_squeeze %dma_wait3A_160 : memref<1x160x64xi32, #tpu.memory_space<hbm>> -> memref<160x64xi32, #tpu.memory_space<hbm>>
      tpu.wait_dma2 semaphore(%run_scoped3A : memref<!tpu.dma_semaphore, #tpu.memory_space<semaphore_mem>>) src(%dma_wait3A_161 : memref<160x64xi32, #tpu.memory_space<hbm>>) dst(%arg6 : memref<160x64xi32, #tpu.memory_space<vmem>>)
      tpu.yield
    }) : () -> ()
    "tpu.region"() ({
      %run_scoped3A = tpu.sem_alloc : memref<!tpu.dma_semaphore, #tpu.memory_space<semaphore_mem>>
      %dma_start3A_147 = arith.constant 0 : i32
      %dma_start3A_148 = tpu.memref_slice %arg13[%mul3A_2, %dma_start3A_147] : memref<10240x128xf32, #tpu.memory_space<vmem_shared>> -> memref<640x128xf32, #tpu.memory_space<vmem_shared>>
      tpu.enqueue_dma source(%arg4 : memref<640x128xf32, #tpu.memory_space<hbm>>) target(%dma_start3A_148 : memref<640x128xf32, #tpu.memory_space<vmem_shared>>) target_semaphore(%run_scoped3A : memref<!tpu.dma_semaphore, #tpu.memory_space<semaphore_mem>>)
      %dma_wait3A = arith.constant 0 : i32
      %dma_wait3A_149 = tpu.memref_slice %arg13[%mul3A_2, %dma_wait3A] : memref<10240x128xf32, #tpu.memory_space<vmem_shared>> -> memref<640x128xf32, #tpu.memory_space<vmem_shared>>
      tpu.wait_dma2 semaphore(%run_scoped3A : memref<!tpu.dma_semaphore, #tpu.memory_space<semaphore_mem>>) src(%arg4 : memref<640x128xf32, #tpu.memory_space<hbm>>) dst(%dma_wait3A_149 : memref<640x128xf32, #tpu.memory_space<vmem_shared>>)
      tpu.yield
    }) : () -> ()
    %barrier3A = arith.constant 0 : index
    tpu.barrier barrier_id(%barrier3A)
    %broadcast_in_dim3A = arith.constant 65535 : i32
    %broadcast_in_dim3A_3 = vector.broadcast %broadcast_in_dim3A : i32 to vector<16xi32>
    %get3A = arith.constant 0 : i32
    %get3A_4 = arith.index_cast %get3A : i32 to index
    %get3A_5 = arith.constant 0 : index
    %get3A_6 = tpu.vector_load %arg6[%get3A_4, %get3A_5] {strides = array<i32>} : memref<160x64xi32, #tpu.memory_space<vmem>>, vector<1x16xi32>,
    %get3A_7 = vector.shape_cast %get3A_6 : vector<1x16xi32> to vector<16xi32>
    %and3A = arith.andi %get3A_7, %broadcast_in_dim3A_3 : vector<16xi32>
    %swap3A = arith.constant 0 : index
    %swap3A_8 = tpu.vector_load %arg7[%swap3A] {strides = array<i32>} : memref<64xi32, #tpu.memory_space<vmem>>, vector<16xi32>,
    %swap3A_9 = vector.shape_cast %swap3A_8 : vector<16xi32> to vector<16xi32>
    %swap3A_10 = vector.shape_cast %and3A : vector<16xi32> to vector<16xi32>
    tpu.vector_store %arg7[%swap3A], %swap3A_10 {strides = array<i32>} : memref<64xi32, #tpu.memory_space<vmem>>, vector<16xi32>,
    %shift_right_logical3A = arith.constant 16 : i32
    %shift_right_logical3A_11 = vector.broadcast %shift_right_logical3A : i32 to vector<16xi32>
    %shift_right_logical3A_12 = arith.shrui %get3A_7, %shift_right_logical3A_11 : vector<16xi32>
    %swap3A_13 = arith.constant 0 : index
    %swap3A_14 = tpu.vector_load %arg9[%swap3A_13] {strides = array<i32>} : memref<64xi32, #tpu.memory_space<vmem>>, vector<16xi32>,
    %swap3A_15 = vector.shape_cast %swap3A_14 : vector<16xi32> to vector<16xi32>
    %swap3A_16 = vector.shape_cast %shift_right_logical3A_12 : vector<16xi32> to vector<16xi32>
    tpu.vector_store %arg9[%swap3A_13], %swap3A_16 {strides = array<i32>} : memref<64xi32, #tpu.memory_space<vmem>>, vector<16xi32>,
    %get3A_17 = arith.constant 0 : i32
    %get3A_18 = arith.index_cast %get3A_17 : i32 to index
    %get3A_19 = arith.constant 16 : index
    %get3A_20 = tpu.vector_load %arg6[%get3A_18, %get3A_19] {strides = array<i32>} : memref<160x64xi32, #tpu.memory_space<vmem>>, vector<1x16xi32>,
    %get3A_21 = vector.shape_cast %get3A_20 : vector<1x16xi32> to vector<16xi32>
    %and3A_22 = arith.andi %get3A_21, %broadcast_in_dim3A_3 : vector<16xi32>
    %swap3A_23 = arith.constant 16 : index
    %swap3A_24 = tpu.vector_load %arg7[%swap3A_23] {strides = array<i32>} : memref<64xi32, #tpu.memory_space<vmem>>, vector<16xi32>,
    %swap3A_25 = vector.shape_cast %swap3A_24 : vector<16xi32> to vector<16xi32>
    %swap3A_26 = vector.shape_cast %and3A_22 : vector<16xi32> to vector<16xi32>
    tpu.vector_store %arg7[%swap3A_23], %swap3A_26 {strides = array<i32>} : memref<64xi32, #tpu.memory_space<vmem>>, vector<16xi32>,
    %shift_right_logical3A_27 = arith.constant 16 : i32
    %shift_right_logical3A_28 = vector.broadcast %shift_right_logical3A_27 : i32 to vector<16xi32>
    %shift_right_logical3A_29 = arith.shrui %get3A_21, %shift_right_logical3A_28 : vector<16xi32>
    %swap3A_30 = arith.constant 16 : index
    %swap3A_31 = tpu.vector_load %arg9[%swap3A_30] {strides = array<i32>} : memref<64xi32, #tpu.memory_space<vmem>>, vector<16xi32>,
    %swap3A_32 = vector.shape_cast %swap3A_31 : vector<16xi32> to vector<16xi32>
    %swap3A_33 = vector.shape_cast %shift_right_logical3A_29 : vector<16xi32> to vector<16xi32>
    tpu.vector_store %arg9[%swap3A_30], %swap3A_33 {strides = array<i32>} : memref<64xi32, #tpu.memory_space<vmem>>, vector<16xi32>,
    %get3A_34 = arith.constant 0 : i32
    %get3A_35 = arith.index_cast %get3A_34 : i32 to index
    %get3A_36 = arith.constant 32 : index
    %get3A_37 = tpu.vector_load %arg6[%get3A_35, %get3A_36] {strides = array<i32>} : memref<160x64xi32, #tpu.memory_space<vmem>>, vector<1x16xi32>,
    %get3A_38 = vector.shape_cast %get3A_37 : vector<1x16xi32> to vector<16xi32>
    %and3A_39 = arith.andi %get3A_38, %broadcast_in_dim3A_3 : vector<16xi32>
    %swap3A_40 = arith.constant 32 : index
    %swap3A_41 = tpu.vector_load %arg7[%swap3A_40] {strides = array<i32>} : memref<64xi32, #tpu.memory_space<vmem>>, vector<16xi32>,
    %swap3A_42 = vector.shape_cast %swap3A_41 : vector<16xi32> to vector<16xi32>
    %swap3A_43 = vector.shape_cast %and3A_39 : vector<16xi32> to vector<16xi32>
    tpu.vector_store %arg7[%swap3A_40], %swap3A_43 {strides = array<i32>} : memref<64xi32, #tpu.memory_space<vmem>>, vector<16xi32>,
    %shift_right_logical3A_44 = arith.constant 16 : i32
    %shift_right_logical3A_45 = vector.broadcast %shift_right_logical3A_44 : i32 to vector<16xi32>
    %shift_right_logical3A_46 = arith.shrui %get3A_38, %shift_right_logical3A_45 : vector<16xi32>
    %swap3A_47 = arith.constant 32 : index
    %swap3A_48 = tpu.vector_load %arg9[%swap3A_47] {strides = array<i32>} : memref<64xi32, #tpu.memory_space<vmem>>, vector<16xi32>,
    %swap3A_49 = vector.shape_cast %swap3A_48 : vector<16xi32> to vector<16xi32>
    %swap3A_50 = vector.shape_cast %shift_right_logical3A_46 : vector<16xi32> to vector<16xi32>
    tpu.vector_store %arg9[%swap3A_47], %swap3A_50 {strides = array<i32>} : memref<64xi32, #tpu.memory_space<vmem>>, vector<16xi32>,
    %get3A_51 = arith.constant 0 : i32
    %get3A_52 = arith.index_cast %get3A_51 : i32 to index
    %get3A_53 = arith.constant 48 : index
    %get3A_54 = tpu.vector_load %arg6[%get3A_52, %get3A_53] {strides = array<i32>} : memref<160x64xi32, #tpu.memory_space<vmem>>, vector<1x16xi32>,
    %get3A_55 = vector.shape_cast %get3A_54 : vector<1x16xi32> to vector<16xi32>
    %and3A_56 = arith.andi %get3A_55, %broadcast_in_dim3A_3 : vector<16xi32>
    %swap3A_57 = arith.constant 48 : index
    %swap3A_58 = tpu.vector_load %arg7[%swap3A_57] {strides = array<i32>} : memref<64xi32, #tpu.memory_space<vmem>>, vector<16xi32>,
    %swap3A_59 = vector.shape_cast %swap3A_58 : vector<16xi32> to vector<16xi32>
    %swap3A_60 = vector.shape_cast %and3A_56 : vector<16xi32> to vector<16xi32>
    tpu.vector_store %arg7[%swap3A_57], %swap3A_60 {strides = array<i32>} : memref<64xi32, #tpu.memory_space<vmem>>, vector<16xi32>,
    %shift_right_logical3A_61 = arith.constant 16 : i32
    %shift_right_logical3A_62 = vector.broadcast %shift_right_logical3A_61 : i32 to vector<16xi32>
    %shift_right_logical3A_63 = arith.shrui %get3A_55, %shift_right_logical3A_62 : vector<16xi32>
    %swap3A_64 = arith.constant 48 : index
    %swap3A_65 = tpu.vector_load %arg9[%swap3A_64] {strides = array<i32>} : memref<64xi32, #tpu.memory_space<vmem>>, vector<16xi32>,
    %swap3A_66 = vector.shape_cast %swap3A_65 : vector<16xi32> to vector<16xi32>
    %swap3A_67 = vector.shape_cast %shift_right_logical3A_63 : vector<16xi32> to vector<16xi32>
    tpu.vector_store %arg9[%swap3A_64], %swap3A_67 {strides = array<i32>} : memref<64xi32, #tpu.memory_space<vmem>>, vector<16xi32>,
    %dma_start3A = arith.constant 0 : i32
    %dma_start3A_68 = arith.constant 0 : i32
    %dma_start3A_69 = tpu.memref_slice %arg2[%dma_start3A, %dma_start3A_68] : memref<10240x128xf32, #tpu.memory_space<hbm>> -> memref<10240x128xf32, #tpu.memory_space<hbm>>
    tpu.enqueue_indirect_dma source(%dma_start3A_69 : memref<10240x128xf32, #tpu.memory_space<hbm>>) target(%arg11 : memref<64x128xf32, #tpu.memory_space<vmem>>) offsets(%arg7 : memref<64xi32, #tpu.memory_space<vmem>>) semaphore(%arg14 : memref<!tpu.dma_semaphore, #tpu.memory_space<semaphore_mem>>)
    %get3A_70 = arith.constant 1 : i32
    %get3A_71 = arith.index_cast %get3A_70 : i32 to index
    %get3A_72 = arith.constant 0 : index
    %get3A_73 = tpu.vector_load %arg6[%get3A_71, %get3A_72] {strides = array<i32>} : memref<160x64xi32, #tpu.memory_space<vmem>>, vector<1x16xi32>,
    %get3A_74 = vector.shape_cast %get3A_73 : vector<1x16xi32> to vector<16xi32>
    %and3A_75 = arith.andi %get3A_74, %broadcast_in_dim3A_3 : vector<16xi32>
    %swap3A_76 = arith.constant 0 : index
    %swap3A_77 = tpu.vector_load %arg8[%swap3A_76] {strides = array<i32>} : memref<64xi32, #tpu.memory_space<vmem>>, vector<16xi32>,
    %swap3A_78 = vector.shape_cast %swap3A_77 : vector<16xi32> to vector<16xi32>
    %swap3A_79 = vector.shape_cast %and3A_75 : vector<16xi32> to vector<16xi32>
    tpu.vector_store %arg8[%swap3A_76], %swap3A_79 {strides = array<i32>} : memref<64xi32, #tpu.memory_space<vmem>>, vector<16xi32>,
    %shift_right_logical3A_80 = arith.constant 16 : i32
    %shift_right_logical3A_81 = vector.broadcast %shift_right_logical3A_80 : i32 to vector<16xi32>
    %shift_right_logical3A_82 = arith.shrui %get3A_74, %shift_right_logical3A_81 : vector<16xi32>
    %swap3A_83 = arith.constant 0 : index
    %swap3A_84 = tpu.vector_load %arg10[%swap3A_83] {strides = array<i32>} : memref<64xi32, #tpu.memory_space<vmem>>, vector<16xi32>,
    %swap3A_85 = vector.shape_cast %swap3A_84 : vector<16xi32> to vector<16xi32>
    %swap3A_86 = vector.shape_cast %shift_right_logical3A_82 : vector<16xi32> to vector<16xi32>
    tpu.vector_store %arg10[%swap3A_83], %swap3A_86 {strides = array<i32>} : memref<64xi32, #tpu.memory_space<vmem>>, vector<16xi32>,
    %get3A_87 = arith.constant 1 : i32
    %get3A_88 = arith.index_cast %get3A_87 : i32 to index
    %get3A_89 = arith.constant 16 : index
    %get3A_90 = tpu.vector_load %arg6[%get3A_88, %get3A_89] {strides = array<i32>} : memref<160x64xi32, #tpu.memory_space<vmem>>, vector<1x16xi32>,
    %get3A_91 = vector.shape_cast %get3A_90 : vector<1x16xi32> to vector<16xi32>
    %and3A_92 = arith.andi %get3A_91, %broadcast_in_dim3A_3 : vector<16xi32>
    %swap3A_93 = arith.constant 16 : index
    %swap3A_94 = tpu.vector_load %arg8[%swap3A_93] {strides = array<i32>} : memref<64xi32, #tpu.memory_space<vmem>>, vector<16xi32>,
    %swap3A_95 = vector.shape_cast %swap3A_94 : vector<16xi32> to vector<16xi32>
    %swap3A_96 = vector.shape_cast %and3A_92 : vector<16xi32> to vector<16xi32>
    tpu.vector_store %arg8[%swap3A_93], %swap3A_96 {strides = array<i32>} : memref<64xi32, #tpu.memory_space<vmem>>, vector<16xi32>,
    %shift_right_logical3A_97 = arith.constant 16 : i32
    %shift_right_logical3A_98 = vector.broadcast %shift_right_logical3A_97 : i32 to vector<16xi32>
    %shift_right_logical3A_99 = arith.shrui %get3A_91, %shift_right_logical3A_98 : vector<16xi32>
    %swap3A_100 = arith.constant 16 : index
    %swap3A_101 = tpu.vector_load %arg10[%swap3A_100] {strides = array<i32>} : memref<64xi32, #tpu.memory_space<vmem>>, vector<16xi32>,
    %swap3A_102 = vector.shape_cast %swap3A_101 : vector<16xi32> to vector<16xi32>
    %swap3A_103 = vector.shape_cast %shift_right_logical3A_99 : vector<16xi32> to vector<16xi32>
    tpu.vector_store %arg10[%swap3A_100], %swap3A_103 {strides = array<i32>} : memref<64xi32, #tpu.memory_space<vmem>>, vector<16xi32>,
    %get3A_104 = arith.constant 1 : i32
    %get3A_105 = arith.index_cast %get3A_104 : i32 to index
    %get3A_106 = arith.constant 32 : index
    %get3A_107 = tpu.vector_load %arg6[%get3A_105, %get3A_106] {strides = array<i32>} : memref<160x64xi32, #tpu.memory_space<vmem>>, vector<1x16xi32>,
    %get3A_108 = vector.shape_cast %get3A_107 : vector<1x16xi32> to vector<16xi32>
    %and3A_109 = arith.andi %get3A_108, %broadcast_in_dim3A_3 : vector<16xi32>
    %swap3A_110 = arith.constant 32 : index
    %swap3A_111 = tpu.vector_load %arg8[%swap3A_110] {strides = array<i32>} : memref<64xi32, #tpu.memory_space<vmem>>, vector<16xi32>,
    %swap3A_112 = vector.shape_cast %swap3A_111 : vector<16xi32> to vector<16xi32>
    %swap3A_113 = vector.shape_cast %and3A_109 : vector<16xi32> to vector<16xi32>
    tpu.vector_store %arg8[%swap3A_110], %swap3A_113 {strides = array<i32>} : memref<64xi32, #tpu.memory_space<vmem>>, vector<16xi32>,
    %shift_right_logical3A_114 = arith.constant 16 : i32
    %shift_right_logical3A_115 = vector.broadcast %shift_right_logical3A_114 : i32 to vector<16xi32>
    %shift_right_logical3A_116 = arith.shrui %get3A_108, %shift_right_logical3A_115 : vector<16xi32>
    %swap3A_117 = arith.constant 32 : index
    %swap3A_118 = tpu.vector_load %arg10[%swap3A_117] {strides = array<i32>} : memref<64xi32, #tpu.memory_space<vmem>>, vector<16xi32>,
    %swap3A_119 = vector.shape_cast %swap3A_118 : vector<16xi32> to vector<16xi32>
    %swap3A_120 = vector.shape_cast %shift_right_logical3A_116 : vector<16xi32> to vector<16xi32>
    tpu.vector_store %arg10[%swap3A_117], %swap3A_120 {strides = array<i32>} : memref<64xi32, #tpu.memory_space<vmem>>, vector<16xi32>,
    %get3A_121 = arith.constant 1 : i32
    %get3A_122 = arith.index_cast %get3A_121 : i32 to index
    %get3A_123 = arith.constant 48 : index
    %get3A_124 = tpu.vector_load %arg6[%get3A_122, %get3A_123] {strides = array<i32>} : memref<160x64xi32, #tpu.memory_space<vmem>>, vector<1x16xi32>,
    %get3A_125 = vector.shape_cast %get3A_124 : vector<1x16xi32> to vector<16xi32>
    %and3A_126 = arith.andi %get3A_125, %broadcast_in_dim3A_3 : vector<16xi32>
    %swap3A_127 = arith.constant 48 : index
    %swap3A_128 = tpu.vector_load %arg8[%swap3A_127] {strides = array<i32>} : memref<64xi32, #tpu.memory_space<vmem>>, vector<16xi32>,
    %swap3A_129 = vector.shape_cast %swap3A_128 : vector<16xi32> to vector<16xi32>
    %swap3A_130 = vector.shape_cast %and3A_126 : vector<16xi32> to vector<16xi32>
    tpu.vector_store %arg8[%swap3A_127], %swap3A_130 {strides = array<i32>} : memref<64xi32, #tpu.memory_space<vmem>>, vector<16xi32>,
    %shift_right_logical3A_131 = arith.constant 16 : i32
    %shift_right_logical3A_132 = vector.broadcast %shift_right_logical3A_131 : i32 to vector<16xi32>
    %shift_right_logical3A_133 = arith.shrui %get3A_125, %shift_right_logical3A_132 : vector<16xi32>
    %swap3A_134 = arith.constant 48 : index
    %swap3A_135 = tpu.vector_load %arg10[%swap3A_134] {strides = array<i32>} : memref<64xi32, #tpu.memory_space<vmem>>, vector<16xi32>,
    %swap3A_136 = vector.shape_cast %swap3A_135 : vector<16xi32> to vector<16xi32>
    %swap3A_137 = vector.shape_cast %shift_right_logical3A_133 : vector<16xi32> to vector<16xi32>
    tpu.vector_store %arg10[%swap3A_134], %swap3A_137 {strides = array<i32>} : memref<64xi32, #tpu.memory_space<vmem>>, vector<16xi32>,
    %dma_start3A_138 = arith.constant 0 : i32
    %dma_start3A_139 = arith.constant 0 : i32
    %dma_start3A_140 = tpu.memref_slice %arg2[%dma_start3A_138, %dma_start3A_139] : memref<10240x128xf32, #tpu.memory_space<hbm>> -> memref<10240x128xf32, #tpu.memory_space<hbm>>
    tpu.enqueue_indirect_dma source(%dma_start3A_140 : memref<10240x128xf32, #tpu.memory_space<hbm>>) target(%arg12 : memref<64x128xf32, #tpu.memory_space<vmem>>) offsets(%arg8 : memref<64xi32, #tpu.memory_space<vmem>>) semaphore(%arg15 : memref<!tpu.dma_semaphore, #tpu.memory_space<semaphore_mem>>)
    %scan3A = arith.constant 0 : i32
    %scan3A_141 = arith.constant 0 : i32
    %scan3A_142 = arith.constant 80 : i32
    %scan3A_143 = arith.addi %scan3A_141, %scan3A_142 : i32
    %scan3A_144 = arith.constant 1 : i32
    scf.for %scan3A_147 = %scan3A_141 to %scan3A_143 step %scan3A_144  : i32 {
      %mul3A_148 = arith.constant 2 : i32
      %mul3A_149 = arith.muli %scan3A_147, %mul3A_148 : i32
      %add3A_150 = arith.constant 0 : i32
      %add3A_151 = arith.addi %mul3A_149, %add3A_150 : i32
      %dma_wait3A = arith.constant 0 : i32
      %dma_wait3A_152 = arith.constant 0 : i32
      %dma_wait3A_153 = tpu.memref_slice %arg2[%dma_wait3A, %dma_wait3A_152] : memref<10240x128xf32, #tpu.memory_space<hbm>> -> memref<10240x128xf32, #tpu.memory_space<hbm>>
      tpu.wait_indirect_dma semaphore(%arg14 : memref<!tpu.dma_semaphore, #tpu.memory_space<semaphore_mem>>) src(%dma_wait3A_153 : memref<10240x128xf32, #tpu.memory_space<hbm>>) dst(%arg11 : memref<64x128xf32, #tpu.memory_space<vmem>>)
      "tpu.region"() ({
        %run_scoped3A = tpu.sem_alloc : memref<!tpu.dma_semaphore, #tpu.memory_space<semaphore_mem>>
        %dma_start3A_172 = arith.constant 0 : i32
        %dma_start3A_173 = arith.constant 0 : i32
        %dma_start3A_174 = tpu.memref_slice %arg13[%dma_start3A_172, %dma_start3A_173] : memref<10240x128xf32, #tpu.memory_space<vmem_shared>> -> memref<10240x128xf32, #tpu.memory_space<vmem_shared>>
        tpu.enqueue_indirect_dma source(%arg11 : memref<64x128xf32, #tpu.memory_space<vmem>>) target(%dma_start3A_174 : memref<10240x128xf32, #tpu.memory_space<vmem_shared>>) offsets(%arg9 : memref<64xi32, #tpu.memory_space<vmem>>) semaphore(%run_scoped3A : memref<!tpu.dma_semaphore, #tpu.memory_space<semaphore_mem>>) {add = true}
        %dma_wait3A_175 = arith.constant 0 : i32
        %dma_wait3A_176 = arith.constant 0 : i32
        %dma_wait3A_177 = tpu.memref_slice %arg13[%dma_wait3A_175, %dma_wait3A_176] : memref<10240x128xf32, #tpu.memory_space<vmem_shared>> -> memref<10240x128xf32, #tpu.memory_space<vmem_shared>>
        tpu.wait_indirect_dma semaphore(%run_scoped3A : memref<!tpu.dma_semaphore, #tpu.memory_space<semaphore_mem>>) src(%arg11 : memref<64x128xf32, #tpu.memory_space<vmem>>) dst(%dma_wait3A_177 : memref<10240x128xf32, #tpu.memory_space<vmem_shared>>)
        tpu.yield
      }) : () -> ()
      %add3A_154 = arith.constant 2 : i32
      %add3A_155 = arith.addi %add3A_151, %add3A_154 : i32
      %lt3A = arith.constant 160 : i32
      %lt3A_156 = arith.cmpi slt, %add3A_155, %lt3A : i32
      %convert_element_type3A = arith.extui %lt3A_156 : i1 to i32
      %cond3A = arith.constant 0 : i32
      %cond3A_157 = arith.cmpi ne, %convert_element_type3A, %cond3A : i32
      scf.if %cond3A_157 {
        %get3A_172 = arith.index_cast %add3A_155 : i32 to index
        %get3A_173 = arith.constant 0 : index
        %get3A_174 = tpu.vector_load %arg6[%get3A_172, %get3A_173] {strides = array<i32>} : memref<160x64xi32, #tpu.memory_space<vmem>>, vector<1x16xi32>,
        %get3A_175 = vector.shape_cast %get3A_174 : vector<1x16xi32> to vector<16xi32>
        %and3A_176 = arith.andi %get3A_175, %broadcast_in_dim3A_3 : vector<16xi32>
        %swap3A_177 = arith.constant 0 : index
        %swap3A_178 = tpu.vector_load %arg7[%swap3A_177] {strides = array<i32>} : memref<64xi32, #tpu.memory_space<vmem>>, vector<16xi32>,
        %swap3A_179 = vector.shape_cast %swap3A_178 : vector<16xi32> to vector<16xi32>
        %swap3A_180 = vector.shape_cast %and3A_176 : vector<16xi32> to vector<16xi32>
        tpu.vector_store %arg7[%swap3A_177], %swap3A_180 {strides = array<i32>} : memref<64xi32, #tpu.memory_space<vmem>>, vector<16xi32>,
        %shift_right_logical3A_181 = arith.constant 16 : i32
        %shift_right_logical3A_182 = vector.broadcast %shift_right_logical3A_181 : i32 to vector<16xi32>
        %shift_right_logical3A_183 = arith.shrui %get3A_175, %shift_right_logical3A_182 : vector<16xi32>
        %swap3A_184 = arith.constant 0 : index
        %swap3A_185 = tpu.vector_load %arg9[%swap3A_184] {strides = array<i32>} : memref<64xi32, #tpu.memory_space<vmem>>, vector<16xi32>,
        %swap3A_186 = vector.shape_cast %swap3A_185 : vector<16xi32> to vector<16xi32>
        %swap3A_187 = vector.shape_cast %shift_right_logical3A_183 : vector<16xi32> to vector<16xi32>
        tpu.vector_store %arg9[%swap3A_184], %swap3A_187 {strides = array<i32>} : memref<64xi32, #tpu.memory_space<vmem>>, vector<16xi32>,
        %get3A_188 = arith.index_cast %add3A_155 : i32 to index
        %get3A_189 = arith.constant 16 : index
        %get3A_190 = tpu.vector_load %arg6[%get3A_188, %get3A_189] {strides = array<i32>} : memref<160x64xi32, #tpu.memory_space<vmem>>, vector<1x16xi32>,
        %get3A_191 = vector.shape_cast %get3A_190 : vector<1x16xi32> to vector<16xi32>
        %and3A_192 = arith.andi %get3A_191, %broadcast_in_dim3A_3 : vector<16xi32>
        %swap3A_193 = arith.constant 16 : index
        %swap3A_194 = tpu.vector_load %arg7[%swap3A_193] {strides = array<i32>} : memref<64xi32, #tpu.memory_space<vmem>>, vector<16xi32>,
        %swap3A_195 = vector.shape_cast %swap3A_194 : vector<16xi32> to vector<16xi32>
        %swap3A_196 = vector.shape_cast %and3A_192 : vector<16xi32> to vector<16xi32>
        tpu.vector_store %arg7[%swap3A_193], %swap3A_196 {strides = array<i32>} : memref<64xi32, #tpu.memory_space<vmem>>, vector<16xi32>,
        %shift_right_logical3A_197 = arith.constant 16 : i32
        %shift_right_logical3A_198 = vector.broadcast %shift_right_logical3A_197 : i32 to vector<16xi32>
        %shift_right_logical3A_199 = arith.shrui %get3A_191, %shift_right_logical3A_198 : vector<16xi32>
        %swap3A_200 = arith.constant 16 : index
        %swap3A_201 = tpu.vector_load %arg9[%swap3A_200] {strides = array<i32>} : memref<64xi32, #tpu.memory_space<vmem>>, vector<16xi32>,
        %swap3A_202 = vector.shape_cast %swap3A_201 : vector<16xi32> to vector<16xi32>
        %swap3A_203 = vector.shape_cast %shift_right_logical3A_199 : vector<16xi32> to vector<16xi32>
        tpu.vector_store %arg9[%swap3A_200], %swap3A_203 {strides = array<i32>} : memref<64xi32, #tpu.memory_space<vmem>>, vector<16xi32>,
        %get3A_204 = arith.index_cast %add3A_155 : i32 to index
        %get3A_205 = arith.constant 32 : index
        %get3A_206 = tpu.vector_load %arg6[%get3A_204, %get3A_205] {strides = array<i32>} : memref<160x64xi32, #tpu.memory_space<vmem>>, vector<1x16xi32>,
        %get3A_207 = vector.shape_cast %get3A_206 : vector<1x16xi32> to vector<16xi32>
        %and3A_208 = arith.andi %get3A_207, %broadcast_in_dim3A_3 : vector<16xi32>
        %swap3A_209 = arith.constant 32 : index
        %swap3A_210 = tpu.vector_load %arg7[%swap3A_209] {strides = array<i32>} : memref<64xi32, #tpu.memory_space<vmem>>, vector<16xi32>,
        %swap3A_211 = vector.shape_cast %swap3A_210 : vector<16xi32> to vector<16xi32>
        %swap3A_212 = vector.shape_cast %and3A_208 : vector<16xi32> to vector<16xi32>
        tpu.vector_store %arg7[%swap3A_209], %swap3A_212 {strides = array<i32>} : memref<64xi32, #tpu.memory_space<vmem>>, vector<16xi32>,
        %shift_right_logical3A_213 = arith.constant 16 : i32
        %shift_right_logical3A_214 = vector.broadcast %shift_right_logical3A_213 : i32 to vector<16xi32>
        %shift_right_logical3A_215 = arith.shrui %get3A_207, %shift_right_logical3A_214 : vector<16xi32>
        %swap3A_216 = arith.constant 32 : index
        %swap3A_217 = tpu.vector_load %arg9[%swap3A_216] {strides = array<i32>} : memref<64xi32, #tpu.memory_space<vmem>>, vector<16xi32>,
        %swap3A_218 = vector.shape_cast %swap3A_217 : vector<16xi32> to vector<16xi32>
        %swap3A_219 = vector.shape_cast %shift_right_logical3A_215 : vector<16xi32> to vector<16xi32>
        tpu.vector_store %arg9[%swap3A_216], %swap3A_219 {strides = array<i32>} : memref<64xi32, #tpu.memory_space<vmem>>, vector<16xi32>,
        %get3A_220 = arith.index_cast %add3A_155 : i32 to index
        %get3A_221 = arith.constant 48 : index
        %get3A_222 = tpu.vector_load %arg6[%get3A_220, %get3A_221] {strides = array<i32>} : memref<160x64xi32, #tpu.memory_space<vmem>>, vector<1x16xi32>,
        %get3A_223 = vector.shape_cast %get3A_222 : vector<1x16xi32> to vector<16xi32>
        %and3A_224 = arith.andi %get3A_223, %broadcast_in_dim3A_3 : vector<16xi32>
        %swap3A_225 = arith.constant 48 : index
        %swap3A_226 = tpu.vector_load %arg7[%swap3A_225] {strides = array<i32>} : memref<64xi32, #tpu.memory_space<vmem>>, vector<16xi32>,
        %swap3A_227 = vector.shape_cast %swap3A_226 : vector<16xi32> to vector<16xi32>
        %swap3A_228 = vector.shape_cast %and3A_224 : vector<16xi32> to vector<16xi32>
        tpu.vector_store %arg7[%swap3A_225], %swap3A_228 {strides = array<i32>} : memref<64xi32, #tpu.memory_space<vmem>>, vector<16xi32>,
        %shift_right_logical3A_229 = arith.constant 16 : i32
        %shift_right_logical3A_230 = vector.broadcast %shift_right_logical3A_229 : i32 to vector<16xi32>
        %shift_right_logical3A_231 = arith.shrui %get3A_223, %shift_right_logical3A_230 : vector<16xi32>
        %swap3A_232 = arith.constant 48 : index
        %swap3A_233 = tpu.vector_load %arg9[%swap3A_232] {strides = array<i32>} : memref<64xi32, #tpu.memory_space<vmem>>, vector<16xi32>,
        %swap3A_234 = vector.shape_cast %swap3A_233 : vector<16xi32> to vector<16xi32>
        %swap3A_235 = vector.shape_cast %shift_right_logical3A_231 : vector<16xi32> to vector<16xi32>
        tpu.vector_store %arg9[%swap3A_232], %swap3A_235 {strides = array<i32>} : memref<64xi32, #tpu.memory_space<vmem>>, vector<16xi32>,
        %dma_start3A_236 = arith.constant 0 : i32
        %dma_start3A_237 = arith.constant 0 : i32
        %dma_start3A_238 = tpu.memref_slice %arg2[%dma_start3A_236, %dma_start3A_237] : memref<10240x128xf32, #tpu.memory_space<hbm>> -> memref<10240x128xf32, #tpu.memory_space<hbm>>
        tpu.enqueue_indirect_dma source(%dma_start3A_238 : memref<10240x128xf32, #tpu.memory_space<hbm>>) target(%arg11 : memref<64x128xf32, #tpu.memory_space<vmem>>) offsets(%arg7 : memref<64xi32, #tpu.memory_space<vmem>>) semaphore(%arg14 : memref<!tpu.dma_semaphore, #tpu.memory_space<semaphore_mem>>)
      } else {
      }
      %mul3A_158 = arith.constant 2 : i32
      %mul3A_159 = arith.muli %scan3A_147, %mul3A_158 : i32
      %add3A_160 = arith.constant 1 : i32
      %add3A_161 = arith.addi %mul3A_159, %add3A_160 : i32
      %dma_wait3A_162 = arith.constant 0 : i32
      %dma_wait3A_163 = arith.constant 0 : i32
      %dma_wait3A_164 = tpu.memref_slice %arg2[%dma_wait3A_162, %dma_wait3A_163] : memref<10240x128xf32, #tpu.memory_space<hbm>> -> memref<10240x128xf32, #tpu.memory_space<hbm>>
      tpu.wait_indirect_dma semaphore(%arg15 : memref<!tpu.dma_semaphore, #tpu.memory_space<semaphore_mem>>) src(%dma_wait3A_164 : memref<10240x128xf32, #tpu.memory_space<hbm>>) dst(%arg12 : memref<64x128xf32, #tpu.memory_space<vmem>>)
      "tpu.region"() ({
        %run_scoped3A = tpu.sem_alloc : memref<!tpu.dma_semaphore, #tpu.memory_space<semaphore_mem>>
        %dma_start3A_172 = arith.constant 0 : i32
        %dma_start3A_173 = arith.constant 0 : i32
        %dma_start3A_174 = tpu.memref_slice %arg13[%dma_start3A_172, %dma_start3A_173] : memref<10240x128xf32, #tpu.memory_space<vmem_shared>> -> memref<10240x128xf32, #tpu.memory_space<vmem_shared>>
        tpu.enqueue_indirect_dma source(%arg12 : memref<64x128xf32, #tpu.memory_space<vmem>>) target(%dma_start3A_174 : memref<10240x128xf32, #tpu.memory_space<vmem_shared>>) offsets(%arg10 : memref<64xi32, #tpu.memory_space<vmem>>) semaphore(%run_scoped3A : memref<!tpu.dma_semaphore, #tpu.memory_space<semaphore_mem>>) {add = true}
        %dma_wait3A_175 = arith.constant 0 : i32
        %dma_wait3A_176 = arith.constant 0 : i32
        %dma_wait3A_177 = tpu.memref_slice %arg13[%dma_wait3A_175, %dma_wait3A_176] : memref<10240x128xf32, #tpu.memory_space<vmem_shared>> -> memref<10240x128xf32, #tpu.memory_space<vmem_shared>>
        tpu.wait_indirect_dma semaphore(%run_scoped3A : memref<!tpu.dma_semaphore, #tpu.memory_space<semaphore_mem>>) src(%arg12 : memref<64x128xf32, #tpu.memory_space<vmem>>) dst(%dma_wait3A_177 : memref<10240x128xf32, #tpu.memory_space<vmem_shared>>)
        tpu.yield
      }) : () -> ()
      %add3A_165 = arith.constant 2 : i32
      %add3A_166 = arith.addi %add3A_161, %add3A_165 : i32
      %lt3A_167 = arith.constant 160 : i32
      %lt3A_168 = arith.cmpi slt, %add3A_166, %lt3A_167 : i32
      %convert_element_type3A_169 = arith.extui %lt3A_168 : i1 to i32
      %cond3A_170 = arith.constant 0 : i32
      %cond3A_171 = arith.cmpi ne, %convert_element_type3A_169, %cond3A_170 : i32
      scf.if %cond3A_171 {
        %get3A_172 = arith.index_cast %add3A_166 : i32 to index
        %get3A_173 = arith.constant 0 : index
        %get3A_174 = tpu.vector_load %arg6[%get3A_172, %get3A_173] {strides = array<i32>} : memref<160x64xi32, #tpu.memory_space<vmem>>, vector<1x16xi32>,
        %get3A_175 = vector.shape_cast %get3A_174 : vector<1x16xi32> to vector<16xi32>
        %and3A_176 = arith.andi %get3A_175, %broadcast_in_dim3A_3 : vector<16xi32>
        %swap3A_177 = arith.constant 0 : index
        %swap3A_178 = tpu.vector_load %arg8[%swap3A_177] {strides = array<i32>} : memref<64xi32, #tpu.memory_space<vmem>>, vector<16xi32>,
        %swap3A_179 = vector.shape_cast %swap3A_178 : vector<16xi32> to vector<16xi32>
        %swap3A_180 = vector.shape_cast %and3A_176 : vector<16xi32> to vector<16xi32>
        tpu.vector_store %arg8[%swap3A_177], %swap3A_180 {strides = array<i32>} : memref<64xi32, #tpu.memory_space<vmem>>, vector<16xi32>,
        %shift_right_logical3A_181 = arith.constant 16 : i32
        %shift_right_logical3A_182 = vector.broadcast %shift_right_logical3A_181 : i32 to vector<16xi32>
        %shift_right_logical3A_183 = arith.shrui %get3A_175, %shift_right_logical3A_182 : vector<16xi32>
        %swap3A_184 = arith.constant 0 : index
        %swap3A_185 = tpu.vector_load %arg10[%swap3A_184] {strides = array<i32>} : memref<64xi32, #tpu.memory_space<vmem>>, vector<16xi32>,
        %swap3A_186 = vector.shape_cast %swap3A_185 : vector<16xi32> to vector<16xi32>
        %swap3A_187 = vector.shape_cast %shift_right_logical3A_183 : vector<16xi32> to vector<16xi32>
        tpu.vector_store %arg10[%swap3A_184], %swap3A_187 {strides = array<i32>} : memref<64xi32, #tpu.memory_space<vmem>>, vector<16xi32>,
        %get3A_188 = arith.index_cast %add3A_166 : i32 to index
        %get3A_189 = arith.constant 16 : index
        %get3A_190 = tpu.vector_load %arg6[%get3A_188, %get3A_189] {strides = array<i32>} : memref<160x64xi32, #tpu.memory_space<vmem>>, vector<1x16xi32>,
        %get3A_191 = vector.shape_cast %get3A_190 : vector<1x16xi32> to vector<16xi32>
        %and3A_192 = arith.andi %get3A_191, %broadcast_in_dim3A_3 : vector<16xi32>
        %swap3A_193 = arith.constant 16 : index
        %swap3A_194 = tpu.vector_load %arg8[%swap3A_193] {strides = array<i32>} : memref<64xi32, #tpu.memory_space<vmem>>, vector<16xi32>,
        %swap3A_195 = vector.shape_cast %swap3A_194 : vector<16xi32> to vector<16xi32>
        %swap3A_196 = vector.shape_cast %and3A_192 : vector<16xi32> to vector<16xi32>
        tpu.vector_store %arg8[%swap3A_193], %swap3A_196 {strides = array<i32>} : memref<64xi32, #tpu.memory_space<vmem>>, vector<16xi32>,
        %shift_right_logical3A_197 = arith.constant 16 : i32
        %shift_right_logical3A_198 = vector.broadcast %shift_right_logical3A_197 : i32 to vector<16xi32>
        %shift_right_logical3A_199 = arith.shrui %get3A_191, %shift_right_logical3A_198 : vector<16xi32>
        %swap3A_200 = arith.constant 16 : index
        %swap3A_201 = tpu.vector_load %arg10[%swap3A_200] {strides = array<i32>} : memref<64xi32, #tpu.memory_space<vmem>>, vector<16xi32>,
        %swap3A_202 = vector.shape_cast %swap3A_201 : vector<16xi32> to vector<16xi32>
        %swap3A_203 = vector.shape_cast %shift_right_logical3A_199 : vector<16xi32> to vector<16xi32>
        tpu.vector_store %arg10[%swap3A_200], %swap3A_203 {strides = array<i32>} : memref<64xi32, #tpu.memory_space<vmem>>, vector<16xi32>,
        %get3A_204 = arith.index_cast %add3A_166 : i32 to index
        %get3A_205 = arith.constant 32 : index
        %get3A_206 = tpu.vector_load %arg6[%get3A_204, %get3A_205] {strides = array<i32>} : memref<160x64xi32, #tpu.memory_space<vmem>>, vector<1x16xi32>,
        %get3A_207 = vector.shape_cast %get3A_206 : vector<1x16xi32> to vector<16xi32>
        %and3A_208 = arith.andi %get3A_207, %broadcast_in_dim3A_3 : vector<16xi32>
        %swap3A_209 = arith.constant 32 : index
        %swap3A_210 = tpu.vector_load %arg8[%swap3A_209] {strides = array<i32>} : memref<64xi32, #tpu.memory_space<vmem>>, vector<16xi32>,
        %swap3A_211 = vector.shape_cast %swap3A_210 : vector<16xi32> to vector<16xi32>
        %swap3A_212 = vector.shape_cast %and3A_208 : vector<16xi32> to vector<16xi32>
        tpu.vector_store %arg8[%swap3A_209], %swap3A_212 {strides = array<i32>} : memref<64xi32, #tpu.memory_space<vmem>>, vector<16xi32>,
        %shift_right_logical3A_213 = arith.constant 16 : i32
        %shift_right_logical3A_214 = vector.broadcast %shift_right_logical3A_213 : i32 to vector<16xi32>
        %shift_right_logical3A_215 = arith.shrui %get3A_207, %shift_right_logical3A_214 : vector<16xi32>
        %swap3A_216 = arith.constant 32 : index
        %swap3A_217 = tpu.vector_load %arg10[%swap3A_216] {strides = array<i32>} : memref<64xi32, #tpu.memory_space<vmem>>, vector<16xi32>,
        %swap3A_218 = vector.shape_cast %swap3A_217 : vector<16xi32> to vector<16xi32>
        %swap3A_219 = vector.shape_cast %shift_right_logical3A_215 : vector<16xi32> to vector<16xi32>
        tpu.vector_store %arg10[%swap3A_216], %swap3A_219 {strides = array<i32>} : memref<64xi32, #tpu.memory_space<vmem>>, vector<16xi32>,
        %get3A_220 = arith.index_cast %add3A_166 : i32 to index
        %get3A_221 = arith.constant 48 : index
        %get3A_222 = tpu.vector_load %arg6[%get3A_220, %get3A_221] {strides = array<i32>} : memref<160x64xi32, #tpu.memory_space<vmem>>, vector<1x16xi32>,
        %get3A_223 = vector.shape_cast %get3A_222 : vector<1x16xi32> to vector<16xi32>
        %and3A_224 = arith.andi %get3A_223, %broadcast_in_dim3A_3 : vector<16xi32>
        %swap3A_225 = arith.constant 48 : index
        %swap3A_226 = tpu.vector_load %arg8[%swap3A_225] {strides = array<i32>} : memref<64xi32, #tpu.memory_space<vmem>>, vector<16xi32>,
        %swap3A_227 = vector.shape_cast %swap3A_226 : vector<16xi32> to vector<16xi32>
        %swap3A_228 = vector.shape_cast %and3A_224 : vector<16xi32> to vector<16xi32>
        tpu.vector_store %arg8[%swap3A_225], %swap3A_228 {strides = array<i32>} : memref<64xi32, #tpu.memory_space<vmem>>, vector<16xi32>,
        %shift_right_logical3A_229 = arith.constant 16 : i32
        %shift_right_logical3A_230 = vector.broadcast %shift_right_logical3A_229 : i32 to vector<16xi32>
        %shift_right_logical3A_231 = arith.shrui %get3A_223, %shift_right_logical3A_230 : vector<16xi32>
        %swap3A_232 = arith.constant 48 : index
        %swap3A_233 = tpu.vector_load %arg10[%swap3A_232] {strides = array<i32>} : memref<64xi32, #tpu.memory_space<vmem>>, vector<16xi32>,
        %swap3A_234 = vector.shape_cast %swap3A_233 : vector<16xi32> to vector<16xi32>
        %swap3A_235 = vector.shape_cast %shift_right_logical3A_231 : vector<16xi32> to vector<16xi32>
        tpu.vector_store %arg10[%swap3A_232], %swap3A_235 {strides = array<i32>} : memref<64xi32, #tpu.memory_space<vmem>>, vector<16xi32>,
        %dma_start3A_236 = arith.constant 0 : i32
        %dma_start3A_237 = arith.constant 0 : i32
        %dma_start3A_238 = tpu.memref_slice %arg2[%dma_start3A_236, %dma_start3A_237] : memref<10240x128xf32, #tpu.memory_space<hbm>> -> memref<10240x128xf32, #tpu.memory_space<hbm>>
        tpu.enqueue_indirect_dma source(%dma_start3A_238 : memref<10240x128xf32, #tpu.memory_space<hbm>>) target(%arg12 : memref<64x128xf32, #tpu.memory_space<vmem>>) offsets(%arg8 : memref<64xi32, #tpu.memory_space<vmem>>) semaphore(%arg15 : memref<!tpu.dma_semaphore, #tpu.memory_space<semaphore_mem>>)
      } else {
      }
    }
    %scan3A_145 = arith.constant 80 : i32
    %barrier3A_146 = arith.constant 0 : index
    tpu.barrier barrier_id(%barrier3A_146)
    "tpu.region"() ({
      %run_scoped3A = tpu.sem_alloc : memref<!tpu.dma_semaphore, #tpu.memory_space<semaphore_mem>>
      %dma_start3A_147 = arith.constant 0 : i32
      %dma_start3A_148 = tpu.memref_slice %arg5[%arg0, %mul3A_2, %dma_start3A_147] : memref<2x10240x128xf32, #tpu.memory_space<hbm>> -> memref<1x640x128xf32, #tpu.memory_space<hbm>>
      %dma_start3A_149 = tpu.memref_squeeze %dma_start3A_148 : memref<1x640x128xf32, #tpu.memory_space<hbm>> -> memref<640x128xf32, #tpu.memory_space<hbm>>
      %dma_start3A_150 = arith.constant 0 : i32
      %dma_start3A_151 = tpu.memref_slice %arg13[%mul3A_2, %dma_start3A_150] : memref<10240x128xf32, #tpu.memory_space<vmem_shared>> -> memref<640x128xf32, #tpu.memory_space<vmem_shared>>
      tpu.enqueue_dma source(%dma_start3A_151 : memref<640x128xf32, #tpu.memory_space<vmem_shared>>) target(%dma_start3A_149 : memref<640x128xf32, #tpu.memory_space<hbm>>) target_semaphore(%run_scoped3A : memref<!tpu.dma_semaphore, #tpu.memory_space<semaphore_mem>>)
      %dma_wait3A = arith.constant 0 : i32
      %dma_wait3A_152 = tpu.memref_slice %arg5[%arg0, %mul3A_2, %dma_wait3A] : memref<2x10240x128xf32, #tpu.memory_space<hbm>> -> memref<1x640x128xf32, #tpu.memory_space<hbm>>
      %dma_wait3A_153 = tpu.memref_squeeze %dma_wait3A_152 : memref<1x640x128xf32, #tpu.memory_space<hbm>> -> memref<640x128xf32, #tpu.memory_space<hbm>>
      %dma_wait3A_154 = arith.constant 0 : i32
      %dma_wait3A_155 = tpu.memref_slice %arg13[%mul3A_2, %dma_wait3A_154] : memref<10240x128xf32, #tpu.memory_space<vmem_shared>> -> memref<640x128xf32, #tpu.memory_space<vmem_shared>>
      tpu.wait_dma2 semaphore(%run_scoped3A : memref<!tpu.dma_semaphore, #tpu.memory_space<semaphore_mem>>) src(%dma_wait3A_155 : memref<640x128xf32, #tpu.memory_space<vmem_shared>>) dst(%dma_wait3A_153 : memref<640x128xf32, #tpu.memory_space<hbm>>)
      tpu.yield
    }) : () -> ()
    return
  }
}

#map = affine_map<(d0, d1) -> (0, 0, 0)>
#map1 = affine_map<(d0, d1) -> (0)>
#map2 = affine_map<(d0, d1) -> (0, 0)>
module attributes {stable_mosaic.version = 14 : i64} {
  func.func @_sc_degree_body(%arg0: i32, %arg1: i32, %arg2: memref<32x160x64xi32, #tpu.memory_space<hbm>>, %arg3: memref<10240xf32, #tpu.memory_space<hbm>>, %arg4: memref<32x10240xf32, #tpu.memory_space<hbm>>, %arg5: memref<16x64xi32, #tpu.memory_space<vmem>>, %arg6: memref<10240xf32, #tpu.memory_space<vmem>>) attributes {dimension_semantics = [#tpu.dimension_semantics<core_parallel>, #tpu.dimension_semantics<subcore_parallel>], iteration_bounds = array<i64: 2, 16>, scalar_prefetch = 0 : i64, scratch_operands = 2 : i64, tpu.core_type = #tpu.core_type<sc_vector_subcore>, window_params = [{transform_indices = #map}, {transform_indices = #map1}, {transform_indices = #map2}]} {
    %mul3A = arith.constant 16 : i32
    %mul3A_0 = arith.muli %arg0, %mul3A : i32
    %add3A = arith.addi %mul3A_0, %arg1 : i32
    "tpu.region"() ({
      %run_scoped3A = tpu.sem_alloc : memref<!tpu.dma_semaphore, #tpu.memory_space<semaphore_mem>>
      tpu.enqueue_dma source(%arg3 : memref<10240xf32, #tpu.memory_space<hbm>>) target(%arg6 : memref<10240xf32, #tpu.memory_space<vmem>>) target_semaphore(%run_scoped3A : memref<!tpu.dma_semaphore, #tpu.memory_space<semaphore_mem>>)
      tpu.wait_dma2 semaphore(%run_scoped3A : memref<!tpu.dma_semaphore, #tpu.memory_space<semaphore_mem>>) src(%arg3 : memref<10240xf32, #tpu.memory_space<hbm>>) dst(%arg6 : memref<10240xf32, #tpu.memory_space<vmem>>)
      tpu.yield
    }) : () -> ()
    %broadcast_in_dim3A = arith.constant 1.000000e+00 : f32
    %broadcast_in_dim3A_1 = vector.broadcast %broadcast_in_dim3A : f32 to vector<16xf32>
    %scan3A = arith.constant 0 : i32
    %scan3A_2 = arith.constant 0 : i32
    %scan3A_3 = arith.constant 10 : i32
    %scan3A_4 = arith.addi %scan3A_2, %scan3A_3 : i32
    %scan3A_5 = arith.constant 1 : i32
    scf.for %scan3A_7 = %scan3A_2 to %scan3A_4 step %scan3A_5  : i32 {
      %mul3A_8 = arith.constant 16 : i32
      %mul3A_9 = arith.muli %scan3A_7, %mul3A_8 : i32
      "tpu.region"() ({
        %run_scoped3A = tpu.sem_alloc : memref<!tpu.dma_semaphore, #tpu.memory_space<semaphore_mem>>
        %dma_start3A = arith.constant 0 : i32
        %dma_start3A_456 = tpu.memref_slice %arg2[%add3A, %mul3A_9, %dma_start3A] : memref<32x160x64xi32, #tpu.memory_space<hbm>> -> memref<1x16x64xi32, #tpu.memory_space<hbm>>
        %dma_start3A_457 = tpu.memref_squeeze %dma_start3A_456 : memref<1x16x64xi32, #tpu.memory_space<hbm>> -> memref<16x64xi32, #tpu.memory_space<hbm>>
        %dma_start3A_458 = arith.constant 0 : i32
        %dma_start3A_459 = tpu.memref_slice %arg2[%add3A, %mul3A_9, %dma_start3A_458] : memref<32x160x64xi32, #tpu.memory_space<hbm>> -> memref<1x16x64xi32, #tpu.memory_space<hbm>>
        %dma_start3A_460 = tpu.memref_squeeze %dma_start3A_459 : memref<1x16x64xi32, #tpu.memory_space<hbm>> -> memref<16x64xi32, #tpu.memory_space<hbm>>
        tpu.enqueue_dma source(%dma_start3A_460 : memref<16x64xi32, #tpu.memory_space<hbm>>) target(%arg5 : memref<16x64xi32, #tpu.memory_space<vmem>>) target_semaphore(%run_scoped3A : memref<!tpu.dma_semaphore, #tpu.memory_space<semaphore_mem>>)
        %dma_wait3A = arith.constant 0 : i32
        %dma_wait3A_461 = tpu.memref_slice %arg2[%add3A, %mul3A_9, %dma_wait3A] : memref<32x160x64xi32, #tpu.memory_space<hbm>> -> memref<1x16x64xi32, #tpu.memory_space<hbm>>
        %dma_wait3A_462 = tpu.memref_squeeze %dma_wait3A_461 : memref<1x16x64xi32, #tpu.memory_space<hbm>> -> memref<16x64xi32, #tpu.memory_space<hbm>>
        %dma_wait3A_463 = arith.constant 0 : i32
        %dma_wait3A_464 = tpu.memref_slice %arg2[%add3A, %mul3A_9, %dma_wait3A_463] : memref<32x160x64xi32, #tpu.memory_space<hbm>> -> memref<1x16x64xi32, #tpu.memory_space<hbm>>
        %dma_wait3A_465 = tpu.memref_squeeze %dma_wait3A_464 : memref<1x16x64xi32, #tpu.memory_space<hbm>> -> memref<16x64xi32, #tpu.memory_space<hbm>>
        tpu.wait_dma2 semaphore(%run_scoped3A : memref<!tpu.dma_semaphore, #tpu.memory_space<semaphore_mem>>) src(%dma_wait3A_465 : memref<16x64xi32, #tpu.memory_space<hbm>>) dst(%arg5 : memref<16x64xi32, #tpu.memory_space<vmem>>)
        tpu.yield
      }) : () -> ()
      %get3A = arith.constant 0 : i32
      %get3A_10 = arith.index_cast %get3A : i32 to index
      %get3A_11 = arith.constant 0 : index
      %get3A_12 = tpu.vector_load %arg5[%get3A_10, %get3A_11] {strides = array<i32>} : memref<16x64xi32, #tpu.memory_space<vmem>>, vector<16xi32>,
      %shift_right_logical3A = arith.constant 16 : i32
      %shift_right_logical3A_13 = vector.broadcast %shift_right_logical3A : i32 to vector<16xi32>
      %shift_right_logical3A_14 = arith.shrui %get3A_12, %shift_right_logical3A_13 : vector<16xi32>
      tpu.vector_store_idx %arg6[%shift_right_logical3A_14], %broadcast_in_dim3A_1 {add = true} : memref<10240xf32, #tpu.memory_space<vmem>>[vector<16xi32>], vector<16xf32>,
      %get3A_15 = arith.constant 0 : i32
      %get3A_16 = arith.index_cast %get3A_15 : i32 to index
      %get3A_17 = arith.constant 16 : index
      %get3A_18 = tpu.vector_load %arg5[%get3A_16, %get3A_17] {strides = array<i32>} : memref<16x64xi32, #tpu.memory_space<vmem>>, vector<16xi32>,
      %shift_right_logical3A_19 = arith.constant 16 : i32
      %shift_right_logical3A_20 = vector.broadcast %shift_right_logical3A_19 : i32 to vector<16xi32>
      %shift_right_logical3A_21 = arith.shrui %get3A_18, %shift_right_logical3A_20 : vector<16xi32>
      tpu.vector_store_idx %arg6[%shift_right_logical3A_21], %broadcast_in_dim3A_1 {add = true} : memref<10240xf32, #tpu.memory_space<vmem>>[vector<16xi32>], vector<16xf32>,
      %get3A_22 = arith.constant 0 : i32
      %get3A_23 = arith.index_cast %get3A_22 : i32 to index
      %get3A_24 = arith.constant 32 : index
      %get3A_25 = tpu.vector_load %arg5[%get3A_23, %get3A_24] {strides = array<i32>} : memref<16x64xi32, #tpu.memory_space<vmem>>, vector<16xi32>,
      %shift_right_logical3A_26 = arith.constant 16 : i32
      %shift_right_logical3A_27 = vector.broadcast %shift_right_logical3A_26 : i32 to vector<16xi32>
      %shift_right_logical3A_28 = arith.shrui %get3A_25, %shift_right_logical3A_27 : vector<16xi32>
      tpu.vector_store_idx %arg6[%shift_right_logical3A_28], %broadcast_in_dim3A_1 {add = true} : memref<10240xf32, #tpu.memory_space<vmem>>[vector<16xi32>], vector<16xf32>,
      %get3A_29 = arith.constant 0 : i32
      %get3A_30 = arith.index_cast %get3A_29 : i32 to index
      %get3A_31 = arith.constant 48 : index
      %get3A_32 = tpu.vector_load %arg5[%get3A_30, %get3A_31] {strides = array<i32>} : memref<16x64xi32, #tpu.memory_space<vmem>>, vector<16xi32>,
      %shift_right_logical3A_33 = arith.constant 16 : i32
      %shift_right_logical3A_34 = vector.broadcast %shift_right_logical3A_33 : i32 to vector<16xi32>
      %shift_right_logical3A_35 = arith.shrui %get3A_32, %shift_right_logical3A_34 : vector<16xi32>
      tpu.vector_store_idx %arg6[%shift_right_logical3A_35], %broadcast_in_dim3A_1 {add = true} : memref<10240xf32, #tpu.memory_space<vmem>>[vector<16xi32>], vector<16xf32>,
      %get3A_36 = arith.constant 1 : i32
      %get3A_37 = arith.index_cast %get3A_36 : i32 to index
      %get3A_38 = arith.constant 0 : index
      %get3A_39 = tpu.vector_load %arg5[%get3A_37, %get3A_38] {strides = array<i32>} : memref<16x64xi32, #tpu.memory_space<vmem>>, vector<16xi32>,
      %shift_right_logical3A_40 = arith.constant 16 : i32
      %shift_right_logical3A_41 = vector.broadcast %shift_right_logical3A_40 : i32 to vector<16xi32>
      %shift_right_logical3A_42 = arith.shrui %get3A_39, %shift_right_logical3A_41 : vector<16xi32>
      tpu.vector_store_idx %arg6[%shift_right_logical3A_42], %broadcast_in_dim3A_1 {add = true} : memref<10240xf32, #tpu.memory_space<vmem>>[vector<16xi32>], vector<16xf32>,
      %get3A_43 = arith.constant 1 : i32
      %get3A_44 = arith.index_cast %get3A_43 : i32 to index
      %get3A_45 = arith.constant 16 : index
      %get3A_46 = tpu.vector_load %arg5[%get3A_44, %get3A_45] {strides = array<i32>} : memref<16x64xi32, #tpu.memory_space<vmem>>, vector<16xi32>,
      %shift_right_logical3A_47 = arith.constant 16 : i32
      %shift_right_logical3A_48 = vector.broadcast %shift_right_logical3A_47 : i32 to vector<16xi32>
      %shift_right_logical3A_49 = arith.shrui %get3A_46, %shift_right_logical3A_48 : vector<16xi32>
      tpu.vector_store_idx %arg6[%shift_right_logical3A_49], %broadcast_in_dim3A_1 {add = true} : memref<10240xf32, #tpu.memory_space<vmem>>[vector<16xi32>], vector<16xf32>,
      %get3A_50 = arith.constant 1 : i32
      %get3A_51 = arith.index_cast %get3A_50 : i32 to index
      %get3A_52 = arith.constant 32 : index
      %get3A_53 = tpu.vector_load %arg5[%get3A_51, %get3A_52] {strides = array<i32>} : memref<16x64xi32, #tpu.memory_space<vmem>>, vector<16xi32>,
      %shift_right_logical3A_54 = arith.constant 16 : i32
      %shift_right_logical3A_55 = vector.broadcast %shift_right_logical3A_54 : i32 to vector<16xi32>
      %shift_right_logical3A_56 = arith.shrui %get3A_53, %shift_right_logical3A_55 : vector<16xi32>
      tpu.vector_store_idx %arg6[%shift_right_logical3A_56], %broadcast_in_dim3A_1 {add = true} : memref<10240xf32, #tpu.memory_space<vmem>>[vector<16xi32>], vector<16xf32>,
      %get3A_57 = arith.constant 1 : i32
      %get3A_58 = arith.index_cast %get3A_57 : i32 to index
      %get3A_59 = arith.constant 48 : index
      %get3A_60 = tpu.vector_load %arg5[%get3A_58, %get3A_59] {strides = array<i32>} : memref<16x64xi32, #tpu.memory_space<vmem>>, vector<16xi32>,
      %shift_right_logical3A_61 = arith.constant 16 : i32
      %shift_right_logical3A_62 = vector.broadcast %shift_right_logical3A_61 : i32 to vector<16xi32>
      %shift_right_logical3A_63 = arith.shrui %get3A_60, %shift_right_logical3A_62 : vector<16xi32>
      tpu.vector_store_idx %arg6[%shift_right_logical3A_63], %broadcast_in_dim3A_1 {add = true} : memref<10240xf32, #tpu.memory_space<vmem>>[vector<16xi32>], vector<16xf32>,
      %get3A_64 = arith.constant 2 : i32
      %get3A_65 = arith.index_cast %get3A_64 : i32 to index
      %get3A_66 = arith.constant 0 : index
      %get3A_67 = tpu.vector_load %arg5[%get3A_65, %get3A_66] {strides = array<i32>} : memref<16x64xi32, #tpu.memory_space<vmem>>, vector<16xi32>,
      %shift_right_logical3A_68 = arith.constant 16 : i32
      %shift_right_logical3A_69 = vector.broadcast %shift_right_logical3A_68 : i32 to vector<16xi32>
      %shift_right_logical3A_70 = arith.shrui %get3A_67, %shift_right_logical3A_69 : vector<16xi32>
      tpu.vector_store_idx %arg6[%shift_right_logical3A_70], %broadcast_in_dim3A_1 {add = true} : memref<10240xf32, #tpu.memory_space<vmem>>[vector<16xi32>], vector<16xf32>,
      %get3A_71 = arith.constant 2 : i32
      %get3A_72 = arith.index_cast %get3A_71 : i32 to index
      %get3A_73 = arith.constant 16 : index
      %get3A_74 = tpu.vector_load %arg5[%get3A_72, %get3A_73] {strides = array<i32>} : memref<16x64xi32, #tpu.memory_space<vmem>>, vector<16xi32>,
      %shift_right_logical3A_75 = arith.constant 16 : i32
      %shift_right_logical3A_76 = vector.broadcast %shift_right_logical3A_75 : i32 to vector<16xi32>
      %shift_right_logical3A_77 = arith.shrui %get3A_74, %shift_right_logical3A_76 : vector<16xi32>
      tpu.vector_store_idx %arg6[%shift_right_logical3A_77], %broadcast_in_dim3A_1 {add = true} : memref<10240xf32, #tpu.memory_space<vmem>>[vector<16xi32>], vector<16xf32>,
      %get3A_78 = arith.constant 2 : i32
      %get3A_79 = arith.index_cast %get3A_78 : i32 to index
      %get3A_80 = arith.constant 32 : index
      %get3A_81 = tpu.vector_load %arg5[%get3A_79, %get3A_80] {strides = array<i32>} : memref<16x64xi32, #tpu.memory_space<vmem>>, vector<16xi32>,
      %shift_right_logical3A_82 = arith.constant 16 : i32
      %shift_right_logical3A_83 = vector.broadcast %shift_right_logical3A_82 : i32 to vector<16xi32>
      %shift_right_logical3A_84 = arith.shrui %get3A_81, %shift_right_logical3A_83 : vector<16xi32>
      tpu.vector_store_idx %arg6[%shift_right_logical3A_84], %broadcast_in_dim3A_1 {add = true} : memref<10240xf32, #tpu.memory_space<vmem>>[vector<16xi32>], vector<16xf32>,
      %get3A_85 = arith.constant 2 : i32
      %get3A_86 = arith.index_cast %get3A_85 : i32 to index
      %get3A_87 = arith.constant 48 : index
      %get3A_88 = tpu.vector_load %arg5[%get3A_86, %get3A_87] {strides = array<i32>} : memref<16x64xi32, #tpu.memory_space<vmem>>, vector<16xi32>,
      %shift_right_logical3A_89 = arith.constant 16 : i32
      %shift_right_logical3A_90 = vector.broadcast %shift_right_logical3A_89 : i32 to vector<16xi32>
      %shift_right_logical3A_91 = arith.shrui %get3A_88, %shift_right_logical3A_90 : vector<16xi32>
      tpu.vector_store_idx %arg6[%shift_right_logical3A_91], %broadcast_in_dim3A_1 {add = true} : memref<10240xf32, #tpu.memory_space<vmem>>[vector<16xi32>], vector<16xf32>,
      %get3A_92 = arith.constant 3 : i32
      %get3A_93 = arith.index_cast %get3A_92 : i32 to index
      %get3A_94 = arith.constant 0 : index
      %get3A_95 = tpu.vector_load %arg5[%get3A_93, %get3A_94] {strides = array<i32>} : memref<16x64xi32, #tpu.memory_space<vmem>>, vector<16xi32>,
      %shift_right_logical3A_96 = arith.constant 16 : i32
      %shift_right_logical3A_97 = vector.broadcast %shift_right_logical3A_96 : i32 to vector<16xi32>
      %shift_right_logical3A_98 = arith.shrui %get3A_95, %shift_right_logical3A_97 : vector<16xi32>
      tpu.vector_store_idx %arg6[%shift_right_logical3A_98], %broadcast_in_dim3A_1 {add = true} : memref<10240xf32, #tpu.memory_space<vmem>>[vector<16xi32>], vector<16xf32>,
      %get3A_99 = arith.constant 3 : i32
      %get3A_100 = arith.index_cast %get3A_99 : i32 to index
      %get3A_101 = arith.constant 16 : index
      %get3A_102 = tpu.vector_load %arg5[%get3A_100, %get3A_101] {strides = array<i32>} : memref<16x64xi32, #tpu.memory_space<vmem>>, vector<16xi32>,
      %shift_right_logical3A_103 = arith.constant 16 : i32
      %shift_right_logical3A_104 = vector.broadcast %shift_right_logical3A_103 : i32 to vector<16xi32>
      %shift_right_logical3A_105 = arith.shrui %get3A_102, %shift_right_logical3A_104 : vector<16xi32>
      tpu.vector_store_idx %arg6[%shift_right_logical3A_105], %broadcast_in_dim3A_1 {add = true} : memref<10240xf32, #tpu.memory_space<vmem>>[vector<16xi32>], vector<16xf32>,
      %get3A_106 = arith.constant 3 : i32
      %get3A_107 = arith.index_cast %get3A_106 : i32 to index
      %get3A_108 = arith.constant 32 : index
      %get3A_109 = tpu.vector_load %arg5[%get3A_107, %get3A_108] {strides = array<i32>} : memref<16x64xi32, #tpu.memory_space<vmem>>, vector<16xi32>,
      %shift_right_logical3A_110 = arith.constant 16 : i32
      %shift_right_logical3A_111 = vector.broadcast %shift_right_logical3A_110 : i32 to vector<16xi32>
      %shift_right_logical3A_112 = arith.shrui %get3A_109, %shift_right_logical3A_111 : vector<16xi32>
      tpu.vector_store_idx %arg6[%shift_right_logical3A_112], %broadcast_in_dim3A_1 {add = true} : memref<10240xf32, #tpu.memory_space<vmem>>[vector<16xi32>], vector<16xf32>,
      %get3A_113 = arith.constant 3 : i32
      %get3A_114 = arith.index_cast %get3A_113 : i32 to index
      %get3A_115 = arith.constant 48 : index
      %get3A_116 = tpu.vector_load %arg5[%get3A_114, %get3A_115] {strides = array<i32>} : memref<16x64xi32, #tpu.memory_space<vmem>>, vector<16xi32>,
      %shift_right_logical3A_117 = arith.constant 16 : i32
      %shift_right_logical3A_118 = vector.broadcast %shift_right_logical3A_117 : i32 to vector<16xi32>
      %shift_right_logical3A_119 = arith.shrui %get3A_116, %shift_right_logical3A_118 : vector<16xi32>
      tpu.vector_store_idx %arg6[%shift_right_logical3A_119], %broadcast_in_dim3A_1 {add = true} : memref<10240xf32, #tpu.memory_space<vmem>>[vector<16xi32>], vector<16xf32>,
      %get3A_120 = arith.constant 4 : i32
      %get3A_121 = arith.index_cast %get3A_120 : i32 to index
      %get3A_122 = arith.constant 0 : index
      %get3A_123 = tpu.vector_load %arg5[%get3A_121, %get3A_122] {strides = array<i32>} : memref<16x64xi32, #tpu.memory_space<vmem>>, vector<16xi32>,
      %shift_right_logical3A_124 = arith.constant 16 : i32
      %shift_right_logical3A_125 = vector.broadcast %shift_right_logical3A_124 : i32 to vector<16xi32>
      %shift_right_logical3A_126 = arith.shrui %get3A_123, %shift_right_logical3A_125 : vector<16xi32>
      tpu.vector_store_idx %arg6[%shift_right_logical3A_126], %broadcast_in_dim3A_1 {add = true} : memref<10240xf32, #tpu.memory_space<vmem>>[vector<16xi32>], vector<16xf32>,
      %get3A_127 = arith.constant 4 : i32
      %get3A_128 = arith.index_cast %get3A_127 : i32 to index
      %get3A_129 = arith.constant 16 : index
      %get3A_130 = tpu.vector_load %arg5[%get3A_128, %get3A_129] {strides = array<i32>} : memref<16x64xi32, #tpu.memory_space<vmem>>, vector<16xi32>,
      %shift_right_logical3A_131 = arith.constant 16 : i32
      %shift_right_logical3A_132 = vector.broadcast %shift_right_logical3A_131 : i32 to vector<16xi32>
      %shift_right_logical3A_133 = arith.shrui %get3A_130, %shift_right_logical3A_132 : vector<16xi32>
      tpu.vector_store_idx %arg6[%shift_right_logical3A_133], %broadcast_in_dim3A_1 {add = true} : memref<10240xf32, #tpu.memory_space<vmem>>[vector<16xi32>], vector<16xf32>,
      %get3A_134 = arith.constant 4 : i32
      %get3A_135 = arith.index_cast %get3A_134 : i32 to index
      %get3A_136 = arith.constant 32 : index
      %get3A_137 = tpu.vector_load %arg5[%get3A_135, %get3A_136] {strides = array<i32>} : memref<16x64xi32, #tpu.memory_space<vmem>>, vector<16xi32>,
      %shift_right_logical3A_138 = arith.constant 16 : i32
      %shift_right_logical3A_139 = vector.broadcast %shift_right_logical3A_138 : i32 to vector<16xi32>
      %shift_right_logical3A_140 = arith.shrui %get3A_137, %shift_right_logical3A_139 : vector<16xi32>
      tpu.vector_store_idx %arg6[%shift_right_logical3A_140], %broadcast_in_dim3A_1 {add = true} : memref<10240xf32, #tpu.memory_space<vmem>>[vector<16xi32>], vector<16xf32>,
      %get3A_141 = arith.constant 4 : i32
      %get3A_142 = arith.index_cast %get3A_141 : i32 to index
      %get3A_143 = arith.constant 48 : index
      %get3A_144 = tpu.vector_load %arg5[%get3A_142, %get3A_143] {strides = array<i32>} : memref<16x64xi32, #tpu.memory_space<vmem>>, vector<16xi32>,
      %shift_right_logical3A_145 = arith.constant 16 : i32
      %shift_right_logical3A_146 = vector.broadcast %shift_right_logical3A_145 : i32 to vector<16xi32>
      %shift_right_logical3A_147 = arith.shrui %get3A_144, %shift_right_logical3A_146 : vector<16xi32>
      tpu.vector_store_idx %arg6[%shift_right_logical3A_147], %broadcast_in_dim3A_1 {add = true} : memref<10240xf32, #tpu.memory_space<vmem>>[vector<16xi32>], vector<16xf32>,
      %get3A_148 = arith.constant 5 : i32
      %get3A_149 = arith.index_cast %get3A_148 : i32 to index
      %get3A_150 = arith.constant 0 : index
      %get3A_151 = tpu.vector_load %arg5[%get3A_149, %get3A_150] {strides = array<i32>} : memref<16x64xi32, #tpu.memory_space<vmem>>, vector<16xi32>,
      %shift_right_logical3A_152 = arith.constant 16 : i32
      %shift_right_logical3A_153 = vector.broadcast %shift_right_logical3A_152 : i32 to vector<16xi32>
      %shift_right_logical3A_154 = arith.shrui %get3A_151, %shift_right_logical3A_153 : vector<16xi32>
      tpu.vector_store_idx %arg6[%shift_right_logical3A_154], %broadcast_in_dim3A_1 {add = true} : memref<10240xf32, #tpu.memory_space<vmem>>[vector<16xi32>], vector<16xf32>,
      %get3A_155 = arith.constant 5 : i32
      %get3A_156 = arith.index_cast %get3A_155 : i32 to index
      %get3A_157 = arith.constant 16 : index
      %get3A_158 = tpu.vector_load %arg5[%get3A_156, %get3A_157] {strides = array<i32>} : memref<16x64xi32, #tpu.memory_space<vmem>>, vector<16xi32>,
      %shift_right_logical3A_159 = arith.constant 16 : i32
      %shift_right_logical3A_160 = vector.broadcast %shift_right_logical3A_159 : i32 to vector<16xi32>
      %shift_right_logical3A_161 = arith.shrui %get3A_158, %shift_right_logical3A_160 : vector<16xi32>
      tpu.vector_store_idx %arg6[%shift_right_logical3A_161], %broadcast_in_dim3A_1 {add = true} : memref<10240xf32, #tpu.memory_space<vmem>>[vector<16xi32>], vector<16xf32>,
      %get3A_162 = arith.constant 5 : i32
      %get3A_163 = arith.index_cast %get3A_162 : i32 to index
      %get3A_164 = arith.constant 32 : index
      %get3A_165 = tpu.vector_load %arg5[%get3A_163, %get3A_164] {strides = array<i32>} : memref<16x64xi32, #tpu.memory_space<vmem>>, vector<16xi32>,
      %shift_right_logical3A_166 = arith.constant 16 : i32
      %shift_right_logical3A_167 = vector.broadcast %shift_right_logical3A_166 : i32 to vector<16xi32>
      %shift_right_logical3A_168 = arith.shrui %get3A_165, %shift_right_logical3A_167 : vector<16xi32>
      tpu.vector_store_idx %arg6[%shift_right_logical3A_168], %broadcast_in_dim3A_1 {add = true} : memref<10240xf32, #tpu.memory_space<vmem>>[vector<16xi32>], vector<16xf32>,
      %get3A_169 = arith.constant 5 : i32
      %get3A_170 = arith.index_cast %get3A_169 : i32 to index
      %get3A_171 = arith.constant 48 : index
      %get3A_172 = tpu.vector_load %arg5[%get3A_170, %get3A_171] {strides = array<i32>} : memref<16x64xi32, #tpu.memory_space<vmem>>, vector<16xi32>,
      %shift_right_logical3A_173 = arith.constant 16 : i32
      %shift_right_logical3A_174 = vector.broadcast %shift_right_logical3A_173 : i32 to vector<16xi32>
      %shift_right_logical3A_175 = arith.shrui %get3A_172, %shift_right_logical3A_174 : vector<16xi32>
      tpu.vector_store_idx %arg6[%shift_right_logical3A_175], %broadcast_in_dim3A_1 {add = true} : memref<10240xf32, #tpu.memory_space<vmem>>[vector<16xi32>], vector<16xf32>,
      %get3A_176 = arith.constant 6 : i32
      %get3A_177 = arith.index_cast %get3A_176 : i32 to index
      %get3A_178 = arith.constant 0 : index
      %get3A_179 = tpu.vector_load %arg5[%get3A_177, %get3A_178] {strides = array<i32>} : memref<16x64xi32, #tpu.memory_space<vmem>>, vector<16xi32>,
      %shift_right_logical3A_180 = arith.constant 16 : i32
      %shift_right_logical3A_181 = vector.broadcast %shift_right_logical3A_180 : i32 to vector<16xi32>
      %shift_right_logical3A_182 = arith.shrui %get3A_179, %shift_right_logical3A_181 : vector<16xi32>
      tpu.vector_store_idx %arg6[%shift_right_logical3A_182], %broadcast_in_dim3A_1 {add = true} : memref<10240xf32, #tpu.memory_space<vmem>>[vector<16xi32>], vector<16xf32>,
      %get3A_183 = arith.constant 6 : i32
      %get3A_184 = arith.index_cast %get3A_183 : i32 to index
      %get3A_185 = arith.constant 16 : index
      %get3A_186 = tpu.vector_load %arg5[%get3A_184, %get3A_185] {strides = array<i32>} : memref<16x64xi32, #tpu.memory_space<vmem>>, vector<16xi32>,
      %shift_right_logical3A_187 = arith.constant 16 : i32
      %shift_right_logical3A_188 = vector.broadcast %shift_right_logical3A_187 : i32 to vector<16xi32>
      %shift_right_logical3A_189 = arith.shrui %get3A_186, %shift_right_logical3A_188 : vector<16xi32>
      tpu.vector_store_idx %arg6[%shift_right_logical3A_189], %broadcast_in_dim3A_1 {add = true} : memref<10240xf32, #tpu.memory_space<vmem>>[vector<16xi32>], vector<16xf32>,
      %get3A_190 = arith.constant 6 : i32
      %get3A_191 = arith.index_cast %get3A_190 : i32 to index
      %get3A_192 = arith.constant 32 : index
      %get3A_193 = tpu.vector_load %arg5[%get3A_191, %get3A_192] {strides = array<i32>} : memref<16x64xi32, #tpu.memory_space<vmem>>, vector<16xi32>,
      %shift_right_logical3A_194 = arith.constant 16 : i32
      %shift_right_logical3A_195 = vector.broadcast %shift_right_logical3A_194 : i32 to vector<16xi32>
      %shift_right_logical3A_196 = arith.shrui %get3A_193, %shift_right_logical3A_195 : vector<16xi32>
      tpu.vector_store_idx %arg6[%shift_right_logical3A_196], %broadcast_in_dim3A_1 {add = true} : memref<10240xf32, #tpu.memory_space<vmem>>[vector<16xi32>], vector<16xf32>,
      %get3A_197 = arith.constant 6 : i32
      %get3A_198 = arith.index_cast %get3A_197 : i32 to index
      %get3A_199 = arith.constant 48 : index
      %get3A_200 = tpu.vector_load %arg5[%get3A_198, %get3A_199] {strides = array<i32>} : memref<16x64xi32, #tpu.memory_space<vmem>>, vector<16xi32>,
      %shift_right_logical3A_201 = arith.constant 16 : i32
      %shift_right_logical3A_202 = vector.broadcast %shift_right_logical3A_201 : i32 to vector<16xi32>
      %shift_right_logical3A_203 = arith.shrui %get3A_200, %shift_right_logical3A_202 : vector<16xi32>
      tpu.vector_store_idx %arg6[%shift_right_logical3A_203], %broadcast_in_dim3A_1 {add = true} : memref<10240xf32, #tpu.memory_space<vmem>>[vector<16xi32>], vector<16xf32>,
      %get3A_204 = arith.constant 7 : i32
      %get3A_205 = arith.index_cast %get3A_204 : i32 to index
      %get3A_206 = arith.constant 0 : index
      %get3A_207 = tpu.vector_load %arg5[%get3A_205, %get3A_206] {strides = array<i32>} : memref<16x64xi32, #tpu.memory_space<vmem>>, vector<16xi32>,
      %shift_right_logical3A_208 = arith.constant 16 : i32
      %shift_right_logical3A_209 = vector.broadcast %shift_right_logical3A_208 : i32 to vector<16xi32>
      %shift_right_logical3A_210 = arith.shrui %get3A_207, %shift_right_logical3A_209 : vector<16xi32>
      tpu.vector_store_idx %arg6[%shift_right_logical3A_210], %broadcast_in_dim3A_1 {add = true} : memref<10240xf32, #tpu.memory_space<vmem>>[vector<16xi32>], vector<16xf32>,
      %get3A_211 = arith.constant 7 : i32
      %get3A_212 = arith.index_cast %get3A_211 : i32 to index
      %get3A_213 = arith.constant 16 : index
      %get3A_214 = tpu.vector_load %arg5[%get3A_212, %get3A_213] {strides = array<i32>} : memref<16x64xi32, #tpu.memory_space<vmem>>, vector<16xi32>,
      %shift_right_logical3A_215 = arith.constant 16 : i32
      %shift_right_logical3A_216 = vector.broadcast %shift_right_logical3A_215 : i32 to vector<16xi32>
      %shift_right_logical3A_217 = arith.shrui %get3A_214, %shift_right_logical3A_216 : vector<16xi32>
      tpu.vector_store_idx %arg6[%shift_right_logical3A_217], %broadcast_in_dim3A_1 {add = true} : memref<10240xf32, #tpu.memory_space<vmem>>[vector<16xi32>], vector<16xf32>,
      %get3A_218 = arith.constant 7 : i32
      %get3A_219 = arith.index_cast %get3A_218 : i32 to index
      %get3A_220 = arith.constant 32 : index
      %get3A_221 = tpu.vector_load %arg5[%get3A_219, %get3A_220] {strides = array<i32>} : memref<16x64xi32, #tpu.memory_space<vmem>>, vector<16xi32>,
      %shift_right_logical3A_222 = arith.constant 16 : i32
      %shift_right_logical3A_223 = vector.broadcast %shift_right_logical3A_222 : i32 to vector<16xi32>
      %shift_right_logical3A_224 = arith.shrui %get3A_221, %shift_right_logical3A_223 : vector<16xi32>
      tpu.vector_store_idx %arg6[%shift_right_logical3A_224], %broadcast_in_dim3A_1 {add = true} : memref<10240xf32, #tpu.memory_space<vmem>>[vector<16xi32>], vector<16xf32>,
      %get3A_225 = arith.constant 7 : i32
      %get3A_226 = arith.index_cast %get3A_225 : i32 to index
      %get3A_227 = arith.constant 48 : index
      %get3A_228 = tpu.vector_load %arg5[%get3A_226, %get3A_227] {strides = array<i32>} : memref<16x64xi32, #tpu.memory_space<vmem>>, vector<16xi32>,
      %shift_right_logical3A_229 = arith.constant 16 : i32
      %shift_right_logical3A_230 = vector.broadcast %shift_right_logical3A_229 : i32 to vector<16xi32>
      %shift_right_logical3A_231 = arith.shrui %get3A_228, %shift_right_logical3A_230 : vector<16xi32>
      tpu.vector_store_idx %arg6[%shift_right_logical3A_231], %broadcast_in_dim3A_1 {add = true} : memref<10240xf32, #tpu.memory_space<vmem>>[vector<16xi32>], vector<16xf32>,
      %get3A_232 = arith.constant 8 : i32
      %get3A_233 = arith.index_cast %get3A_232 : i32 to index
      %get3A_234 = arith.constant 0 : index
      %get3A_235 = tpu.vector_load %arg5[%get3A_233, %get3A_234] {strides = array<i32>} : memref<16x64xi32, #tpu.memory_space<vmem>>, vector<16xi32>,
      %shift_right_logical3A_236 = arith.constant 16 : i32
      %shift_right_logical3A_237 = vector.broadcast %shift_right_logical3A_236 : i32 to vector<16xi32>
      %shift_right_logical3A_238 = arith.shrui %get3A_235, %shift_right_logical3A_237 : vector<16xi32>
      tpu.vector_store_idx %arg6[%shift_right_logical3A_238], %broadcast_in_dim3A_1 {add = true} : memref<10240xf32, #tpu.memory_space<vmem>>[vector<16xi32>], vector<16xf32>,
      %get3A_239 = arith.constant 8 : i32
      %get3A_240 = arith.index_cast %get3A_239 : i32 to index
      %get3A_241 = arith.constant 16 : index
      %get3A_242 = tpu.vector_load %arg5[%get3A_240, %get3A_241] {strides = array<i32>} : memref<16x64xi32, #tpu.memory_space<vmem>>, vector<16xi32>,
      %shift_right_logical3A_243 = arith.constant 16 : i32
      %shift_right_logical3A_244 = vector.broadcast %shift_right_logical3A_243 : i32 to vector<16xi32>
      %shift_right_logical3A_245 = arith.shrui %get3A_242, %shift_right_logical3A_244 : vector<16xi32>
      tpu.vector_store_idx %arg6[%shift_right_logical3A_245], %broadcast_in_dim3A_1 {add = true} : memref<10240xf32, #tpu.memory_space<vmem>>[vector<16xi32>], vector<16xf32>,
      %get3A_246 = arith.constant 8 : i32
      %get3A_247 = arith.index_cast %get3A_246 : i32 to index
      %get3A_248 = arith.constant 32 : index
      %get3A_249 = tpu.vector_load %arg5[%get3A_247, %get3A_248] {strides = array<i32>} : memref<16x64xi32, #tpu.memory_space<vmem>>, vector<16xi32>,
      %shift_right_logical3A_250 = arith.constant 16 : i32
      %shift_right_logical3A_251 = vector.broadcast %shift_right_logical3A_250 : i32 to vector<16xi32>
      %shift_right_logical3A_252 = arith.shrui %get3A_249, %shift_right_logical3A_251 : vector<16xi32>
      tpu.vector_store_idx %arg6[%shift_right_logical3A_252], %broadcast_in_dim3A_1 {add = true} : memref<10240xf32, #tpu.memory_space<vmem>>[vector<16xi32>], vector<16xf32>,
      %get3A_253 = arith.constant 8 : i32
      %get3A_254 = arith.index_cast %get3A_253 : i32 to index
      %get3A_255 = arith.constant 48 : index
      %get3A_256 = tpu.vector_load %arg5[%get3A_254, %get3A_255] {strides = array<i32>} : memref<16x64xi32, #tpu.memory_space<vmem>>, vector<16xi32>,
      %shift_right_logical3A_257 = arith.constant 16 : i32
      %shift_right_logical3A_258 = vector.broadcast %shift_right_logical3A_257 : i32 to vector<16xi32>
      %shift_right_logical3A_259 = arith.shrui %get3A_256, %shift_right_logical3A_258 : vector<16xi32>
      tpu.vector_store_idx %arg6[%shift_right_logical3A_259], %broadcast_in_dim3A_1 {add = true} : memref<10240xf32, #tpu.memory_space<vmem>>[vector<16xi32>], vector<16xf32>,
      %get3A_260 = arith.constant 9 : i32
      %get3A_261 = arith.index_cast %get3A_260 : i32 to index
      %get3A_262 = arith.constant 0 : index
      %get3A_263 = tpu.vector_load %arg5[%get3A_261, %get3A_262] {strides = array<i32>} : memref<16x64xi32, #tpu.memory_space<vmem>>, vector<16xi32>,
      %shift_right_logical3A_264 = arith.constant 16 : i32
      %shift_right_logical3A_265 = vector.broadcast %shift_right_logical3A_264 : i32 to vector<16xi32>
      %shift_right_logical3A_266 = arith.shrui %get3A_263, %shift_right_logical3A_265 : vector<16xi32>
      tpu.vector_store_idx %arg6[%shift_right_logical3A_266], %broadcast_in_dim3A_1 {add = true} : memref<10240xf32, #tpu.memory_space<vmem>>[vector<16xi32>], vector<16xf32>,
      %get3A_267 = arith.constant 9 : i32
      %get3A_268 = arith.index_cast %get3A_267 : i32 to index
      %get3A_269 = arith.constant 16 : index
      %get3A_270 = tpu.vector_load %arg5[%get3A_268, %get3A_269] {strides = array<i32>} : memref<16x64xi32, #tpu.memory_space<vmem>>, vector<16xi32>,
      %shift_right_logical3A_271 = arith.constant 16 : i32
      %shift_right_logical3A_272 = vector.broadcast %shift_right_logical3A_271 : i32 to vector<16xi32>
      %shift_right_logical3A_273 = arith.shrui %get3A_270, %shift_right_logical3A_272 : vector<16xi32>
      tpu.vector_store_idx %arg6[%shift_right_logical3A_273], %broadcast_in_dim3A_1 {add = true} : memref<10240xf32, #tpu.memory_space<vmem>>[vector<16xi32>], vector<16xf32>,
      %get3A_274 = arith.constant 9 : i32
      %get3A_275 = arith.index_cast %get3A_274 : i32 to index
      %get3A_276 = arith.constant 32 : index
      %get3A_277 = tpu.vector_load %arg5[%get3A_275, %get3A_276] {strides = array<i32>} : memref<16x64xi32, #tpu.memory_space<vmem>>, vector<16xi32>,
      %shift_right_logical3A_278 = arith.constant 16 : i32
      %shift_right_logical3A_279 = vector.broadcast %shift_right_logical3A_278 : i32 to vector<16xi32>
      %shift_right_logical3A_280 = arith.shrui %get3A_277, %shift_right_logical3A_279 : vector<16xi32>
      tpu.vector_store_idx %arg6[%shift_right_logical3A_280], %broadcast_in_dim3A_1 {add = true} : memref<10240xf32, #tpu.memory_space<vmem>>[vector<16xi32>], vector<16xf32>,
      %get3A_281 = arith.constant 9 : i32
      %get3A_282 = arith.index_cast %get3A_281 : i32 to index
      %get3A_283 = arith.constant 48 : index
      %get3A_284 = tpu.vector_load %arg5[%get3A_282, %get3A_283] {strides = array<i32>} : memref<16x64xi32, #tpu.memory_space<vmem>>, vector<16xi32>,
      %shift_right_logical3A_285 = arith.constant 16 : i32
      %shift_right_logical3A_286 = vector.broadcast %shift_right_logical3A_285 : i32 to vector<16xi32>
      %shift_right_logical3A_287 = arith.shrui %get3A_284, %shift_right_logical3A_286 : vector<16xi32>
      tpu.vector_store_idx %arg6[%shift_right_logical3A_287], %broadcast_in_dim3A_1 {add = true} : memref<10240xf32, #tpu.memory_space<vmem>>[vector<16xi32>], vector<16xf32>,
      %get3A_288 = arith.constant 10 : i32
      %get3A_289 = arith.index_cast %get3A_288 : i32 to index
      %get3A_290 = arith.constant 0 : index
      %get3A_291 = tpu.vector_load %arg5[%get3A_289, %get3A_290] {strides = array<i32>} : memref<16x64xi32, #tpu.memory_space<vmem>>, vector<16xi32>,
      %shift_right_logical3A_292 = arith.constant 16 : i32
      %shift_right_logical3A_293 = vector.broadcast %shift_right_logical3A_292 : i32 to vector<16xi32>
      %shift_right_logical3A_294 = arith.shrui %get3A_291, %shift_right_logical3A_293 : vector<16xi32>
      tpu.vector_store_idx %arg6[%shift_right_logical3A_294], %broadcast_in_dim3A_1 {add = true} : memref<10240xf32, #tpu.memory_space<vmem>>[vector<16xi32>], vector<16xf32>,
      %get3A_295 = arith.constant 10 : i32
      %get3A_296 = arith.index_cast %get3A_295 : i32 to index
      %get3A_297 = arith.constant 16 : index
      %get3A_298 = tpu.vector_load %arg5[%get3A_296, %get3A_297] {strides = array<i32>} : memref<16x64xi32, #tpu.memory_space<vmem>>, vector<16xi32>,
      %shift_right_logical3A_299 = arith.constant 16 : i32
      %shift_right_logical3A_300 = vector.broadcast %shift_right_logical3A_299 : i32 to vector<16xi32>
      %shift_right_logical3A_301 = arith.shrui %get3A_298, %shift_right_logical3A_300 : vector<16xi32>
      tpu.vector_store_idx %arg6[%shift_right_logical3A_301], %broadcast_in_dim3A_1 {add = true} : memref<10240xf32, #tpu.memory_space<vmem>>[vector<16xi32>], vector<16xf32>,
      %get3A_302 = arith.constant 10 : i32
      %get3A_303 = arith.index_cast %get3A_302 : i32 to index
      %get3A_304 = arith.constant 32 : index
      %get3A_305 = tpu.vector_load %arg5[%get3A_303, %get3A_304] {strides = array<i32>} : memref<16x64xi32, #tpu.memory_space<vmem>>, vector<16xi32>,
      %shift_right_logical3A_306 = arith.constant 16 : i32
      %shift_right_logical3A_307 = vector.broadcast %shift_right_logical3A_306 : i32 to vector<16xi32>
      %shift_right_logical3A_308 = arith.shrui %get3A_305, %shift_right_logical3A_307 : vector<16xi32>
      tpu.vector_store_idx %arg6[%shift_right_logical3A_308], %broadcast_in_dim3A_1 {add = true} : memref<10240xf32, #tpu.memory_space<vmem>>[vector<16xi32>], vector<16xf32>,
      %get3A_309 = arith.constant 10 : i32
      %get3A_310 = arith.index_cast %get3A_309 : i32 to index
      %get3A_311 = arith.constant 48 : index
      %get3A_312 = tpu.vector_load %arg5[%get3A_310, %get3A_311] {strides = array<i32>} : memref<16x64xi32, #tpu.memory_space<vmem>>, vector<16xi32>,
      %shift_right_logical3A_313 = arith.constant 16 : i32
      %shift_right_logical3A_314 = vector.broadcast %shift_right_logical3A_313 : i32 to vector<16xi32>
      %shift_right_logical3A_315 = arith.shrui %get3A_312, %shift_right_logical3A_314 : vector<16xi32>
      tpu.vector_store_idx %arg6[%shift_right_logical3A_315], %broadcast_in_dim3A_1 {add = true} : memref<10240xf32, #tpu.memory_space<vmem>>[vector<16xi32>], vector<16xf32>,
      %get3A_316 = arith.constant 11 : i32
      %get3A_317 = arith.index_cast %get3A_316 : i32 to index
      %get3A_318 = arith.constant 0 : index
      %get3A_319 = tpu.vector_load %arg5[%get3A_317, %get3A_318] {strides = array<i32>} : memref<16x64xi32, #tpu.memory_space<vmem>>, vector<16xi32>,
      %shift_right_logical3A_320 = arith.constant 16 : i32
      %shift_right_logical3A_321 = vector.broadcast %shift_right_logical3A_320 : i32 to vector<16xi32>
      %shift_right_logical3A_322 = arith.shrui %get3A_319, %shift_right_logical3A_321 : vector<16xi32>
      tpu.vector_store_idx %arg6[%shift_right_logical3A_322], %broadcast_in_dim3A_1 {add = true} : memref<10240xf32, #tpu.memory_space<vmem>>[vector<16xi32>], vector<16xf32>,
      %get3A_323 = arith.constant 11 : i32
      %get3A_324 = arith.index_cast %get3A_323 : i32 to index
      %get3A_325 = arith.constant 16 : index
      %get3A_326 = tpu.vector_load %arg5[%get3A_324, %get3A_325] {strides = array<i32>} : memref<16x64xi32, #tpu.memory_space<vmem>>, vector<16xi32>,
      %shift_right_logical3A_327 = arith.constant 16 : i32
      %shift_right_logical3A_328 = vector.broadcast %shift_right_logical3A_327 : i32 to vector<16xi32>
      %shift_right_logical3A_329 = arith.shrui %get3A_326, %shift_right_logical3A_328 : vector<16xi32>
      tpu.vector_store_idx %arg6[%shift_right_logical3A_329], %broadcast_in_dim3A_1 {add = true} : memref<10240xf32, #tpu.memory_space<vmem>>[vector<16xi32>], vector<16xf32>,
      %get3A_330 = arith.constant 11 : i32
      %get3A_331 = arith.index_cast %get3A_330 : i32 to index
      %get3A_332 = arith.constant 32 : index
      %get3A_333 = tpu.vector_load %arg5[%get3A_331, %get3A_332] {strides = array<i32>} : memref<16x64xi32, #tpu.memory_space<vmem>>, vector<16xi32>,
      %shift_right_logical3A_334 = arith.constant 16 : i32
      %shift_right_logical3A_335 = vector.broadcast %shift_right_logical3A_334 : i32 to vector<16xi32>
      %shift_right_logical3A_336 = arith.shrui %get3A_333, %shift_right_logical3A_335 : vector<16xi32>
      tpu.vector_store_idx %arg6[%shift_right_logical3A_336], %broadcast_in_dim3A_1 {add = true} : memref<10240xf32, #tpu.memory_space<vmem>>[vector<16xi32>], vector<16xf32>,
      %get3A_337 = arith.constant 11 : i32
      %get3A_338 = arith.index_cast %get3A_337 : i32 to index
      %get3A_339 = arith.constant 48 : index
      %get3A_340 = tpu.vector_load %arg5[%get3A_338, %get3A_339] {strides = array<i32>} : memref<16x64xi32, #tpu.memory_space<vmem>>, vector<16xi32>,
      %shift_right_logical3A_341 = arith.constant 16 : i32
      %shift_right_logical3A_342 = vector.broadcast %shift_right_logical3A_341 : i32 to vector<16xi32>
      %shift_right_logical3A_343 = arith.shrui %get3A_340, %shift_right_logical3A_342 : vector<16xi32>
      tpu.vector_store_idx %arg6[%shift_right_logical3A_343], %broadcast_in_dim3A_1 {add = true} : memref<10240xf32, #tpu.memory_space<vmem>>[vector<16xi32>], vector<16xf32>,
      %get3A_344 = arith.constant 12 : i32
      %get3A_345 = arith.index_cast %get3A_344 : i32 to index
      %get3A_346 = arith.constant 0 : index
      %get3A_347 = tpu.vector_load %arg5[%get3A_345, %get3A_346] {strides = array<i32>} : memref<16x64xi32, #tpu.memory_space<vmem>>, vector<16xi32>,
      %shift_right_logical3A_348 = arith.constant 16 : i32
      %shift_right_logical3A_349 = vector.broadcast %shift_right_logical3A_348 : i32 to vector<16xi32>
      %shift_right_logical3A_350 = arith.shrui %get3A_347, %shift_right_logical3A_349 : vector<16xi32>
      tpu.vector_store_idx %arg6[%shift_right_logical3A_350], %broadcast_in_dim3A_1 {add = true} : memref<10240xf32, #tpu.memory_space<vmem>>[vector<16xi32>], vector<16xf32>,
      %get3A_351 = arith.constant 12 : i32
      %get3A_352 = arith.index_cast %get3A_351 : i32 to index
      %get3A_353 = arith.constant 16 : index
      %get3A_354 = tpu.vector_load %arg5[%get3A_352, %get3A_353] {strides = array<i32>} : memref<16x64xi32, #tpu.memory_space<vmem>>, vector<16xi32>,
      %shift_right_logical3A_355 = arith.constant 16 : i32
      %shift_right_logical3A_356 = vector.broadcast %shift_right_logical3A_355 : i32 to vector<16xi32>
      %shift_right_logical3A_357 = arith.shrui %get3A_354, %shift_right_logical3A_356 : vector<16xi32>
      tpu.vector_store_idx %arg6[%shift_right_logical3A_357], %broadcast_in_dim3A_1 {add = true} : memref<10240xf32, #tpu.memory_space<vmem>>[vector<16xi32>], vector<16xf32>,
      %get3A_358 = arith.constant 12 : i32
      %get3A_359 = arith.index_cast %get3A_358 : i32 to index
      %get3A_360 = arith.constant 32 : index
      %get3A_361 = tpu.vector_load %arg5[%get3A_359, %get3A_360] {strides = array<i32>} : memref<16x64xi32, #tpu.memory_space<vmem>>, vector<16xi32>,
      %shift_right_logical3A_362 = arith.constant 16 : i32
      %shift_right_logical3A_363 = vector.broadcast %shift_right_logical3A_362 : i32 to vector<16xi32>
      %shift_right_logical3A_364 = arith.shrui %get3A_361, %shift_right_logical3A_363 : vector<16xi32>
      tpu.vector_store_idx %arg6[%shift_right_logical3A_364], %broadcast_in_dim3A_1 {add = true} : memref<10240xf32, #tpu.memory_space<vmem>>[vector<16xi32>], vector<16xf32>,
      %get3A_365 = arith.constant 12 : i32
      %get3A_366 = arith.index_cast %get3A_365 : i32 to index
      %get3A_367 = arith.constant 48 : index
      %get3A_368 = tpu.vector_load %arg5[%get3A_366, %get3A_367] {strides = array<i32>} : memref<16x64xi32, #tpu.memory_space<vmem>>, vector<16xi32>,
      %shift_right_logical3A_369 = arith.constant 16 : i32
      %shift_right_logical3A_370 = vector.broadcast %shift_right_logical3A_369 : i32 to vector<16xi32>
      %shift_right_logical3A_371 = arith.shrui %get3A_368, %shift_right_logical3A_370 : vector<16xi32>
      tpu.vector_store_idx %arg6[%shift_right_logical3A_371], %broadcast_in_dim3A_1 {add = true} : memref<10240xf32, #tpu.memory_space<vmem>>[vector<16xi32>], vector<16xf32>,
      %get3A_372 = arith.constant 13 : i32
      %get3A_373 = arith.index_cast %get3A_372 : i32 to index
      %get3A_374 = arith.constant 0 : index
      %get3A_375 = tpu.vector_load %arg5[%get3A_373, %get3A_374] {strides = array<i32>} : memref<16x64xi32, #tpu.memory_space<vmem>>, vector<16xi32>,
      %shift_right_logical3A_376 = arith.constant 16 : i32
      %shift_right_logical3A_377 = vector.broadcast %shift_right_logical3A_376 : i32 to vector<16xi32>
      %shift_right_logical3A_378 = arith.shrui %get3A_375, %shift_right_logical3A_377 : vector<16xi32>
      tpu.vector_store_idx %arg6[%shift_right_logical3A_378], %broadcast_in_dim3A_1 {add = true} : memref<10240xf32, #tpu.memory_space<vmem>>[vector<16xi32>], vector<16xf32>,
      %get3A_379 = arith.constant 13 : i32
      %get3A_380 = arith.index_cast %get3A_379 : i32 to index
      %get3A_381 = arith.constant 16 : index
      %get3A_382 = tpu.vector_load %arg5[%get3A_380, %get3A_381] {strides = array<i32>} : memref<16x64xi32, #tpu.memory_space<vmem>>, vector<16xi32>,
      %shift_right_logical3A_383 = arith.constant 16 : i32
      %shift_right_logical3A_384 = vector.broadcast %shift_right_logical3A_383 : i32 to vector<16xi32>
      %shift_right_logical3A_385 = arith.shrui %get3A_382, %shift_right_logical3A_384 : vector<16xi32>
      tpu.vector_store_idx %arg6[%shift_right_logical3A_385], %broadcast_in_dim3A_1 {add = true} : memref<10240xf32, #tpu.memory_space<vmem>>[vector<16xi32>], vector<16xf32>,
      %get3A_386 = arith.constant 13 : i32
      %get3A_387 = arith.index_cast %get3A_386 : i32 to index
      %get3A_388 = arith.constant 32 : index
      %get3A_389 = tpu.vector_load %arg5[%get3A_387, %get3A_388] {strides = array<i32>} : memref<16x64xi32, #tpu.memory_space<vmem>>, vector<16xi32>,
      %shift_right_logical3A_390 = arith.constant 16 : i32
      %shift_right_logical3A_391 = vector.broadcast %shift_right_logical3A_390 : i32 to vector<16xi32>
      %shift_right_logical3A_392 = arith.shrui %get3A_389, %shift_right_logical3A_391 : vector<16xi32>
      tpu.vector_store_idx %arg6[%shift_right_logical3A_392], %broadcast_in_dim3A_1 {add = true} : memref<10240xf32, #tpu.memory_space<vmem>>[vector<16xi32>], vector<16xf32>,
      %get3A_393 = arith.constant 13 : i32
      %get3A_394 = arith.index_cast %get3A_393 : i32 to index
      %get3A_395 = arith.constant 48 : index
      %get3A_396 = tpu.vector_load %arg5[%get3A_394, %get3A_395] {strides = array<i32>} : memref<16x64xi32, #tpu.memory_space<vmem>>, vector<16xi32>,
      %shift_right_logical3A_397 = arith.constant 16 : i32
      %shift_right_logical3A_398 = vector.broadcast %shift_right_logical3A_397 : i32 to vector<16xi32>
      %shift_right_logical3A_399 = arith.shrui %get3A_396, %shift_right_logical3A_398 : vector<16xi32>
      tpu.vector_store_idx %arg6[%shift_right_logical3A_399], %broadcast_in_dim3A_1 {add = true} : memref<10240xf32, #tpu.memory_space<vmem>>[vector<16xi32>], vector<16xf32>,
      %get3A_400 = arith.constant 14 : i32
      %get3A_401 = arith.index_cast %get3A_400 : i32 to index
      %get3A_402 = arith.constant 0 : index
      %get3A_403 = tpu.vector_load %arg5[%get3A_401, %get3A_402] {strides = array<i32>} : memref<16x64xi32, #tpu.memory_space<vmem>>, vector<16xi32>,
      %shift_right_logical3A_404 = arith.constant 16 : i32
      %shift_right_logical3A_405 = vector.broadcast %shift_right_logical3A_404 : i32 to vector<16xi32>
      %shift_right_logical3A_406 = arith.shrui %get3A_403, %shift_right_logical3A_405 : vector<16xi32>
      tpu.vector_store_idx %arg6[%shift_right_logical3A_406], %broadcast_in_dim3A_1 {add = true} : memref<10240xf32, #tpu.memory_space<vmem>>[vector<16xi32>], vector<16xf32>,
      %get3A_407 = arith.constant 14 : i32
      %get3A_408 = arith.index_cast %get3A_407 : i32 to index
      %get3A_409 = arith.constant 16 : index
      %get3A_410 = tpu.vector_load %arg5[%get3A_408, %get3A_409] {strides = array<i32>} : memref<16x64xi32, #tpu.memory_space<vmem>>, vector<16xi32>,
      %shift_right_logical3A_411 = arith.constant 16 : i32
      %shift_right_logical3A_412 = vector.broadcast %shift_right_logical3A_411 : i32 to vector<16xi32>
      %shift_right_logical3A_413 = arith.shrui %get3A_410, %shift_right_logical3A_412 : vector<16xi32>
      tpu.vector_store_idx %arg6[%shift_right_logical3A_413], %broadcast_in_dim3A_1 {add = true} : memref<10240xf32, #tpu.memory_space<vmem>>[vector<16xi32>], vector<16xf32>,
      %get3A_414 = arith.constant 14 : i32
      %get3A_415 = arith.index_cast %get3A_414 : i32 to index
      %get3A_416 = arith.constant 32 : index
      %get3A_417 = tpu.vector_load %arg5[%get3A_415, %get3A_416] {strides = array<i32>} : memref<16x64xi32, #tpu.memory_space<vmem>>, vector<16xi32>,
      %shift_right_logical3A_418 = arith.constant 16 : i32
      %shift_right_logical3A_419 = vector.broadcast %shift_right_logical3A_418 : i32 to vector<16xi32>
      %shift_right_logical3A_420 = arith.shrui %get3A_417, %shift_right_logical3A_419 : vector<16xi32>
      tpu.vector_store_idx %arg6[%shift_right_logical3A_420], %broadcast_in_dim3A_1 {add = true} : memref<10240xf32, #tpu.memory_space<vmem>>[vector<16xi32>], vector<16xf32>,
      %get3A_421 = arith.constant 14 : i32
      %get3A_422 = arith.index_cast %get3A_421 : i32 to index
      %get3A_423 = arith.constant 48 : index
      %get3A_424 = tpu.vector_load %arg5[%get3A_422, %get3A_423] {strides = array<i32>} : memref<16x64xi32, #tpu.memory_space<vmem>>, vector<16xi32>,
      %shift_right_logical3A_425 = arith.constant 16 : i32
      %shift_right_logical3A_426 = vector.broadcast %shift_right_logical3A_425 : i32 to vector<16xi32>
      %shift_right_logical3A_427 = arith.shrui %get3A_424, %shift_right_logical3A_426 : vector<16xi32>
      tpu.vector_store_idx %arg6[%shift_right_logical3A_427], %broadcast_in_dim3A_1 {add = true} : memref<10240xf32, #tpu.memory_space<vmem>>[vector<16xi32>], vector<16xf32>,
      %get3A_428 = arith.constant 15 : i32
      %get3A_429 = arith.index_cast %get3A_428 : i32 to index
      %get3A_430 = arith.constant 0 : index
      %get3A_431 = tpu.vector_load %arg5[%get3A_429, %get3A_430] {strides = array<i32>} : memref<16x64xi32, #tpu.memory_space<vmem>>, vector<16xi32>,
      %shift_right_logical3A_432 = arith.constant 16 : i32
      %shift_right_logical3A_433 = vector.broadcast %shift_right_logical3A_432 : i32 to vector<16xi32>
      %shift_right_logical3A_434 = arith.shrui %get3A_431, %shift_right_logical3A_433 : vector<16xi32>
      tpu.vector_store_idx %arg6[%shift_right_logical3A_434], %broadcast_in_dim3A_1 {add = true} : memref<10240xf32, #tpu.memory_space<vmem>>[vector<16xi32>], vector<16xf32>,
      %get3A_435 = arith.constant 15 : i32
      %get3A_436 = arith.index_cast %get3A_435 : i32 to index
      %get3A_437 = arith.constant 16 : index
      %get3A_438 = tpu.vector_load %arg5[%get3A_436, %get3A_437] {strides = array<i32>} : memref<16x64xi32, #tpu.memory_space<vmem>>, vector<16xi32>,
      %shift_right_logical3A_439 = arith.constant 16 : i32
      %shift_right_logical3A_440 = vector.broadcast %shift_right_logical3A_439 : i32 to vector<16xi32>
      %shift_right_logical3A_441 = arith.shrui %get3A_438, %shift_right_logical3A_440 : vector<16xi32>
      tpu.vector_store_idx %arg6[%shift_right_logical3A_441], %broadcast_in_dim3A_1 {add = true} : memref<10240xf32, #tpu.memory_space<vmem>>[vector<16xi32>], vector<16xf32>,
      %get3A_442 = arith.constant 15 : i32
      %get3A_443 = arith.index_cast %get3A_442 : i32 to index
      %get3A_444 = arith.constant 32 : index
      %get3A_445 = tpu.vector_load %arg5[%get3A_443, %get3A_444] {strides = array<i32>} : memref<16x64xi32, #tpu.memory_space<vmem>>, vector<16xi32>,
      %shift_right_logical3A_446 = arith.constant 16 : i32
      %shift_right_logical3A_447 = vector.broadcast %shift_right_logical3A_446 : i32 to vector<16xi32>
      %shift_right_logical3A_448 = arith.shrui %get3A_445, %shift_right_logical3A_447 : vector<16xi32>
      tpu.vector_store_idx %arg6[%shift_right_logical3A_448], %broadcast_in_dim3A_1 {add = true} : memref<10240xf32, #tpu.memory_space<vmem>>[vector<16xi32>], vector<16xf32>,
      %get3A_449 = arith.constant 15 : i32
      %get3A_450 = arith.index_cast %get3A_449 : i32 to index
      %get3A_451 = arith.constant 48 : index
      %get3A_452 = tpu.vector_load %arg5[%get3A_450, %get3A_451] {strides = array<i32>} : memref<16x64xi32, #tpu.memory_space<vmem>>, vector<16xi32>,
      %shift_right_logical3A_453 = arith.constant 16 : i32
      %shift_right_logical3A_454 = vector.broadcast %shift_right_logical3A_453 : i32 to vector<16xi32>
      %shift_right_logical3A_455 = arith.shrui %get3A_452, %shift_right_logical3A_454 : vector<16xi32>
      tpu.vector_store_idx %arg6[%shift_right_logical3A_455], %broadcast_in_dim3A_1 {add = true} : memref<10240xf32, #tpu.memory_space<vmem>>[vector<16xi32>], vector<16xf32>,
    }
    %scan3A_6 = arith.constant 10 : i32
    "tpu.region"() ({
      %run_scoped3A = tpu.sem_alloc : memref<!tpu.dma_semaphore, #tpu.memory_space<semaphore_mem>>
      %dma_start3A = arith.constant 0 : i32
      %dma_start3A_7 = tpu.memref_slice %arg4[%add3A, %dma_start3A] : memref<32x10240xf32, #tpu.memory_space<hbm>> -> memref<1x10240xf32, #tpu.memory_space<hbm>>
      %dma_start3A_8 = tpu.memref_squeeze %dma_start3A_7 : memref<1x10240xf32, #tpu.memory_space<hbm>> -> memref<10240xf32, #tpu.memory_space<hbm>>
      %dma_start3A_9 = arith.constant 0 : i32
      %dma_start3A_10 = tpu.memref_slice %arg4[%add3A, %dma_start3A_9] : memref<32x10240xf32, #tpu.memory_space<hbm>> -> memref<1x10240xf32, #tpu.memory_space<hbm>>
      %dma_start3A_11 = tpu.memref_squeeze %dma_start3A_10 : memref<1x10240xf32, #tpu.memory_space<hbm>> -> memref<10240xf32, #tpu.memory_space<hbm>>
      tpu.enqueue_dma source(%arg6 : memref<10240xf32, #tpu.memory_space<vmem>>) target(%dma_start3A_11 : memref<10240xf32, #tpu.memory_space<hbm>>) target_semaphore(%run_scoped3A : memref<!tpu.dma_semaphore, #tpu.memory_space<semaphore_mem>>)
      %dma_wait3A = arith.constant 0 : i32
      %dma_wait3A_12 = tpu.memref_slice %arg4[%add3A, %dma_wait3A] : memref<32x10240xf32, #tpu.memory_space<hbm>> -> memref<1x10240xf32, #tpu.memory_space<hbm>>
      %dma_wait3A_13 = tpu.memref_squeeze %dma_wait3A_12 : memref<1x10240xf32, #tpu.memory_space<hbm>> -> memref<10240xf32, #tpu.memory_space<hbm>>
      %dma_wait3A_14 = arith.constant 0 : i32
      %dma_wait3A_15 = tpu.memref_slice %arg4[%add3A, %dma_wait3A_14] : memref<32x10240xf32, #tpu.memory_space<hbm>> -> memref<1x10240xf32, #tpu.memory_space<hbm>>
      %dma_wait3A_16 = tpu.memref_squeeze %dma_wait3A_15 : memref<1x10240xf32, #tpu.memory_space<hbm>> -> memref<10240xf32, #tpu.memory_space<hbm>>
      tpu.wait_dma2 semaphore(%run_scoped3A : memref<!tpu.dma_semaphore, #tpu.memory_space<semaphore_mem>>) src(%arg6 : memref<10240xf32, #tpu.memory_space<vmem>>) dst(%dma_wait3A_16 : memref<10240xf32, #tpu.memory_space<hbm>>)
      tpu.yield
    }) : () -> ()
    return
  }
}

#map = affine_map<(d0, d1) -> (0, 0)>
#map1 = affine_map<(d0, d1) -> (0, 0, 0)>
module attributes {stable_mosaic.version = 14 : i64} {
  func.func @_sc_scatter_body(%arg0: i32, %arg1: i32, %arg2: memref<10240x128xf32, #tpu.memory_space<hbm>>, %arg3: memref<32x160x64xi32, #tpu.memory_space<hbm>>, %arg4: memref<640x128xf32, #tpu.memory_space<hbm>>, %arg5: memref<2x10240x128xf32, #tpu.memory_space<hbm>>, %arg6: memref<160x64xi32, #tpu.memory_space<vmem>>, %arg7: memref<64xi32, #tpu.memory_space<vmem>>, %arg8: memref<64xi32, #tpu.memory_space<vmem>>, %arg9: memref<64xi32, #tpu.memory_space<vmem>>, %arg10: memref<64xi32, #tpu.memory_space<vmem>>, %arg11: memref<64x128xf32, #tpu.memory_space<vmem>>, %arg12: memref<64x128xf32, #tpu.memory_space<vmem>>, %arg13: memref<10240x128xf32, #tpu.memory_space<vmem_shared>>, %arg14: memref<!tpu.dma_semaphore, #tpu.memory_space<semaphore_mem>>, %arg15: memref<!tpu.dma_semaphore, #tpu.memory_space<semaphore_mem>>) attributes {dimension_semantics = [#tpu.dimension_semantics<core_parallel>, #tpu.dimension_semantics<subcore_parallel>], iteration_bounds = array<i64: 2, 16>, scalar_prefetch = 0 : i64, scratch_operands = 10 : i64, tpu.core_type = #tpu.core_type<sc_vector_subcore>, window_params = [{transform_indices = #map}, {transform_indices = #map1}, {transform_indices = #map}, {transform_indices = #map1}]} {
    %mul3A = arith.constant 16 : i32
    %mul3A_0 = arith.muli %arg0, %mul3A : i32
    %add3A = arith.addi %mul3A_0, %arg1 : i32
    %mul3A_1 = arith.constant 640 : i32
    %mul3A_2 = arith.muli %arg1, %mul3A_1 : i32
    "tpu.region"() ({
      %run_scoped3A = tpu.sem_alloc : memref<!tpu.dma_semaphore, #tpu.memory_space<semaphore_mem>>
      %dma_start3A_147 = arith.constant 0 : i32
      %dma_start3A_148 = arith.constant 0 : i32
      %dma_start3A_149 = tpu.memref_slice %arg3[%add3A, %dma_start3A_147, %dma_start3A_148] : memref<32x160x64xi32, #tpu.memory_space<hbm>> -> memref<1x160x64xi32, #tpu.memory_space<hbm>>
      %dma_start3A_150 = tpu.memref_squeeze %dma_start3A_149 : memref<1x160x64xi32, #tpu.memory_space<hbm>> -> memref<160x64xi32, #tpu.memory_space<hbm>>
      %dma_start3A_151 = arith.constant 0 : i32
      %dma_start3A_152 = arith.constant 0 : i32
      %dma_start3A_153 = tpu.memref_slice %arg3[%add3A, %dma_start3A_151, %dma_start3A_152] : memref<32x160x64xi32, #tpu.memory_space<hbm>> -> memref<1x160x64xi32, #tpu.memory_space<hbm>>
      %dma_start3A_154 = tpu.memref_squeeze %dma_start3A_153 : memref<1x160x64xi32, #tpu.memory_space<hbm>> -> memref<160x64xi32, #tpu.memory_space<hbm>>
      tpu.enqueue_dma source(%dma_start3A_154 : memref<160x64xi32, #tpu.memory_space<hbm>>) target(%arg6 : memref<160x64xi32, #tpu.memory_space<vmem>>) target_semaphore(%run_scoped3A : memref<!tpu.dma_semaphore, #tpu.memory_space<semaphore_mem>>)
      %dma_wait3A = arith.constant 0 : i32
      %dma_wait3A_155 = arith.constant 0 : i32
      %dma_wait3A_156 = tpu.memref_slice %arg3[%add3A, %dma_wait3A, %dma_wait3A_155] : memref<32x160x64xi32, #tpu.memory_space<hbm>> -> memref<1x160x64xi32, #tpu.memory_space<hbm>>
      %dma_wait3A_157 = tpu.memref_squeeze %dma_wait3A_156 : memref<1x160x64xi32, #tpu.memory_space<hbm>> -> memref<160x64xi32, #tpu.memory_space<hbm>>
      %dma_wait3A_158 = arith.constant 0 : i32
      %dma_wait3A_159 = arith.constant 0 : i32
      %dma_wait3A_160 = tpu.memref_slice %arg3[%add3A, %dma_wait3A_158, %dma_wait3A_159] : memref<32x160x64xi32, #tpu.memory_space<hbm>> -> memref<1x160x64xi32, #tpu.memory_space<hbm>>
      %dma_wait3A_161 = tpu.memref_squeeze %dma_wait3A_160 : memref<1x160x64xi32, #tpu.memory_space<hbm>> -> memref<160x64xi32, #tpu.memory_space<hbm>>
      tpu.wait_dma2 semaphore(%run_scoped3A : memref<!tpu.dma_semaphore, #tpu.memory_space<semaphore_mem>>) src(%dma_wait3A_161 : memref<160x64xi32, #tpu.memory_space<hbm>>) dst(%arg6 : memref<160x64xi32, #tpu.memory_space<vmem>>)
      tpu.yield
    }) : () -> ()
    "tpu.region"() ({
      %run_scoped3A = tpu.sem_alloc : memref<!tpu.dma_semaphore, #tpu.memory_space<semaphore_mem>>
      %dma_start3A_147 = arith.constant 0 : i32
      %dma_start3A_148 = tpu.memref_slice %arg13[%mul3A_2, %dma_start3A_147] : memref<10240x128xf32, #tpu.memory_space<vmem_shared>> -> memref<640x128xf32, #tpu.memory_space<vmem_shared>>
      tpu.enqueue_dma source(%arg4 : memref<640x128xf32, #tpu.memory_space<hbm>>) target(%dma_start3A_148 : memref<640x128xf32, #tpu.memory_space<vmem_shared>>) target_semaphore(%run_scoped3A : memref<!tpu.dma_semaphore, #tpu.memory_space<semaphore_mem>>)
      %dma_wait3A = arith.constant 0 : i32
      %dma_wait3A_149 = tpu.memref_slice %arg13[%mul3A_2, %dma_wait3A] : memref<10240x128xf32, #tpu.memory_space<vmem_shared>> -> memref<640x128xf32, #tpu.memory_space<vmem_shared>>
      tpu.wait_dma2 semaphore(%run_scoped3A : memref<!tpu.dma_semaphore, #tpu.memory_space<semaphore_mem>>) src(%arg4 : memref<640x128xf32, #tpu.memory_space<hbm>>) dst(%dma_wait3A_149 : memref<640x128xf32, #tpu.memory_space<vmem_shared>>)
      tpu.yield
    }) : () -> ()
    %barrier3A = arith.constant 0 : index
    tpu.barrier barrier_id(%barrier3A)
    %broadcast_in_dim3A = arith.constant 65535 : i32
    %broadcast_in_dim3A_3 = vector.broadcast %broadcast_in_dim3A : i32 to vector<16xi32>
    %get3A = arith.constant 0 : i32
    %get3A_4 = arith.index_cast %get3A : i32 to index
    %get3A_5 = arith.constant 0 : index
    %get3A_6 = tpu.vector_load %arg6[%get3A_4, %get3A_5] {strides = array<i32>} : memref<160x64xi32, #tpu.memory_space<vmem>>, vector<1x16xi32>,
    %get3A_7 = vector.shape_cast %get3A_6 : vector<1x16xi32> to vector<16xi32>
    %and3A = arith.andi %get3A_7, %broadcast_in_dim3A_3 : vector<16xi32>
    %swap3A = arith.constant 0 : index
    %swap3A_8 = tpu.vector_load %arg7[%swap3A] {strides = array<i32>} : memref<64xi32, #tpu.memory_space<vmem>>, vector<16xi32>,
    %swap3A_9 = vector.shape_cast %swap3A_8 : vector<16xi32> to vector<16xi32>
    %swap3A_10 = vector.shape_cast %and3A : vector<16xi32> to vector<16xi32>
    tpu.vector_store %arg7[%swap3A], %swap3A_10 {strides = array<i32>} : memref<64xi32, #tpu.memory_space<vmem>>, vector<16xi32>,
    %shift_right_logical3A = arith.constant 16 : i32
    %shift_right_logical3A_11 = vector.broadcast %shift_right_logical3A : i32 to vector<16xi32>
    %shift_right_logical3A_12 = arith.shrui %get3A_7, %shift_right_logical3A_11 : vector<16xi32>
    %swap3A_13 = arith.constant 0 : index
    %swap3A_14 = tpu.vector_load %arg9[%swap3A_13] {strides = array<i32>} : memref<64xi32, #tpu.memory_space<vmem>>, vector<16xi32>,
    %swap3A_15 = vector.shape_cast %swap3A_14 : vector<16xi32> to vector<16xi32>
    %swap3A_16 = vector.shape_cast %shift_right_logical3A_12 : vector<16xi32> to vector<16xi32>
    tpu.vector_store %arg9[%swap3A_13], %swap3A_16 {strides = array<i32>} : memref<64xi32, #tpu.memory_space<vmem>>, vector<16xi32>,
    %get3A_17 = arith.constant 0 : i32
    %get3A_18 = arith.index_cast %get3A_17 : i32 to index
    %get3A_19 = arith.constant 16 : index
    %get3A_20 = tpu.vector_load %arg6[%get3A_18, %get3A_19] {strides = array<i32>} : memref<160x64xi32, #tpu.memory_space<vmem>>, vector<1x16xi32>,
    %get3A_21 = vector.shape_cast %get3A_20 : vector<1x16xi32> to vector<16xi32>
    %and3A_22 = arith.andi %get3A_21, %broadcast_in_dim3A_3 : vector<16xi32>
    %swap3A_23 = arith.constant 16 : index
    %swap3A_24 = tpu.vector_load %arg7[%swap3A_23] {strides = array<i32>} : memref<64xi32, #tpu.memory_space<vmem>>, vector<16xi32>,
    %swap3A_25 = vector.shape_cast %swap3A_24 : vector<16xi32> to vector<16xi32>
    %swap3A_26 = vector.shape_cast %and3A_22 : vector<16xi32> to vector<16xi32>
    tpu.vector_store %arg7[%swap3A_23], %swap3A_26 {strides = array<i32>} : memref<64xi32, #tpu.memory_space<vmem>>, vector<16xi32>,
    %shift_right_logical3A_27 = arith.constant 16 : i32
    %shift_right_logical3A_28 = vector.broadcast %shift_right_logical3A_27 : i32 to vector<16xi32>
    %shift_right_logical3A_29 = arith.shrui %get3A_21, %shift_right_logical3A_28 : vector<16xi32>
    %swap3A_30 = arith.constant 16 : index
    %swap3A_31 = tpu.vector_load %arg9[%swap3A_30] {strides = array<i32>} : memref<64xi32, #tpu.memory_space<vmem>>, vector<16xi32>,
    %swap3A_32 = vector.shape_cast %swap3A_31 : vector<16xi32> to vector<16xi32>
    %swap3A_33 = vector.shape_cast %shift_right_logical3A_29 : vector<16xi32> to vector<16xi32>
    tpu.vector_store %arg9[%swap3A_30], %swap3A_33 {strides = array<i32>} : memref<64xi32, #tpu.memory_space<vmem>>, vector<16xi32>,
    %get3A_34 = arith.constant 0 : i32
    %get3A_35 = arith.index_cast %get3A_34 : i32 to index
    %get3A_36 = arith.constant 32 : index
    %get3A_37 = tpu.vector_load %arg6[%get3A_35, %get3A_36] {strides = array<i32>} : memref<160x64xi32, #tpu.memory_space<vmem>>, vector<1x16xi32>,
    %get3A_38 = vector.shape_cast %get3A_37 : vector<1x16xi32> to vector<16xi32>
    %and3A_39 = arith.andi %get3A_38, %broadcast_in_dim3A_3 : vector<16xi32>
    %swap3A_40 = arith.constant 32 : index
    %swap3A_41 = tpu.vector_load %arg7[%swap3A_40] {strides = array<i32>} : memref<64xi32, #tpu.memory_space<vmem>>, vector<16xi32>,
    %swap3A_42 = vector.shape_cast %swap3A_41 : vector<16xi32> to vector<16xi32>
    %swap3A_43 = vector.shape_cast %and3A_39 : vector<16xi32> to vector<16xi32>
    tpu.vector_store %arg7[%swap3A_40], %swap3A_43 {strides = array<i32>} : memref<64xi32, #tpu.memory_space<vmem>>, vector<16xi32>,
    %shift_right_logical3A_44 = arith.constant 16 : i32
    %shift_right_logical3A_45 = vector.broadcast %shift_right_logical3A_44 : i32 to vector<16xi32>
    %shift_right_logical3A_46 = arith.shrui %get3A_38, %shift_right_logical3A_45 : vector<16xi32>
    %swap3A_47 = arith.constant 32 : index
    %swap3A_48 = tpu.vector_load %arg9[%swap3A_47] {strides = array<i32>} : memref<64xi32, #tpu.memory_space<vmem>>, vector<16xi32>,
    %swap3A_49 = vector.shape_cast %swap3A_48 : vector<16xi32> to vector<16xi32>
    %swap3A_50 = vector.shape_cast %shift_right_logical3A_46 : vector<16xi32> to vector<16xi32>
    tpu.vector_store %arg9[%swap3A_47], %swap3A_50 {strides = array<i32>} : memref<64xi32, #tpu.memory_space<vmem>>, vector<16xi32>,
    %get3A_51 = arith.constant 0 : i32
    %get3A_52 = arith.index_cast %get3A_51 : i32 to index
    %get3A_53 = arith.constant 48 : index
    %get3A_54 = tpu.vector_load %arg6[%get3A_52, %get3A_53] {strides = array<i32>} : memref<160x64xi32, #tpu.memory_space<vmem>>, vector<1x16xi32>,
    %get3A_55 = vector.shape_cast %get3A_54 : vector<1x16xi32> to vector<16xi32>
    %and3A_56 = arith.andi %get3A_55, %broadcast_in_dim3A_3 : vector<16xi32>
    %swap3A_57 = arith.constant 48 : index
    %swap3A_58 = tpu.vector_load %arg7[%swap3A_57] {strides = array<i32>} : memref<64xi32, #tpu.memory_space<vmem>>, vector<16xi32>,
    %swap3A_59 = vector.shape_cast %swap3A_58 : vector<16xi32> to vector<16xi32>
    %swap3A_60 = vector.shape_cast %and3A_56 : vector<16xi32> to vector<16xi32>
    tpu.vector_store %arg7[%swap3A_57], %swap3A_60 {strides = array<i32>} : memref<64xi32, #tpu.memory_space<vmem>>, vector<16xi32>,
    %shift_right_logical3A_61 = arith.constant 16 : i32
    %shift_right_logical3A_62 = vector.broadcast %shift_right_logical3A_61 : i32 to vector<16xi32>
    %shift_right_logical3A_63 = arith.shrui %get3A_55, %shift_right_logical3A_62 : vector<16xi32>
    %swap3A_64 = arith.constant 48 : index
    %swap3A_65 = tpu.vector_load %arg9[%swap3A_64] {strides = array<i32>} : memref<64xi32, #tpu.memory_space<vmem>>, vector<16xi32>,
    %swap3A_66 = vector.shape_cast %swap3A_65 : vector<16xi32> to vector<16xi32>
    %swap3A_67 = vector.shape_cast %shift_right_logical3A_63 : vector<16xi32> to vector<16xi32>
    tpu.vector_store %arg9[%swap3A_64], %swap3A_67 {strides = array<i32>} : memref<64xi32, #tpu.memory_space<vmem>>, vector<16xi32>,
    %dma_start3A = arith.constant 0 : i32
    %dma_start3A_68 = arith.constant 0 : i32
    %dma_start3A_69 = tpu.memref_slice %arg2[%dma_start3A, %dma_start3A_68] : memref<10240x128xf32, #tpu.memory_space<hbm>> -> memref<10240x128xf32, #tpu.memory_space<hbm>>
    tpu.enqueue_indirect_dma source(%dma_start3A_69 : memref<10240x128xf32, #tpu.memory_space<hbm>>) target(%arg11 : memref<64x128xf32, #tpu.memory_space<vmem>>) offsets(%arg7 : memref<64xi32, #tpu.memory_space<vmem>>) semaphore(%arg14 : memref<!tpu.dma_semaphore, #tpu.memory_space<semaphore_mem>>)
    %get3A_70 = arith.constant 1 : i32
    %get3A_71 = arith.index_cast %get3A_70 : i32 to index
    %get3A_72 = arith.constant 0 : index
    %get3A_73 = tpu.vector_load %arg6[%get3A_71, %get3A_72] {strides = array<i32>} : memref<160x64xi32, #tpu.memory_space<vmem>>, vector<1x16xi32>,
    %get3A_74 = vector.shape_cast %get3A_73 : vector<1x16xi32> to vector<16xi32>
    %and3A_75 = arith.andi %get3A_74, %broadcast_in_dim3A_3 : vector<16xi32>
    %swap3A_76 = arith.constant 0 : index
    %swap3A_77 = tpu.vector_load %arg8[%swap3A_76] {strides = array<i32>} : memref<64xi32, #tpu.memory_space<vmem>>, vector<16xi32>,
    %swap3A_78 = vector.shape_cast %swap3A_77 : vector<16xi32> to vector<16xi32>
    %swap3A_79 = vector.shape_cast %and3A_75 : vector<16xi32> to vector<16xi32>
    tpu.vector_store %arg8[%swap3A_76], %swap3A_79 {strides = array<i32>} : memref<64xi32, #tpu.memory_space<vmem>>, vector<16xi32>,
    %shift_right_logical3A_80 = arith.constant 16 : i32
    %shift_right_logical3A_81 = vector.broadcast %shift_right_logical3A_80 : i32 to vector<16xi32>
    %shift_right_logical3A_82 = arith.shrui %get3A_74, %shift_right_logical3A_81 : vector<16xi32>
    %swap3A_83 = arith.constant 0 : index
    %swap3A_84 = tpu.vector_load %arg10[%swap3A_83] {strides = array<i32>} : memref<64xi32, #tpu.memory_space<vmem>>, vector<16xi32>,
    %swap3A_85 = vector.shape_cast %swap3A_84 : vector<16xi32> to vector<16xi32>
    %swap3A_86 = vector.shape_cast %shift_right_logical3A_82 : vector<16xi32> to vector<16xi32>
    tpu.vector_store %arg10[%swap3A_83], %swap3A_86 {strides = array<i32>} : memref<64xi32, #tpu.memory_space<vmem>>, vector<16xi32>,
    %get3A_87 = arith.constant 1 : i32
    %get3A_88 = arith.index_cast %get3A_87 : i32 to index
    %get3A_89 = arith.constant 16 : index
    %get3A_90 = tpu.vector_load %arg6[%get3A_88, %get3A_89] {strides = array<i32>} : memref<160x64xi32, #tpu.memory_space<vmem>>, vector<1x16xi32>,
    %get3A_91 = vector.shape_cast %get3A_90 : vector<1x16xi32> to vector<16xi32>
    %and3A_92 = arith.andi %get3A_91, %broadcast_in_dim3A_3 : vector<16xi32>
    %swap3A_93 = arith.constant 16 : index
    %swap3A_94 = tpu.vector_load %arg8[%swap3A_93] {strides = array<i32>} : memref<64xi32, #tpu.memory_space<vmem>>, vector<16xi32>,
    %swap3A_95 = vector.shape_cast %swap3A_94 : vector<16xi32> to vector<16xi32>
    %swap3A_96 = vector.shape_cast %and3A_92 : vector<16xi32> to vector<16xi32>
    tpu.vector_store %arg8[%swap3A_93], %swap3A_96 {strides = array<i32>} : memref<64xi32, #tpu.memory_space<vmem>>, vector<16xi32>,
    %shift_right_logical3A_97 = arith.constant 16 : i32
    %shift_right_logical3A_98 = vector.broadcast %shift_right_logical3A_97 : i32 to vector<16xi32>
    %shift_right_logical3A_99 = arith.shrui %get3A_91, %shift_right_logical3A_98 : vector<16xi32>
    %swap3A_100 = arith.constant 16 : index
    %swap3A_101 = tpu.vector_load %arg10[%swap3A_100] {strides = array<i32>} : memref<64xi32, #tpu.memory_space<vmem>>, vector<16xi32>,
    %swap3A_102 = vector.shape_cast %swap3A_101 : vector<16xi32> to vector<16xi32>
    %swap3A_103 = vector.shape_cast %shift_right_logical3A_99 : vector<16xi32> to vector<16xi32>
    tpu.vector_store %arg10[%swap3A_100], %swap3A_103 {strides = array<i32>} : memref<64xi32, #tpu.memory_space<vmem>>, vector<16xi32>,
    %get3A_104 = arith.constant 1 : i32
    %get3A_105 = arith.index_cast %get3A_104 : i32 to index
    %get3A_106 = arith.constant 32 : index
    %get3A_107 = tpu.vector_load %arg6[%get3A_105, %get3A_106] {strides = array<i32>} : memref<160x64xi32, #tpu.memory_space<vmem>>, vector<1x16xi32>,
    %get3A_108 = vector.shape_cast %get3A_107 : vector<1x16xi32> to vector<16xi32>
    %and3A_109 = arith.andi %get3A_108, %broadcast_in_dim3A_3 : vector<16xi32>
    %swap3A_110 = arith.constant 32 : index
    %swap3A_111 = tpu.vector_load %arg8[%swap3A_110] {strides = array<i32>} : memref<64xi32, #tpu.memory_space<vmem>>, vector<16xi32>,
    %swap3A_112 = vector.shape_cast %swap3A_111 : vector<16xi32> to vector<16xi32>
    %swap3A_113 = vector.shape_cast %and3A_109 : vector<16xi32> to vector<16xi32>
    tpu.vector_store %arg8[%swap3A_110], %swap3A_113 {strides = array<i32>} : memref<64xi32, #tpu.memory_space<vmem>>, vector<16xi32>,
    %shift_right_logical3A_114 = arith.constant 16 : i32
    %shift_right_logical3A_115 = vector.broadcast %shift_right_logical3A_114 : i32 to vector<16xi32>
    %shift_right_logical3A_116 = arith.shrui %get3A_108, %shift_right_logical3A_115 : vector<16xi32>
    %swap3A_117 = arith.constant 32 : index
    %swap3A_118 = tpu.vector_load %arg10[%swap3A_117] {strides = array<i32>} : memref<64xi32, #tpu.memory_space<vmem>>, vector<16xi32>,
    %swap3A_119 = vector.shape_cast %swap3A_118 : vector<16xi32> to vector<16xi32>
    %swap3A_120 = vector.shape_cast %shift_right_logical3A_116 : vector<16xi32> to vector<16xi32>
    tpu.vector_store %arg10[%swap3A_117], %swap3A_120 {strides = array<i32>} : memref<64xi32, #tpu.memory_space<vmem>>, vector<16xi32>,
    %get3A_121 = arith.constant 1 : i32
    %get3A_122 = arith.index_cast %get3A_121 : i32 to index
    %get3A_123 = arith.constant 48 : index
    %get3A_124 = tpu.vector_load %arg6[%get3A_122, %get3A_123] {strides = array<i32>} : memref<160x64xi32, #tpu.memory_space<vmem>>, vector<1x16xi32>,
    %get3A_125 = vector.shape_cast %get3A_124 : vector<1x16xi32> to vector<16xi32>
    %and3A_126 = arith.andi %get3A_125, %broadcast_in_dim3A_3 : vector<16xi32>
    %swap3A_127 = arith.constant 48 : index
    %swap3A_128 = tpu.vector_load %arg8[%swap3A_127] {strides = array<i32>} : memref<64xi32, #tpu.memory_space<vmem>>, vector<16xi32>,
    %swap3A_129 = vector.shape_cast %swap3A_128 : vector<16xi32> to vector<16xi32>
    %swap3A_130 = vector.shape_cast %and3A_126 : vector<16xi32> to vector<16xi32>
    tpu.vector_store %arg8[%swap3A_127], %swap3A_130 {strides = array<i32>} : memref<64xi32, #tpu.memory_space<vmem>>, vector<16xi32>,
    %shift_right_logical3A_131 = arith.constant 16 : i32
    %shift_right_logical3A_132 = vector.broadcast %shift_right_logical3A_131 : i32 to vector<16xi32>
    %shift_right_logical3A_133 = arith.shrui %get3A_125, %shift_right_logical3A_132 : vector<16xi32>
    %swap3A_134 = arith.constant 48 : index
    %swap3A_135 = tpu.vector_load %arg10[%swap3A_134] {strides = array<i32>} : memref<64xi32, #tpu.memory_space<vmem>>, vector<16xi32>,
    %swap3A_136 = vector.shape_cast %swap3A_135 : vector<16xi32> to vector<16xi32>
    %swap3A_137 = vector.shape_cast %shift_right_logical3A_133 : vector<16xi32> to vector<16xi32>
    tpu.vector_store %arg10[%swap3A_134], %swap3A_137 {strides = array<i32>} : memref<64xi32, #tpu.memory_space<vmem>>, vector<16xi32>,
    %dma_start3A_138 = arith.constant 0 : i32
    %dma_start3A_139 = arith.constant 0 : i32
    %dma_start3A_140 = tpu.memref_slice %arg2[%dma_start3A_138, %dma_start3A_139] : memref<10240x128xf32, #tpu.memory_space<hbm>> -> memref<10240x128xf32, #tpu.memory_space<hbm>>
    tpu.enqueue_indirect_dma source(%dma_start3A_140 : memref<10240x128xf32, #tpu.memory_space<hbm>>) target(%arg12 : memref<64x128xf32, #tpu.memory_space<vmem>>) offsets(%arg8 : memref<64xi32, #tpu.memory_space<vmem>>) semaphore(%arg15 : memref<!tpu.dma_semaphore, #tpu.memory_space<semaphore_mem>>)
    %scan3A = arith.constant 0 : i32
    %scan3A_141 = arith.constant 0 : i32
    %scan3A_142 = arith.constant 80 : i32
    %scan3A_143 = arith.addi %scan3A_141, %scan3A_142 : i32
    %scan3A_144 = arith.constant 1 : i32
    scf.for %scan3A_147 = %scan3A_141 to %scan3A_143 step %scan3A_144  : i32 {
      %mul3A_148 = arith.constant 2 : i32
      %mul3A_149 = arith.muli %scan3A_147, %mul3A_148 : i32
      %add3A_150 = arith.constant 0 : i32
      %add3A_151 = arith.addi %mul3A_149, %add3A_150 : i32
      %dma_wait3A = arith.constant 0 : i32
      %dma_wait3A_152 = arith.constant 0 : i32
      %dma_wait3A_153 = tpu.memref_slice %arg2[%dma_wait3A, %dma_wait3A_152] : memref<10240x128xf32, #tpu.memory_space<hbm>> -> memref<10240x128xf32, #tpu.memory_space<hbm>>
      tpu.wait_indirect_dma semaphore(%arg14 : memref<!tpu.dma_semaphore, #tpu.memory_space<semaphore_mem>>) src(%dma_wait3A_153 : memref<10240x128xf32, #tpu.memory_space<hbm>>) dst(%arg11 : memref<64x128xf32, #tpu.memory_space<vmem>>)
      "tpu.region"() ({
        %run_scoped3A = tpu.sem_alloc : memref<!tpu.dma_semaphore, #tpu.memory_space<semaphore_mem>>
        %dma_start3A_172 = arith.constant 0 : i32
        %dma_start3A_173 = arith.constant 0 : i32
        %dma_start3A_174 = tpu.memref_slice %arg13[%dma_start3A_172, %dma_start3A_173] : memref<10240x128xf32, #tpu.memory_space<vmem_shared>> -> memref<10240x128xf32, #tpu.memory_space<vmem_shared>>
        tpu.enqueue_indirect_dma source(%arg11 : memref<64x128xf32, #tpu.memory_space<vmem>>) target(%dma_start3A_174 : memref<10240x128xf32, #tpu.memory_space<vmem_shared>>) offsets(%arg9 : memref<64xi32, #tpu.memory_space<vmem>>) semaphore(%run_scoped3A : memref<!tpu.dma_semaphore, #tpu.memory_space<semaphore_mem>>) {add = true}
        %dma_wait3A_175 = arith.constant 0 : i32
        %dma_wait3A_176 = arith.constant 0 : i32
        %dma_wait3A_177 = tpu.memref_slice %arg13[%dma_wait3A_175, %dma_wait3A_176] : memref<10240x128xf32, #tpu.memory_space<vmem_shared>> -> memref<10240x128xf32, #tpu.memory_space<vmem_shared>>
        tpu.wait_indirect_dma semaphore(%run_scoped3A : memref<!tpu.dma_semaphore, #tpu.memory_space<semaphore_mem>>) src(%arg11 : memref<64x128xf32, #tpu.memory_space<vmem>>) dst(%dma_wait3A_177 : memref<10240x128xf32, #tpu.memory_space<vmem_shared>>)
        tpu.yield
      }) : () -> ()
      %add3A_154 = arith.constant 2 : i32
      %add3A_155 = arith.addi %add3A_151, %add3A_154 : i32
      %lt3A = arith.constant 160 : i32
      %lt3A_156 = arith.cmpi slt, %add3A_155, %lt3A : i32
      %convert_element_type3A = arith.extui %lt3A_156 : i1 to i32
      %cond3A = arith.constant 0 : i32
      %cond3A_157 = arith.cmpi ne, %convert_element_type3A, %cond3A : i32
      scf.if %cond3A_157 {
        %get3A_172 = arith.index_cast %add3A_155 : i32 to index
        %get3A_173 = arith.constant 0 : index
        %get3A_174 = tpu.vector_load %arg6[%get3A_172, %get3A_173] {strides = array<i32>} : memref<160x64xi32, #tpu.memory_space<vmem>>, vector<1x16xi32>,
        %get3A_175 = vector.shape_cast %get3A_174 : vector<1x16xi32> to vector<16xi32>
        %and3A_176 = arith.andi %get3A_175, %broadcast_in_dim3A_3 : vector<16xi32>
        %swap3A_177 = arith.constant 0 : index
        %swap3A_178 = tpu.vector_load %arg7[%swap3A_177] {strides = array<i32>} : memref<64xi32, #tpu.memory_space<vmem>>, vector<16xi32>,
        %swap3A_179 = vector.shape_cast %swap3A_178 : vector<16xi32> to vector<16xi32>
        %swap3A_180 = vector.shape_cast %and3A_176 : vector<16xi32> to vector<16xi32>
        tpu.vector_store %arg7[%swap3A_177], %swap3A_180 {strides = array<i32>} : memref<64xi32, #tpu.memory_space<vmem>>, vector<16xi32>,
        %shift_right_logical3A_181 = arith.constant 16 : i32
        %shift_right_logical3A_182 = vector.broadcast %shift_right_logical3A_181 : i32 to vector<16xi32>
        %shift_right_logical3A_183 = arith.shrui %get3A_175, %shift_right_logical3A_182 : vector<16xi32>
        %swap3A_184 = arith.constant 0 : index
        %swap3A_185 = tpu.vector_load %arg9[%swap3A_184] {strides = array<i32>} : memref<64xi32, #tpu.memory_space<vmem>>, vector<16xi32>,
        %swap3A_186 = vector.shape_cast %swap3A_185 : vector<16xi32> to vector<16xi32>
        %swap3A_187 = vector.shape_cast %shift_right_logical3A_183 : vector<16xi32> to vector<16xi32>
        tpu.vector_store %arg9[%swap3A_184], %swap3A_187 {strides = array<i32>} : memref<64xi32, #tpu.memory_space<vmem>>, vector<16xi32>,
        %get3A_188 = arith.index_cast %add3A_155 : i32 to index
        %get3A_189 = arith.constant 16 : index
        %get3A_190 = tpu.vector_load %arg6[%get3A_188, %get3A_189] {strides = array<i32>} : memref<160x64xi32, #tpu.memory_space<vmem>>, vector<1x16xi32>,
        %get3A_191 = vector.shape_cast %get3A_190 : vector<1x16xi32> to vector<16xi32>
        %and3A_192 = arith.andi %get3A_191, %broadcast_in_dim3A_3 : vector<16xi32>
        %swap3A_193 = arith.constant 16 : index
        %swap3A_194 = tpu.vector_load %arg7[%swap3A_193] {strides = array<i32>} : memref<64xi32, #tpu.memory_space<vmem>>, vector<16xi32>,
        %swap3A_195 = vector.shape_cast %swap3A_194 : vector<16xi32> to vector<16xi32>
        %swap3A_196 = vector.shape_cast %and3A_192 : vector<16xi32> to vector<16xi32>
        tpu.vector_store %arg7[%swap3A_193], %swap3A_196 {strides = array<i32>} : memref<64xi32, #tpu.memory_space<vmem>>, vector<16xi32>,
        %shift_right_logical3A_197 = arith.constant 16 : i32
        %shift_right_logical3A_198 = vector.broadcast %shift_right_logical3A_197 : i32 to vector<16xi32>
        %shift_right_logical3A_199 = arith.shrui %get3A_191, %shift_right_logical3A_198 : vector<16xi32>
        %swap3A_200 = arith.constant 16 : index
        %swap3A_201 = tpu.vector_load %arg9[%swap3A_200] {strides = array<i32>} : memref<64xi32, #tpu.memory_space<vmem>>, vector<16xi32>,
        %swap3A_202 = vector.shape_cast %swap3A_201 : vector<16xi32> to vector<16xi32>
        %swap3A_203 = vector.shape_cast %shift_right_logical3A_199 : vector<16xi32> to vector<16xi32>
        tpu.vector_store %arg9[%swap3A_200], %swap3A_203 {strides = array<i32>} : memref<64xi32, #tpu.memory_space<vmem>>, vector<16xi32>,
        %get3A_204 = arith.index_cast %add3A_155 : i32 to index
        %get3A_205 = arith.constant 32 : index
        %get3A_206 = tpu.vector_load %arg6[%get3A_204, %get3A_205] {strides = array<i32>} : memref<160x64xi32, #tpu.memory_space<vmem>>, vector<1x16xi32>,
        %get3A_207 = vector.shape_cast %get3A_206 : vector<1x16xi32> to vector<16xi32>
        %and3A_208 = arith.andi %get3A_207, %broadcast_in_dim3A_3 : vector<16xi32>
        %swap3A_209 = arith.constant 32 : index
        %swap3A_210 = tpu.vector_load %arg7[%swap3A_209] {strides = array<i32>} : memref<64xi32, #tpu.memory_space<vmem>>, vector<16xi32>,
        %swap3A_211 = vector.shape_cast %swap3A_210 : vector<16xi32> to vector<16xi32>
        %swap3A_212 = vector.shape_cast %and3A_208 : vector<16xi32> to vector<16xi32>
        tpu.vector_store %arg7[%swap3A_209], %swap3A_212 {strides = array<i32>} : memref<64xi32, #tpu.memory_space<vmem>>, vector<16xi32>,
        %shift_right_logical3A_213 = arith.constant 16 : i32
        %shift_right_logical3A_214 = vector.broadcast %shift_right_logical3A_213 : i32 to vector<16xi32>
        %shift_right_logical3A_215 = arith.shrui %get3A_207, %shift_right_logical3A_214 : vector<16xi32>
        %swap3A_216 = arith.constant 32 : index
        %swap3A_217 = tpu.vector_load %arg9[%swap3A_216] {strides = array<i32>} : memref<64xi32, #tpu.memory_space<vmem>>, vector<16xi32>,
        %swap3A_218 = vector.shape_cast %swap3A_217 : vector<16xi32> to vector<16xi32>
        %swap3A_219 = vector.shape_cast %shift_right_logical3A_215 : vector<16xi32> to vector<16xi32>
        tpu.vector_store %arg9[%swap3A_216], %swap3A_219 {strides = array<i32>} : memref<64xi32, #tpu.memory_space<vmem>>, vector<16xi32>,
        %get3A_220 = arith.index_cast %add3A_155 : i32 to index
        %get3A_221 = arith.constant 48 : index
        %get3A_222 = tpu.vector_load %arg6[%get3A_220, %get3A_221] {strides = array<i32>} : memref<160x64xi32, #tpu.memory_space<vmem>>, vector<1x16xi32>,
        %get3A_223 = vector.shape_cast %get3A_222 : vector<1x16xi32> to vector<16xi32>
        %and3A_224 = arith.andi %get3A_223, %broadcast_in_dim3A_3 : vector<16xi32>
        %swap3A_225 = arith.constant 48 : index
        %swap3A_226 = tpu.vector_load %arg7[%swap3A_225] {strides = array<i32>} : memref<64xi32, #tpu.memory_space<vmem>>, vector<16xi32>,
        %swap3A_227 = vector.shape_cast %swap3A_226 : vector<16xi32> to vector<16xi32>
        %swap3A_228 = vector.shape_cast %and3A_224 : vector<16xi32> to vector<16xi32>
        tpu.vector_store %arg7[%swap3A_225], %swap3A_228 {strides = array<i32>} : memref<64xi32, #tpu.memory_space<vmem>>, vector<16xi32>,
        %shift_right_logical3A_229 = arith.constant 16 : i32
        %shift_right_logical3A_230 = vector.broadcast %shift_right_logical3A_229 : i32 to vector<16xi32>
        %shift_right_logical3A_231 = arith.shrui %get3A_223, %shift_right_logical3A_230 : vector<16xi32>
        %swap3A_232 = arith.constant 48 : index
        %swap3A_233 = tpu.vector_load %arg9[%swap3A_232] {strides = array<i32>} : memref<64xi32, #tpu.memory_space<vmem>>, vector<16xi32>,
        %swap3A_234 = vector.shape_cast %swap3A_233 : vector<16xi32> to vector<16xi32>
        %swap3A_235 = vector.shape_cast %shift_right_logical3A_231 : vector<16xi32> to vector<16xi32>
        tpu.vector_store %arg9[%swap3A_232], %swap3A_235 {strides = array<i32>} : memref<64xi32, #tpu.memory_space<vmem>>, vector<16xi32>,
        %dma_start3A_236 = arith.constant 0 : i32
        %dma_start3A_237 = arith.constant 0 : i32
        %dma_start3A_238 = tpu.memref_slice %arg2[%dma_start3A_236, %dma_start3A_237] : memref<10240x128xf32, #tpu.memory_space<hbm>> -> memref<10240x128xf32, #tpu.memory_space<hbm>>
        tpu.enqueue_indirect_dma source(%dma_start3A_238 : memref<10240x128xf32, #tpu.memory_space<hbm>>) target(%arg11 : memref<64x128xf32, #tpu.memory_space<vmem>>) offsets(%arg7 : memref<64xi32, #tpu.memory_space<vmem>>) semaphore(%arg14 : memref<!tpu.dma_semaphore, #tpu.memory_space<semaphore_mem>>)
      } else {
      }
      %mul3A_158 = arith.constant 2 : i32
      %mul3A_159 = arith.muli %scan3A_147, %mul3A_158 : i32
      %add3A_160 = arith.constant 1 : i32
      %add3A_161 = arith.addi %mul3A_159, %add3A_160 : i32
      %dma_wait3A_162 = arith.constant 0 : i32
      %dma_wait3A_163 = arith.constant 0 : i32
      %dma_wait3A_164 = tpu.memref_slice %arg2[%dma_wait3A_162, %dma_wait3A_163] : memref<10240x128xf32, #tpu.memory_space<hbm>> -> memref<10240x128xf32, #tpu.memory_space<hbm>>
      tpu.wait_indirect_dma semaphore(%arg15 : memref<!tpu.dma_semaphore, #tpu.memory_space<semaphore_mem>>) src(%dma_wait3A_164 : memref<10240x128xf32, #tpu.memory_space<hbm>>) dst(%arg12 : memref<64x128xf32, #tpu.memory_space<vmem>>)
      "tpu.region"() ({
        %run_scoped3A = tpu.sem_alloc : memref<!tpu.dma_semaphore, #tpu.memory_space<semaphore_mem>>
        %dma_start3A_172 = arith.constant 0 : i32
        %dma_start3A_173 = arith.constant 0 : i32
        %dma_start3A_174 = tpu.memref_slice %arg13[%dma_start3A_172, %dma_start3A_173] : memref<10240x128xf32, #tpu.memory_space<vmem_shared>> -> memref<10240x128xf32, #tpu.memory_space<vmem_shared>>
        tpu.enqueue_indirect_dma source(%arg12 : memref<64x128xf32, #tpu.memory_space<vmem>>) target(%dma_start3A_174 : memref<10240x128xf32, #tpu.memory_space<vmem_shared>>) offsets(%arg10 : memref<64xi32, #tpu.memory_space<vmem>>) semaphore(%run_scoped3A : memref<!tpu.dma_semaphore, #tpu.memory_space<semaphore_mem>>) {add = true}
        %dma_wait3A_175 = arith.constant 0 : i32
        %dma_wait3A_176 = arith.constant 0 : i32
        %dma_wait3A_177 = tpu.memref_slice %arg13[%dma_wait3A_175, %dma_wait3A_176] : memref<10240x128xf32, #tpu.memory_space<vmem_shared>> -> memref<10240x128xf32, #tpu.memory_space<vmem_shared>>
        tpu.wait_indirect_dma semaphore(%run_scoped3A : memref<!tpu.dma_semaphore, #tpu.memory_space<semaphore_mem>>) src(%arg12 : memref<64x128xf32, #tpu.memory_space<vmem>>) dst(%dma_wait3A_177 : memref<10240x128xf32, #tpu.memory_space<vmem_shared>>)
        tpu.yield
      }) : () -> ()
      %add3A_165 = arith.constant 2 : i32
      %add3A_166 = arith.addi %add3A_161, %add3A_165 : i32
      %lt3A_167 = arith.constant 160 : i32
      %lt3A_168 = arith.cmpi slt, %add3A_166, %lt3A_167 : i32
      %convert_element_type3A_169 = arith.extui %lt3A_168 : i1 to i32
      %cond3A_170 = arith.constant 0 : i32
      %cond3A_171 = arith.cmpi ne, %convert_element_type3A_169, %cond3A_170 : i32
      scf.if %cond3A_171 {
        %get3A_172 = arith.index_cast %add3A_166 : i32 to index
        %get3A_173 = arith.constant 0 : index
        %get3A_174 = tpu.vector_load %arg6[%get3A_172, %get3A_173] {strides = array<i32>} : memref<160x64xi32, #tpu.memory_space<vmem>>, vector<1x16xi32>,
        %get3A_175 = vector.shape_cast %get3A_174 : vector<1x16xi32> to vector<16xi32>
        %and3A_176 = arith.andi %get3A_175, %broadcast_in_dim3A_3 : vector<16xi32>
        %swap3A_177 = arith.constant 0 : index
        %swap3A_178 = tpu.vector_load %arg8[%swap3A_177] {strides = array<i32>} : memref<64xi32, #tpu.memory_space<vmem>>, vector<16xi32>,
        %swap3A_179 = vector.shape_cast %swap3A_178 : vector<16xi32> to vector<16xi32>
        %swap3A_180 = vector.shape_cast %and3A_176 : vector<16xi32> to vector<16xi32>
        tpu.vector_store %arg8[%swap3A_177], %swap3A_180 {strides = array<i32>} : memref<64xi32, #tpu.memory_space<vmem>>, vector<16xi32>,
        %shift_right_logical3A_181 = arith.constant 16 : i32
        %shift_right_logical3A_182 = vector.broadcast %shift_right_logical3A_181 : i32 to vector<16xi32>
        %shift_right_logical3A_183 = arith.shrui %get3A_175, %shift_right_logical3A_182 : vector<16xi32>
        %swap3A_184 = arith.constant 0 : index
        %swap3A_185 = tpu.vector_load %arg10[%swap3A_184] {strides = array<i32>} : memref<64xi32, #tpu.memory_space<vmem>>, vector<16xi32>,
        %swap3A_186 = vector.shape_cast %swap3A_185 : vector<16xi32> to vector<16xi32>
        %swap3A_187 = vector.shape_cast %shift_right_logical3A_183 : vector<16xi32> to vector<16xi32>
        tpu.vector_store %arg10[%swap3A_184], %swap3A_187 {strides = array<i32>} : memref<64xi32, #tpu.memory_space<vmem>>, vector<16xi32>,
        %get3A_188 = arith.index_cast %add3A_166 : i32 to index
        %get3A_189 = arith.constant 16 : index
        %get3A_190 = tpu.vector_load %arg6[%get3A_188, %get3A_189] {strides = array<i32>} : memref<160x64xi32, #tpu.memory_space<vmem>>, vector<1x16xi32>,
        %get3A_191 = vector.shape_cast %get3A_190 : vector<1x16xi32> to vector<16xi32>
        %and3A_192 = arith.andi %get3A_191, %broadcast_in_dim3A_3 : vector<16xi32>
        %swap3A_193 = arith.constant 16 : index
        %swap3A_194 = tpu.vector_load %arg8[%swap3A_193] {strides = array<i32>} : memref<64xi32, #tpu.memory_space<vmem>>, vector<16xi32>,
        %swap3A_195 = vector.shape_cast %swap3A_194 : vector<16xi32> to vector<16xi32>
        %swap3A_196 = vector.shape_cast %and3A_192 : vector<16xi32> to vector<16xi32>
        tpu.vector_store %arg8[%swap3A_193], %swap3A_196 {strides = array<i32>} : memref<64xi32, #tpu.memory_space<vmem>>, vector<16xi32>,
        %shift_right_logical3A_197 = arith.constant 16 : i32
        %shift_right_logical3A_198 = vector.broadcast %shift_right_logical3A_197 : i32 to vector<16xi32>
        %shift_right_logical3A_199 = arith.shrui %get3A_191, %shift_right_logical3A_198 : vector<16xi32>
        %swap3A_200 = arith.constant 16 : index
        %swap3A_201 = tpu.vector_load %arg10[%swap3A_200] {strides = array<i32>} : memref<64xi32, #tpu.memory_space<vmem>>, vector<16xi32>,
        %swap3A_202 = vector.shape_cast %swap3A_201 : vector<16xi32> to vector<16xi32>
        %swap3A_203 = vector.shape_cast %shift_right_logical3A_199 : vector<16xi32> to vector<16xi32>
        tpu.vector_store %arg10[%swap3A_200], %swap3A_203 {strides = array<i32>} : memref<64xi32, #tpu.memory_space<vmem>>, vector<16xi32>,
        %get3A_204 = arith.index_cast %add3A_166 : i32 to index
        %get3A_205 = arith.constant 32 : index
        %get3A_206 = tpu.vector_load %arg6[%get3A_204, %get3A_205] {strides = array<i32>} : memref<160x64xi32, #tpu.memory_space<vmem>>, vector<1x16xi32>,
        %get3A_207 = vector.shape_cast %get3A_206 : vector<1x16xi32> to vector<16xi32>
        %and3A_208 = arith.andi %get3A_207, %broadcast_in_dim3A_3 : vector<16xi32>
        %swap3A_209 = arith.constant 32 : index
        %swap3A_210 = tpu.vector_load %arg8[%swap3A_209] {strides = array<i32>} : memref<64xi32, #tpu.memory_space<vmem>>, vector<16xi32>,
        %swap3A_211 = vector.shape_cast %swap3A_210 : vector<16xi32> to vector<16xi32>
        %swap3A_212 = vector.shape_cast %and3A_208 : vector<16xi32> to vector<16xi32>
        tpu.vector_store %arg8[%swap3A_209], %swap3A_212 {strides = array<i32>} : memref<64xi32, #tpu.memory_space<vmem>>, vector<16xi32>,
        %shift_right_logical3A_213 = arith.constant 16 : i32
        %shift_right_logical3A_214 = vector.broadcast %shift_right_logical3A_213 : i32 to vector<16xi32>
        %shift_right_logical3A_215 = arith.shrui %get3A_207, %shift_right_logical3A_214 : vector<16xi32>
        %swap3A_216 = arith.constant 32 : index
        %swap3A_217 = tpu.vector_load %arg10[%swap3A_216] {strides = array<i32>} : memref<64xi32, #tpu.memory_space<vmem>>, vector<16xi32>,
        %swap3A_218 = vector.shape_cast %swap3A_217 : vector<16xi32> to vector<16xi32>
        %swap3A_219 = vector.shape_cast %shift_right_logical3A_215 : vector<16xi32> to vector<16xi32>
        tpu.vector_store %arg10[%swap3A_216], %swap3A_219 {strides = array<i32>} : memref<64xi32, #tpu.memory_space<vmem>>, vector<16xi32>,
        %get3A_220 = arith.index_cast %add3A_166 : i32 to index
        %get3A_221 = arith.constant 48 : index
        %get3A_222 = tpu.vector_load %arg6[%get3A_220, %get3A_221] {strides = array<i32>} : memref<160x64xi32, #tpu.memory_space<vmem>>, vector<1x16xi32>,
        %get3A_223 = vector.shape_cast %get3A_222 : vector<1x16xi32> to vector<16xi32>
        %and3A_224 = arith.andi %get3A_223, %broadcast_in_dim3A_3 : vector<16xi32>
        %swap3A_225 = arith.constant 48 : index
        %swap3A_226 = tpu.vector_load %arg8[%swap3A_225] {strides = array<i32>} : memref<64xi32, #tpu.memory_space<vmem>>, vector<16xi32>,
        %swap3A_227 = vector.shape_cast %swap3A_226 : vector<16xi32> to vector<16xi32>
        %swap3A_228 = vector.shape_cast %and3A_224 : vector<16xi32> to vector<16xi32>
        tpu.vector_store %arg8[%swap3A_225], %swap3A_228 {strides = array<i32>} : memref<64xi32, #tpu.memory_space<vmem>>, vector<16xi32>,
        %shift_right_logical3A_229 = arith.constant 16 : i32
        %shift_right_logical3A_230 = vector.broadcast %shift_right_logical3A_229 : i32 to vector<16xi32>
        %shift_right_logical3A_231 = arith.shrui %get3A_223, %shift_right_logical3A_230 : vector<16xi32>
        %swap3A_232 = arith.constant 48 : index
        %swap3A_233 = tpu.vector_load %arg10[%swap3A_232] {strides = array<i32>} : memref<64xi32, #tpu.memory_space<vmem>>, vector<16xi32>,
        %swap3A_234 = vector.shape_cast %swap3A_233 : vector<16xi32> to vector<16xi32>
        %swap3A_235 = vector.shape_cast %shift_right_logical3A_231 : vector<16xi32> to vector<16xi32>
        tpu.vector_store %arg10[%swap3A_232], %swap3A_235 {strides = array<i32>} : memref<64xi32, #tpu.memory_space<vmem>>, vector<16xi32>,
        %dma_start3A_236 = arith.constant 0 : i32
        %dma_start3A_237 = arith.constant 0 : i32
        %dma_start3A_238 = tpu.memref_slice %arg2[%dma_start3A_236, %dma_start3A_237] : memref<10240x128xf32, #tpu.memory_space<hbm>> -> memref<10240x128xf32, #tpu.memory_space<hbm>>
        tpu.enqueue_indirect_dma source(%dma_start3A_238 : memref<10240x128xf32, #tpu.memory_space<hbm>>) target(%arg12 : memref<64x128xf32, #tpu.memory_space<vmem>>) offsets(%arg8 : memref<64xi32, #tpu.memory_space<vmem>>) semaphore(%arg15 : memref<!tpu.dma_semaphore, #tpu.memory_space<semaphore_mem>>)
      } else {
      }
    }
    %scan3A_145 = arith.constant 80 : i32
    %barrier3A_146 = arith.constant 0 : index
    tpu.barrier barrier_id(%barrier3A_146)
    "tpu.region"() ({
      %run_scoped3A = tpu.sem_alloc : memref<!tpu.dma_semaphore, #tpu.memory_space<semaphore_mem>>
      %dma_start3A_147 = arith.constant 0 : i32
      %dma_start3A_148 = tpu.memref_slice %arg5[%arg0, %mul3A_2, %dma_start3A_147] : memref<2x10240x128xf32, #tpu.memory_space<hbm>> -> memref<1x640x128xf32, #tpu.memory_space<hbm>>
      %dma_start3A_149 = tpu.memref_squeeze %dma_start3A_148 : memref<1x640x128xf32, #tpu.memory_space<hbm>> -> memref<640x128xf32, #tpu.memory_space<hbm>>
      %dma_start3A_150 = arith.constant 0 : i32
      %dma_start3A_151 = tpu.memref_slice %arg13[%mul3A_2, %dma_start3A_150] : memref<10240x128xf32, #tpu.memory_space<vmem_shared>> -> memref<640x128xf32, #tpu.memory_space<vmem_shared>>
      tpu.enqueue_dma source(%dma_start3A_151 : memref<640x128xf32, #tpu.memory_space<vmem_shared>>) target(%dma_start3A_149 : memref<640x128xf32, #tpu.memory_space<hbm>>) target_semaphore(%run_scoped3A : memref<!tpu.dma_semaphore, #tpu.memory_space<semaphore_mem>>)
      %dma_wait3A = arith.constant 0 : i32
      %dma_wait3A_152 = tpu.memref_slice %arg5[%arg0, %mul3A_2, %dma_wait3A] : memref<2x10240x128xf32, #tpu.memory_space<hbm>> -> memref<1x640x128xf32, #tpu.memory_space<hbm>>
      %dma_wait3A_153 = tpu.memref_squeeze %dma_wait3A_152 : memref<1x640x128xf32, #tpu.memory_space<hbm>> -> memref<640x128xf32, #tpu.memory_space<hbm>>
      %dma_wait3A_154 = arith.constant 0 : i32
      %dma_wait3A_155 = tpu.memref_slice %arg13[%mul3A_2, %dma_wait3A_154] : memref<10240x128xf32, #tpu.memory_space<vmem_shared>> -> memref<640x128xf32, #tpu.memory_space<vmem_shared>>
      tpu.wait_dma2 semaphore(%run_scoped3A : memref<!tpu.dma_semaphore, #tpu.memory_space<semaphore_mem>>) src(%dma_wait3A_155 : memref<640x128xf32, #tpu.memory_space<vmem_shared>>) dst(%dma_wait3A_153 : memref<640x128xf32, #tpu.memory_space<hbm>>)
      tpu.yield
    }) : () -> ()
    return
  }
}

module attributes {stable_mosaic.version = 14 : i64} {
  func.func @_t1_body(%arg0: i32, %arg1: memref<32x1x1x128xf32, #tpu.memory_space<vmem>>, %arg2: memref<128x128xf32, #tpu.memory_space<vmem>>, %arg3: memref<128x128xf32, #tpu.memory_space<vmem>>, %arg4: memref<128x128xf32, #tpu.memory_space<vmem>>, %arg5: memref<128x128xf32, #tpu.memory_space<vmem>>, %arg6: memref<1x128xf32, #tpu.memory_space<vmem>>, %arg7: memref<128x128xf32, #tpu.memory_space<vmem>>, %arg8: memref<128x128xf32, #tpu.memory_space<vmem>>, %arg9: memref<1x1x128xf32, #tpu.memory_space<vmem>>) attributes {dimension_semantics = [#tpu.dimension_semantics<arbitrary>], iteration_bounds = array<i64: 80>, scalar_prefetch = 0 : i64, scratch_operands = 0 : i64, tpu.core_type = #tpu.core_type<tc>, window_params = [{transform_indices = @transform_0, window_bounds = array<i64: 32, 1, 1, 128>}, {transform_indices = @transform_1, window_bounds = array<i64: 128, 128>}, {transform_indices = @transform_2, window_bounds = array<i64: 128, 128>}, {pipeline_mode = #tpu.pipeline_mode<synchronous>, transform_indices = @transform_3, window_bounds = array<i64: 128, 128>}, {pipeline_mode = #tpu.pipeline_mode<synchronous>, transform_indices = @transform_4, window_bounds = array<i64: 128, 128>}, {pipeline_mode = #tpu.pipeline_mode<synchronous>, transform_indices = @transform_5, window_bounds = array<i64: 1, 128>}, {transform_indices = @transform_6, window_bounds = array<i64: 128, 128>}, {transform_indices = @transform_7, window_bounds = array<i64: 128, 128>}, {transform_indices = @transform_8, window_bounds = array<i64: 1, 1, 128>}]} {
    %get3A = arith.constant 0 : index
    %get3A_0 = arith.constant 0 : index
    %get3A_1 = arith.constant 0 : index
    %get3A_2 = arith.constant 0 : index
    %get3A_3 = vector.load %arg1[%get3A, %get3A_0, %get3A_1, %get3A_2] : memref<32x1x1x128xf32, #tpu.memory_space<vmem>>, vector<32x1x1x128xf32>
    %reduce_sum3A = arith.constant dense<0.000000e+00> : vector<1x1x128xf32>
    %reduce_sum3A_4 = vector.multi_reduction <add>, %get3A_3, %reduce_sum3A [0] : vector<32x1x1x128xf32> to vector<1x1x128xf32>
    %squeeze3A = vector.shape_cast %reduce_sum3A_4 : vector<1x1x128xf32> to vector<1x128xf32>
    %add3A = arith.constant 1.000000e+00 : f32
    %add3A_5 = vector.broadcast %add3A : f32 to vector<1x128xf32>
    %add3A_6 = arith.addf %squeeze3A, %add3A_5 : vector<1x128xf32>
    %rsqrt3A = math.rsqrt %add3A_6 : vector<1x128xf32>
    %reshape3A = vector.shape_cast %rsqrt3A : vector<1x128xf32> to vector<1x1x128xf32>
    %swap3A = arith.constant 0 : index
    %swap3A_7 = arith.constant 0 : index
    %swap3A_8 = arith.constant 0 : index
    %swap3A_9 = vector.load %arg9[%swap3A, %swap3A_7, %swap3A_8] : memref<1x1x128xf32, #tpu.memory_space<vmem>>, vector<1x1x128xf32>
    tpu.vector_store %arg9[%swap3A, %swap3A_7, %swap3A_8], %reshape3A {strides = array<i32>} : memref<1x1x128xf32, #tpu.memory_space<vmem>>, vector<1x1x128xf32>,
    %reshape3A_10 = vector.shape_cast %rsqrt3A : vector<1x128xf32> to vector<128x1xf32>
    %get3A_11 = arith.constant 0 : index
    %get3A_12 = arith.constant 0 : index
    %get3A_13 = vector.load %arg2[%get3A_11, %get3A_12] : memref<128x128xf32, #tpu.memory_space<vmem>>, vector<128x128xf32>
    %get3A_14 = arith.constant 0 : index
    %get3A_15 = arith.constant 0 : index
    %get3A_16 = vector.load %arg4[%get3A_14, %get3A_15] : memref<128x128xf32, #tpu.memory_space<vmem>>, vector<128x128xf32>
    %dot_general3A = arith.constant dense<0.000000e+00> : vector<128x128xf32>
    %dot_general3A_17 = tpu.matmul %get3A_13, %get3A_16, %dot_general3A {dimension_numbers = #tpu.dot_dimension_numbers<[1], [0], [0], [1], [0, 0, 1, 1], [], []>, transpose_lhs_hint = false} : vector<128x128xf32>, vector<128x128xf32>, vector<128x128xf32> -> vector<128x128xf32>
    %mul3A = vector.broadcast %reshape3A_10 : vector<128x1xf32> to vector<128x128xf32>
    %mul3A_18 = arith.mulf %dot_general3A_17, %mul3A : vector<128x128xf32>
    %swap3A_19 = arith.constant 0 : index
    %swap3A_20 = arith.constant 0 : index
    %swap3A_21 = vector.load %arg7[%swap3A_19, %swap3A_20] : memref<128x128xf32, #tpu.memory_space<vmem>>, vector<128x128xf32>
    tpu.vector_store %arg7[%swap3A_19, %swap3A_20], %mul3A_18 {strides = array<i32>} : memref<128x128xf32, #tpu.memory_space<vmem>>, vector<128x128xf32>,
    %get3A_22 = arith.constant 0 : index
    %get3A_23 = arith.constant 0 : index
    %get3A_24 = vector.load %arg3[%get3A_22, %get3A_23] : memref<128x128xf32, #tpu.memory_space<vmem>>, vector<128x128xf32>
    %get3A_25 = arith.constant 0 : index
    %get3A_26 = arith.constant 0 : index
    %get3A_27 = vector.load %arg5[%get3A_25, %get3A_26] : memref<128x128xf32, #tpu.memory_space<vmem>>, vector<128x128xf32>
    %dot_general3A_28 = arith.constant dense<0.000000e+00> : vector<128x128xf32>
    %dot_general3A_29 = tpu.matmul %get3A_24, %get3A_27, %dot_general3A_28 {dimension_numbers = #tpu.dot_dimension_numbers<[1], [0], [0], [1], [0, 0, 1, 1], [], []>, transpose_lhs_hint = false} : vector<128x128xf32>, vector<128x128xf32>, vector<128x128xf32> -> vector<128x128xf32>
    %get3A_30 = arith.constant 0 : index
    %get3A_31 = arith.constant 0 : index
    %get3A_32 = vector.load %arg6[%get3A_30, %get3A_31] : memref<1x128xf32, #tpu.memory_space<vmem>>, vector<1x128xf32>
    %add3A_33 = vector.broadcast %get3A_32 : vector<1x128xf32> to vector<128x128xf32>
    %add3A_34 = arith.addf %dot_general3A_29, %add3A_33 : vector<128x128xf32>
    %max3A = arith.constant 0.000000e+00 : f32
    %max3A_35 = vector.broadcast %max3A : f32 to vector<128x128xf32>
    %max3A_36 = arith.maximumf %add3A_34, %max3A_35 : vector<128x128xf32>
    %swap3A_37 = arith.constant 0 : index
    %swap3A_38 = arith.constant 0 : index
    %swap3A_39 = vector.load %arg8[%swap3A_37, %swap3A_38] : memref<128x128xf32, #tpu.memory_space<vmem>>, vector<128x128xf32>
    tpu.vector_store %arg8[%swap3A_37, %swap3A_38], %max3A_36 {strides = array<i32>} : memref<128x128xf32, #tpu.memory_space<vmem>>, vector<128x128xf32>,
    return
  }
  func.func @transform_0(%arg0: i32) -> (i32, i32, i32, i32) {
    %c0_i32 = arith.constant 0 : i32
    %c0_i32_0 = arith.constant 0 : i32
    %c0_i32_1 = arith.constant 0 : i32
    %c0_i32_2 = arith.constant 0 : i32
    return %c0_i32, %arg0, %c0_i32_0, %c0_i32_1 : i32, i32, i32, i32
  }
  func.func @transform_1(%arg0: i32) -> (i32, i32) {
    %c0_i32 = arith.constant 0 : i32
    %c0_i32_0 = arith.constant 0 : i32
    return %arg0, %c0_i32 : i32, i32
  }
  func.func @transform_2(%arg0: i32) -> (i32, i32) {
    %c0_i32 = arith.constant 0 : i32
    %c0_i32_0 = arith.constant 0 : i32
    return %arg0, %c0_i32 : i32, i32
  }
  func.func @transform_3(%arg0: i32) -> (i32, i32) {
    %c0_i32 = arith.constant 0 : i32
    %c0_i32_0 = arith.constant 0 : i32
    %c0_i32_1 = arith.constant 0 : i32
    return %c0_i32, %c0_i32_0 : i32, i32
  }
  func.func @transform_4(%arg0: i32) -> (i32, i32) {
    %c0_i32 = arith.constant 0 : i32
    %c0_i32_0 = arith.constant 0 : i32
    %c0_i32_1 = arith.constant 0 : i32
    return %c0_i32, %c0_i32_0 : i32, i32
  }
  func.func @transform_5(%arg0: i32) -> (i32, i32) {
    %c0_i32 = arith.constant 0 : i32
    %c0_i32_0 = arith.constant 0 : i32
    %c0_i32_1 = arith.constant 0 : i32
    return %c0_i32, %c0_i32_0 : i32, i32
  }
  func.func @transform_6(%arg0: i32) -> (i32, i32) {
    %c0_i32 = arith.constant 0 : i32
    %c0_i32_0 = arith.constant 0 : i32
    return %arg0, %c0_i32 : i32, i32
  }
  func.func @transform_7(%arg0: i32) -> (i32, i32) {
    %c0_i32 = arith.constant 0 : i32
    %c0_i32_0 = arith.constant 0 : i32
    return %arg0, %c0_i32 : i32, i32
  }
  func.func @transform_8(%arg0: i32) -> (i32, i32, i32) {
    %c0_i32 = arith.constant 0 : i32
    %c0_i32_0 = arith.constant 0 : i32
    %c0_i32_1 = arith.constant 0 : i32
    return %arg0, %c0_i32, %c0_i32_0 : i32, i32, i32
  }
}

module attributes {stable_mosaic.version = 14 : i64} {
  func.func @_t2_body(%arg0: i32, %arg1: memref<2x128x128xf32, #tpu.memory_space<vmem>>, %arg2: memref<128x128xf32, #tpu.memory_space<vmem>>, %arg3: memref<128x128xf32, #tpu.memory_space<vmem>>, %arg4: memref<1x1x128xf32, #tpu.memory_space<vmem>>, %arg5: memref<128x128xf32, #tpu.memory_space<vmem>>, %arg6: memref<128x128xf32, #tpu.memory_space<vmem>>, %arg7: memref<1x128xf32, #tpu.memory_space<vmem>>, %arg8: memref<256x128xf32, #tpu.memory_space<vmem>>, %arg9: memref<256x128xf32, #tpu.memory_space<vmem>>, %arg10: memref<1x128xf32, #tpu.memory_space<vmem>>, %arg11: memref<128x128xf32, #tpu.memory_space<vmem>>, %arg12: memref<128x128xf32, #tpu.memory_space<vmem>>) attributes {dimension_semantics = [#tpu.dimension_semantics<arbitrary>], iteration_bounds = array<i64: 80>, scalar_prefetch = 0 : i64, scratch_operands = 0 : i64, tpu.core_type = #tpu.core_type<tc>, window_params = [{transform_indices = @transform_0, window_bounds = array<i64: 2, 128, 128>}, {transform_indices = @transform_1, window_bounds = array<i64: 128, 128>}, {transform_indices = @transform_2, window_bounds = array<i64: 128, 128>}, {transform_indices = @transform_3, window_bounds = array<i64: 1, 1, 128>}, {transform_indices = @transform_4, window_bounds = array<i64: 128, 128>}, {transform_indices = @transform_5, window_bounds = array<i64: 128, 128>}, {pipeline_mode = #tpu.pipeline_mode<synchronous>, transform_indices = @transform_6, window_bounds = array<i64: 1, 128>}, {pipeline_mode = #tpu.pipeline_mode<synchronous>, transform_indices = @transform_7, window_bounds = array<i64: 256, 128>}, {pipeline_mode = #tpu.pipeline_mode<synchronous>, transform_indices = @transform_8, window_bounds = array<i64: 256, 128>}, {pipeline_mode = #tpu.pipeline_mode<synchronous>, transform_indices = @transform_9, window_bounds = array<i64: 1, 128>}, {transform_indices = @transform_10, window_bounds = array<i64: 128, 128>}, {transform_indices = @transform_11, window_bounds = array<i64: 128, 128>}]} {
    %get3A = arith.constant 0 : index
    %get3A_0 = arith.constant 0 : index
    %get3A_1 = arith.constant 0 : index
    %get3A_2 = vector.load %arg4[%get3A, %get3A_0, %get3A_1] : memref<1x1x128xf32, #tpu.memory_space<vmem>>, vector<1x1x128xf32>
    %get3A_3 = vector.shape_cast %get3A_2 : vector<1x1x128xf32> to vector<1x128xf32>
    %reshape3A = vector.shape_cast %get3A_3 : vector<1x128xf32> to vector<128x1xf32>
    %get3A_4 = arith.constant 0 : index
    %get3A_5 = arith.constant 0 : index
    %get3A_6 = arith.constant 0 : index
    %get3A_7 = vector.load %arg1[%get3A_4, %get3A_5, %get3A_6] : memref<2x128x128xf32, #tpu.memory_space<vmem>>, vector<2x128x128xf32>
    %slice3A = vector.extract_strided_slice %get3A_7 {offsets = [0, 0, 0], sizes = [1, 128, 128], strides = [1, 1, 1]} : vector<2x128x128xf32> to vector<1x128x128xf32>
    %squeeze3A = vector.shape_cast %slice3A : vector<1x128x128xf32> to vector<128x128xf32>
    %slice3A_8 = vector.extract_strided_slice %get3A_7 {offsets = [1, 0, 0], sizes = [1, 128, 128], strides = [1, 1, 1]} : vector<2x128x128xf32> to vector<1x128x128xf32>
    %squeeze3A_9 = vector.shape_cast %slice3A_8 : vector<1x128x128xf32> to vector<128x128xf32>
    %add3A = arith.addf %squeeze3A, %squeeze3A_9 : vector<128x128xf32>
    %get3A_10 = arith.constant 0 : index
    %get3A_11 = arith.constant 0 : index
    %get3A_12 = vector.load %arg2[%get3A_10, %get3A_11] : memref<128x128xf32, #tpu.memory_space<vmem>>, vector<128x128xf32>
    %add3A_13 = arith.addf %add3A, %get3A_12 : vector<128x128xf32>
    %mul3A = vector.broadcast %reshape3A : vector<128x1xf32> to vector<128x128xf32>
    %mul3A_14 = arith.mulf %mul3A, %add3A_13 : vector<128x128xf32>
    %get3A_15 = arith.constant 0 : index
    %get3A_16 = arith.constant 0 : index
    %get3A_17 = vector.load %arg7[%get3A_15, %get3A_16] : memref<1x128xf32, #tpu.memory_space<vmem>>, vector<1x128xf32>
    %add3A_18 = vector.broadcast %get3A_17 : vector<1x128xf32> to vector<128x128xf32>
    %add3A_19 = arith.addf %mul3A_14, %add3A_18 : vector<128x128xf32>
    %max3A = arith.constant 0.000000e+00 : f32
    %max3A_20 = vector.broadcast %max3A : f32 to vector<128x128xf32>
    %max3A_21 = arith.maximumf %add3A_19, %max3A_20 : vector<128x128xf32>
    %get3A_22 = arith.constant 0 : index
    %get3A_23 = arith.constant 0 : index
    %get3A_24 = vector.load %arg3[%get3A_22, %get3A_23] : memref<128x128xf32, #tpu.memory_space<vmem>>, vector<128x128xf32>
    %concatenate3A = tpu.concatenate %get3A_24, %max3A_21 in 1 : vector<128x128xf32>, vector<128x128xf32> -> vector<128x256xf32>
    %get3A_25 = arith.constant 0 : index
    %get3A_26 = arith.constant 0 : index
    %get3A_27 = vector.load %arg8[%get3A_25, %get3A_26] : memref<256x128xf32, #tpu.memory_space<vmem>>, vector<256x128xf32>
    %dot_general3A = arith.constant dense<0.000000e+00> : vector<128x128xf32>
    %dot_general3A_28 = tpu.matmul %concatenate3A, %get3A_27, %dot_general3A {dimension_numbers = #tpu.dot_dimension_numbers<[1], [0], [0], [1], [0, 0, 1, 1], [], []>, transpose_lhs_hint = false} : vector<128x256xf32>, vector<256x128xf32>, vector<128x128xf32> -> vector<128x128xf32>
    %mul3A_29 = vector.broadcast %reshape3A : vector<128x1xf32> to vector<128x128xf32>
    %mul3A_30 = arith.mulf %mul3A_29, %dot_general3A_28 : vector<128x128xf32>
    %swap3A = arith.constant 0 : index
    %swap3A_31 = arith.constant 0 : index
    %swap3A_32 = vector.load %arg11[%swap3A, %swap3A_31] : memref<128x128xf32, #tpu.memory_space<vmem>>, vector<128x128xf32>
    tpu.vector_store %arg11[%swap3A, %swap3A_31], %mul3A_30 {strides = array<i32>} : memref<128x128xf32, #tpu.memory_space<vmem>>, vector<128x128xf32>,
    %get3A_33 = arith.constant 0 : index
    %get3A_34 = arith.constant 0 : index
    %get3A_35 = vector.load %arg5[%get3A_33, %get3A_34] : memref<128x128xf32, #tpu.memory_space<vmem>>, vector<128x128xf32>
    %get3A_36 = arith.constant 0 : index
    %get3A_37 = arith.constant 0 : index
    %get3A_38 = vector.load %arg6[%get3A_36, %get3A_37] : memref<128x128xf32, #tpu.memory_space<vmem>>, vector<128x128xf32>
    %concatenate3A_39 = tpu.concatenate %get3A_35, %get3A_38 in 1 : vector<128x128xf32>, vector<128x128xf32> -> vector<128x256xf32>
    %get3A_40 = arith.constant 0 : index
    %get3A_41 = arith.constant 0 : index
    %get3A_42 = vector.load %arg9[%get3A_40, %get3A_41] : memref<256x128xf32, #tpu.memory_space<vmem>>, vector<256x128xf32>
    %dot_general3A_43 = arith.constant dense<0.000000e+00> : vector<128x128xf32>
    %dot_general3A_44 = tpu.matmul %concatenate3A_39, %get3A_42, %dot_general3A_43 {dimension_numbers = #tpu.dot_dimension_numbers<[1], [0], [0], [1], [0, 0, 1, 1], [], []>, transpose_lhs_hint = false} : vector<128x256xf32>, vector<256x128xf32>, vector<128x128xf32> -> vector<128x128xf32>
    %get3A_45 = arith.constant 0 : index
    %get3A_46 = arith.constant 0 : index
    %get3A_47 = vector.load %arg10[%get3A_45, %get3A_46] : memref<1x128xf32, #tpu.memory_space<vmem>>, vector<1x128xf32>
    %add3A_48 = vector.broadcast %get3A_47 : vector<1x128xf32> to vector<128x128xf32>
    %add3A_49 = arith.addf %dot_general3A_44, %add3A_48 : vector<128x128xf32>
    %max3A_50 = arith.constant 0.000000e+00 : f32
    %max3A_51 = vector.broadcast %max3A_50 : f32 to vector<128x128xf32>
    %max3A_52 = arith.maximumf %add3A_49, %max3A_51 : vector<128x128xf32>
    %swap3A_53 = arith.constant 0 : index
    %swap3A_54 = arith.constant 0 : index
    %swap3A_55 = vector.load %arg12[%swap3A_53, %swap3A_54] : memref<128x128xf32, #tpu.memory_space<vmem>>, vector<128x128xf32>
    tpu.vector_store %arg12[%swap3A_53, %swap3A_54], %max3A_52 {strides = array<i32>} : memref<128x128xf32, #tpu.memory_space<vmem>>, vector<128x128xf32>,
    return
  }
  func.func @transform_0(%arg0: i32) -> (i32, i32, i32) {
    %c0_i32 = arith.constant 0 : i32
    %c0_i32_0 = arith.constant 0 : i32
    %c0_i32_1 = arith.constant 0 : i32
    return %c0_i32, %arg0, %c0_i32_0 : i32, i32, i32
  }
  func.func @transform_1(%arg0: i32) -> (i32, i32) {
    %c0_i32 = arith.constant 0 : i32
    %c0_i32_0 = arith.constant 0 : i32
    return %arg0, %c0_i32 : i32, i32
  }
  func.func @transform_2(%arg0: i32) -> (i32, i32) {
    %c0_i32 = arith.constant 0 : i32
    %c0_i32_0 = arith.constant 0 : i32
    return %arg0, %c0_i32 : i32, i32
  }
  func.func @transform_3(%arg0: i32) -> (i32, i32, i32) {
    %c0_i32 = arith.constant 0 : i32
    %c0_i32_0 = arith.constant 0 : i32
    %c0_i32_1 = arith.constant 0 : i32
    return %arg0, %c0_i32, %c0_i32_0 : i32, i32, i32
  }
  func.func @transform_4(%arg0: i32) -> (i32, i32) {
    %c0_i32 = arith.constant 0 : i32
    %c0_i32_0 = arith.constant 0 : i32
    return %arg0, %c0_i32 : i32, i32
  }
  func.func @transform_5(%arg0: i32) -> (i32, i32) {
    %c0_i32 = arith.constant 0 : i32
    %c0_i32_0 = arith.constant 0 : i32
    return %arg0, %c0_i32 : i32, i32
  }
  func.func @transform_6(%arg0: i32) -> (i32, i32) {
    %c0_i32 = arith.constant 0 : i32
    %c0_i32_0 = arith.constant 0 : i32
    %c0_i32_1 = arith.constant 0 : i32
    return %c0_i32, %c0_i32_0 : i32, i32
  }
  func.func @transform_7(%arg0: i32) -> (i32, i32) {
    %c0_i32 = arith.constant 0 : i32
    %c0_i32_0 = arith.constant 0 : i32
    %c0_i32_1 = arith.constant 0 : i32
    return %c0_i32, %c0_i32_0 : i32, i32
  }
  func.func @transform_8(%arg0: i32) -> (i32, i32) {
    %c0_i32 = arith.constant 0 : i32
    %c0_i32_0 = arith.constant 0 : i32
    %c0_i32_1 = arith.constant 0 : i32
    return %c0_i32, %c0_i32_0 : i32, i32
  }
  func.func @transform_9(%arg0: i32) -> (i32, i32) {
    %c0_i32 = arith.constant 0 : i32
    %c0_i32_0 = arith.constant 0 : i32
    %c0_i32_1 = arith.constant 0 : i32
    return %c0_i32, %c0_i32_0 : i32, i32
  }
  func.func @transform_10(%arg0: i32) -> (i32, i32) {
    %c0_i32 = arith.constant 0 : i32
    %c0_i32_0 = arith.constant 0 : i32
    return %arg0, %c0_i32 : i32, i32
  }
  func.func @transform_11(%arg0: i32) -> (i32, i32) {
    %c0_i32 = arith.constant 0 : i32
    %c0_i32_0 = arith.constant 0 : i32
    return %arg0, %c0_i32 : i32, i32
  }
}

module attributes {stable_mosaic.version = 14 : i64} {
  func.func @_t3_body(%arg0: i32, %arg1: memref<2x128x128xf32, #tpu.memory_space<vmem>>, %arg2: memref<128x128xf32, #tpu.memory_space<vmem>>, %arg3: memref<128x128xf32, #tpu.memory_space<vmem>>, %arg4: memref<1x1x128xf32, #tpu.memory_space<vmem>>, %arg5: memref<1x128xf32, #tpu.memory_space<vmem>>, %arg6: memref<256x128xf32, #tpu.memory_space<vmem>>, %arg7: memref<128x128xf32, #tpu.memory_space<vmem>>) attributes {dimension_semantics = [#tpu.dimension_semantics<arbitrary>], iteration_bounds = array<i64: 80>, scalar_prefetch = 0 : i64, scratch_operands = 0 : i64, tpu.core_type = #tpu.core_type<tc>, window_params = [{transform_indices = @transform_0, window_bounds = array<i64: 2, 128, 128>}, {transform_indices = @transform_1, window_bounds = array<i64: 128, 128>}, {transform_indices = @transform_2, window_bounds = array<i64: 128, 128>}, {transform_indices = @transform_3, window_bounds = array<i64: 1, 1, 128>}, {pipeline_mode = #tpu.pipeline_mode<synchronous>, transform_indices = @transform_4, window_bounds = array<i64: 1, 128>}, {pipeline_mode = #tpu.pipeline_mode<synchronous>, transform_indices = @transform_5, window_bounds = array<i64: 256, 128>}, {transform_indices = @transform_6, window_bounds = array<i64: 128, 128>}]} {
    %get3A = arith.constant 0 : index
    %get3A_0 = arith.constant 0 : index
    %get3A_1 = arith.constant 0 : index
    %get3A_2 = vector.load %arg4[%get3A, %get3A_0, %get3A_1] : memref<1x1x128xf32, #tpu.memory_space<vmem>>, vector<1x1x128xf32>
    %get3A_3 = vector.shape_cast %get3A_2 : vector<1x1x128xf32> to vector<1x128xf32>
    %reshape3A = vector.shape_cast %get3A_3 : vector<1x128xf32> to vector<128x1xf32>
    %get3A_4 = arith.constant 0 : index
    %get3A_5 = arith.constant 0 : index
    %get3A_6 = arith.constant 0 : index
    %get3A_7 = vector.load %arg1[%get3A_4, %get3A_5, %get3A_6] : memref<2x128x128xf32, #tpu.memory_space<vmem>>, vector<2x128x128xf32>
    %slice3A = vector.extract_strided_slice %get3A_7 {offsets = [0, 0, 0], sizes = [1, 128, 128], strides = [1, 1, 1]} : vector<2x128x128xf32> to vector<1x128x128xf32>
    %squeeze3A = vector.shape_cast %slice3A : vector<1x128x128xf32> to vector<128x128xf32>
    %slice3A_8 = vector.extract_strided_slice %get3A_7 {offsets = [1, 0, 0], sizes = [1, 128, 128], strides = [1, 1, 1]} : vector<2x128x128xf32> to vector<1x128x128xf32>
    %squeeze3A_9 = vector.shape_cast %slice3A_8 : vector<1x128x128xf32> to vector<128x128xf32>
    %add3A = arith.addf %squeeze3A, %squeeze3A_9 : vector<128x128xf32>
    %get3A_10 = arith.constant 0 : index
    %get3A_11 = arith.constant 0 : index
    %get3A_12 = vector.load %arg2[%get3A_10, %get3A_11] : memref<128x128xf32, #tpu.memory_space<vmem>>, vector<128x128xf32>
    %add3A_13 = arith.addf %add3A, %get3A_12 : vector<128x128xf32>
    %mul3A = vector.broadcast %reshape3A : vector<128x1xf32> to vector<128x128xf32>
    %mul3A_14 = arith.mulf %mul3A, %add3A_13 : vector<128x128xf32>
    %get3A_15 = arith.constant 0 : index
    %get3A_16 = arith.constant 0 : index
    %get3A_17 = vector.load %arg5[%get3A_15, %get3A_16] : memref<1x128xf32, #tpu.memory_space<vmem>>, vector<1x128xf32>
    %add3A_18 = vector.broadcast %get3A_17 : vector<1x128xf32> to vector<128x128xf32>
    %add3A_19 = arith.addf %mul3A_14, %add3A_18 : vector<128x128xf32>
    %max3A = arith.constant 0.000000e+00 : f32
    %max3A_20 = vector.broadcast %max3A : f32 to vector<128x128xf32>
    %max3A_21 = arith.maximumf %add3A_19, %max3A_20 : vector<128x128xf32>
    %get3A_22 = arith.constant 0 : index
    %get3A_23 = arith.constant 0 : index
    %get3A_24 = vector.load %arg3[%get3A_22, %get3A_23] : memref<128x128xf32, #tpu.memory_space<vmem>>, vector<128x128xf32>
    %concatenate3A = tpu.concatenate %get3A_24, %max3A_21 in 1 : vector<128x128xf32>, vector<128x128xf32> -> vector<128x256xf32>
    %get3A_25 = arith.constant 0 : index
    %get3A_26 = arith.constant 0 : index
    %get3A_27 = vector.load %arg6[%get3A_25, %get3A_26] : memref<256x128xf32, #tpu.memory_space<vmem>>, vector<256x128xf32>
    %dot_general3A = arith.constant dense<0.000000e+00> : vector<128x128xf32>
    %dot_general3A_28 = tpu.matmul %concatenate3A, %get3A_27, %dot_general3A {dimension_numbers = #tpu.dot_dimension_numbers<[1], [0], [0], [1], [0, 0, 1, 1], [], []>, transpose_lhs_hint = false} : vector<128x256xf32>, vector<256x128xf32>, vector<128x128xf32> -> vector<128x128xf32>
    %mul3A_29 = vector.broadcast %reshape3A : vector<128x1xf32> to vector<128x128xf32>
    %mul3A_30 = arith.mulf %mul3A_29, %dot_general3A_28 : vector<128x128xf32>
    %swap3A = arith.constant 0 : index
    %swap3A_31 = arith.constant 0 : index
    %swap3A_32 = vector.load %arg7[%swap3A, %swap3A_31] : memref<128x128xf32, #tpu.memory_space<vmem>>, vector<128x128xf32>
    tpu.vector_store %arg7[%swap3A, %swap3A_31], %mul3A_30 {strides = array<i32>} : memref<128x128xf32, #tpu.memory_space<vmem>>, vector<128x128xf32>,
    return
  }
  func.func @transform_0(%arg0: i32) -> (i32, i32, i32) {
    %c0_i32 = arith.constant 0 : i32
    %c0_i32_0 = arith.constant 0 : i32
    %c0_i32_1 = arith.constant 0 : i32
    return %c0_i32, %arg0, %c0_i32_0 : i32, i32, i32
  }
  func.func @transform_1(%arg0: i32) -> (i32, i32) {
    %c0_i32 = arith.constant 0 : i32
    %c0_i32_0 = arith.constant 0 : i32
    return %arg0, %c0_i32 : i32, i32
  }
  func.func @transform_2(%arg0: i32) -> (i32, i32) {
    %c0_i32 = arith.constant 0 : i32
    %c0_i32_0 = arith.constant 0 : i32
    return %arg0, %c0_i32 : i32, i32
  }
  func.func @transform_3(%arg0: i32) -> (i32, i32, i32) {
    %c0_i32 = arith.constant 0 : i32
    %c0_i32_0 = arith.constant 0 : i32
    %c0_i32_1 = arith.constant 0 : i32
    return %arg0, %c0_i32, %c0_i32_0 : i32, i32, i32
  }
  func.func @transform_4(%arg0: i32) -> (i32, i32) {
    %c0_i32 = arith.constant 0 : i32
    %c0_i32_0 = arith.constant 0 : i32
    %c0_i32_1 = arith.constant 0 : i32
    return %c0_i32, %c0_i32_0 : i32, i32
  }
  func.func @transform_5(%arg0: i32) -> (i32, i32) {
    %c0_i32 = arith.constant 0 : i32
    %c0_i32_0 = arith.constant 0 : i32
    %c0_i32_1 = arith.constant 0 : i32
    return %c0_i32, %c0_i32_0 : i32, i32
  }
  func.func @transform_6(%arg0: i32) -> (i32, i32) {
    %c0_i32 = arith.constant 0 : i32
    %c0_i32_0 = arith.constant 0 : i32
    return %arg0, %c0_i32 : i32, i32
  }
}

module attributes {stable_mosaic.version = 14 : i64} {
  func.func @_t4_body(%arg0: i32, %arg1: memref<2x128x128xf32, #tpu.memory_space<vmem>>, %arg2: memref<128x128xf32, #tpu.memory_space<vmem>>, %arg3: memref<1x1x128xf32, #tpu.memory_space<vmem>>, %arg4: memref<1x1x128xi32, #tpu.memory_space<vmem>>, %arg5: memref<1x128xf32, #tpu.memory_space<vmem>>, %arg6: memref<128x128xf32, #tpu.memory_space<vmem>>, %arg7: memref<1x128xf32, #tpu.memory_space<vmem>>, %arg8: memref<128x128xf32, #tpu.memory_space<vmem>>, %arg9: memref<128x128xf32, #tpu.memory_space<vmem>>) attributes {dimension_semantics = [#tpu.dimension_semantics<arbitrary>], iteration_bounds = array<i64: 80>, scalar_prefetch = 0 : i64, scratch_operands = 1 : i64, tpu.core_type = #tpu.core_type<tc>, window_params = [{transform_indices = @transform_0, window_bounds = array<i64: 2, 128, 128>}, {transform_indices = @transform_1, window_bounds = array<i64: 128, 128>}, {transform_indices = @transform_2, window_bounds = array<i64: 1, 1, 128>}, {transform_indices = @transform_3, window_bounds = array<i64: 1, 1, 128>}, {pipeline_mode = #tpu.pipeline_mode<synchronous>, transform_indices = @transform_4, window_bounds = array<i64: 1, 128>}, {pipeline_mode = #tpu.pipeline_mode<synchronous>, transform_indices = @transform_5, window_bounds = array<i64: 128, 128>}, {pipeline_mode = #tpu.pipeline_mode<synchronous>, transform_indices = @transform_6, window_bounds = array<i64: 1, 128>}, {pipeline_mode = #tpu.pipeline_mode<synchronous>, transform_indices = @transform_7, window_bounds = array<i64: 128, 128>}]} {
    %get3A = arith.constant 0 : index
    %get3A_0 = arith.constant 0 : index
    %get3A_1 = arith.constant 0 : index
    %get3A_2 = vector.load %arg3[%get3A, %get3A_0, %get3A_1] : memref<1x1x128xf32, #tpu.memory_space<vmem>>, vector<1x1x128xf32>
    %get3A_3 = vector.shape_cast %get3A_2 : vector<1x1x128xf32> to vector<1x128xf32>
    %reshape3A = vector.shape_cast %get3A_3 : vector<1x128xf32> to vector<128x1xf32>
    %get3A_4 = arith.constant 0 : index
    %get3A_5 = arith.constant 0 : index
    %get3A_6 = arith.constant 0 : index
    %get3A_7 = vector.load %arg1[%get3A_4, %get3A_5, %get3A_6] : memref<2x128x128xf32, #tpu.memory_space<vmem>>, vector<2x128x128xf32>
    %slice3A = vector.extract_strided_slice %get3A_7 {offsets = [0, 0, 0], sizes = [1, 128, 128], strides = [1, 1, 1]} : vector<2x128x128xf32> to vector<1x128x128xf32>
    %squeeze3A = vector.shape_cast %slice3A : vector<1x128x128xf32> to vector<128x128xf32>
    %slice3A_8 = vector.extract_strided_slice %get3A_7 {offsets = [1, 0, 0], sizes = [1, 128, 128], strides = [1, 1, 1]} : vector<2x128x128xf32> to vector<1x128x128xf32>
    %squeeze3A_9 = vector.shape_cast %slice3A_8 : vector<1x128x128xf32> to vector<128x128xf32>
    %add3A = arith.addf %squeeze3A, %squeeze3A_9 : vector<128x128xf32>
    %get3A_10 = arith.constant 0 : index
    %get3A_11 = arith.constant 0 : index
    %get3A_12 = vector.load %arg2[%get3A_10, %get3A_11] : memref<128x128xf32, #tpu.memory_space<vmem>>, vector<128x128xf32>
    %add3A_13 = arith.addf %add3A, %get3A_12 : vector<128x128xf32>
    %mul3A = vector.broadcast %reshape3A : vector<128x1xf32> to vector<128x128xf32>
    %mul3A_14 = arith.mulf %mul3A, %add3A_13 : vector<128x128xf32>
    %get3A_15 = arith.constant 0 : index
    %get3A_16 = arith.constant 0 : index
    %get3A_17 = vector.load %arg5[%get3A_15, %get3A_16] : memref<1x128xf32, #tpu.memory_space<vmem>>, vector<1x128xf32>
    %add3A_18 = vector.broadcast %get3A_17 : vector<1x128xf32> to vector<128x128xf32>
    %add3A_19 = arith.addf %mul3A_14, %add3A_18 : vector<128x128xf32>
    %iota3A = tpu.iota {dimensions = array<i32: 0>} : vector<128x1xi32>
    %get3A_20 = arith.constant 0 : index
    %get3A_21 = arith.constant 0 : index
    %get3A_22 = arith.constant 0 : index
    %get3A_23 = vector.load %arg4[%get3A_20, %get3A_21, %get3A_22] : memref<1x1x128xi32, #tpu.memory_space<vmem>>, vector<1x1x128xi32>
    %get3A_24 = vector.shape_cast %get3A_23 : vector<1x1x128xi32> to vector<1x128xi32>
    %eq3A = vector.broadcast %iota3A : vector<128x1xi32> to vector<128x128xi32>
    %eq3A_25 = vector.broadcast %get3A_24 : vector<1x128xi32> to vector<128x128xi32>
    %eq3A_26 = arith.cmpi eq, %eq3A, %eq3A_25 : vector<128x128xi32>
    %convert_element_type3A = arith.extui %eq3A_26 : vector<128x128xi1> to vector<128x128xi32>
    %convert_element_type3A_27 = arith.sitofp %convert_element_type3A : vector<128x128xi32> to vector<128x128xf32>
    %dot_general3A = arith.constant dense<0.000000e+00> : vector<128x128xf32>
    %dot_general3A_28 = tpu.matmul %convert_element_type3A_27, %add3A_19, %dot_general3A {dimension_numbers = #tpu.dot_dimension_numbers<[1], [0], [0], [1], [0, 0, 1, 1], [], []>, transpose_lhs_hint = false} : vector<128x128xf32>, vector<128x128xf32>, vector<128x128xf32> -> vector<128x128xf32>
    %eq3A_29 = arith.constant 0 : i32
    %eq3A_30 = arith.cmpi eq, %arg0, %eq3A_29 : i32
    %convert_element_type3A_31 = arith.extui %eq3A_30 : i1 to i32
    %cond3A = arith.constant 0 : i32
    %cond3A_32 = arith.cmpi ne, %convert_element_type3A_31, %cond3A : i32
    scf.if %cond3A_32 {
      %broadcast_in_dim3A = arith.constant 0.000000e+00 : f32
      %broadcast_in_dim3A_44 = vector.broadcast %broadcast_in_dim3A : f32 to vector<128x128xf32>
      %swap3A_45 = arith.constant 0 : index
      %swap3A_46 = arith.constant 0 : index
      %swap3A_47 = vector.load %arg9[%swap3A_45, %swap3A_46] : memref<128x128xf32, #tpu.memory_space<vmem>>, vector<128x128xf32>
      tpu.vector_store %arg9[%swap3A_45, %swap3A_46], %broadcast_in_dim3A_44 {strides = array<i32>} : memref<128x128xf32, #tpu.memory_space<vmem>>, vector<128x128xf32>,
    } else {
    }
    %get3A_33 = arith.constant 0 : index
    %get3A_34 = arith.constant 0 : index
    %get3A_35 = vector.load %arg9[%get3A_33, %get3A_34] : memref<128x128xf32, #tpu.memory_space<vmem>>, vector<128x128xf32>
    %add3A_36 = arith.addf %get3A_35, %dot_general3A_28 : vector<128x128xf32>
    %swap3A = arith.constant 0 : index
    %swap3A_37 = arith.constant 0 : index
    %swap3A_38 = vector.load %arg9[%swap3A, %swap3A_37] : memref<128x128xf32, #tpu.memory_space<vmem>>, vector<128x128xf32>
    tpu.vector_store %arg9[%swap3A, %swap3A_37], %add3A_36 {strides = array<i32>} : memref<128x128xf32, #tpu.memory_space<vmem>>, vector<128x128xf32>,
    %eq3A_39 = arith.constant 79 : i32
    %eq3A_40 = arith.cmpi eq, %arg0, %eq3A_39 : i32
    %convert_element_type3A_41 = arith.extui %eq3A_40 : i1 to i32
    %cond3A_42 = arith.constant 0 : i32
    %cond3A_43 = arith.cmpi ne, %convert_element_type3A_41, %cond3A_42 : i32
    scf.if %cond3A_43 {
      %get3A_44 = arith.constant 0 : index
      %get3A_45 = arith.constant 0 : index
      %get3A_46 = vector.load %arg9[%get3A_44, %get3A_45] : memref<128x128xf32, #tpu.memory_space<vmem>>, vector<128x128xf32>
      %get3A_47 = arith.constant 0 : index
      %get3A_48 = arith.constant 0 : index
      %get3A_49 = vector.load %arg6[%get3A_47, %get3A_48] : memref<128x128xf32, #tpu.memory_space<vmem>>, vector<128x128xf32>
      %dot_general3A_50 = arith.constant dense<0.000000e+00> : vector<128x128xf32>
      %dot_general3A_51 = tpu.matmul %get3A_46, %get3A_49, %dot_general3A_50 {dimension_numbers = #tpu.dot_dimension_numbers<[1], [0], [0], [1], [0, 0, 1, 1], [], []>, transpose_lhs_hint = false} : vector<128x128xf32>, vector<128x128xf32>, vector<128x128xf32> -> vector<128x128xf32>
      %get3A_52 = arith.constant 0 : index
      %get3A_53 = arith.constant 0 : index
      %get3A_54 = vector.load %arg7[%get3A_52, %get3A_53] : memref<1x128xf32, #tpu.memory_space<vmem>>, vector<1x128xf32>
      %add3A_55 = vector.broadcast %get3A_54 : vector<1x128xf32> to vector<128x128xf32>
      %add3A_56 = arith.addf %dot_general3A_51, %add3A_55 : vector<128x128xf32>
      %swap3A_57 = arith.constant 0 : index
      %swap3A_58 = arith.constant 0 : index
      %swap3A_59 = vector.load %arg8[%swap3A_57, %swap3A_58] : memref<128x128xf32, #tpu.memory_space<vmem>>, vector<128x128xf32>
      tpu.vector_store %arg8[%swap3A_57, %swap3A_58], %add3A_56 {strides = array<i32>} : memref<128x128xf32, #tpu.memory_space<vmem>>, vector<128x128xf32>,
    } else {
    }
    return
  }
  func.func @transform_0(%arg0: i32) -> (i32, i32, i32) {
    %c0_i32 = arith.constant 0 : i32
    %c0_i32_0 = arith.constant 0 : i32
    %c0_i32_1 = arith.constant 0 : i32
    return %c0_i32, %arg0, %c0_i32_0 : i32, i32, i32
  }
  func.func @transform_1(%arg0: i32) -> (i32, i32) {
    %c0_i32 = arith.constant 0 : i32
    %c0_i32_0 = arith.constant 0 : i32
    return %arg0, %c0_i32 : i32, i32
  }
  func.func @transform_2(%arg0: i32) -> (i32, i32, i32) {
    %c0_i32 = arith.constant 0 : i32
    %c0_i32_0 = arith.constant 0 : i32
    %c0_i32_1 = arith.constant 0 : i32
    return %arg0, %c0_i32, %c0_i32_0 : i32, i32, i32
  }
  func.func @transform_3(%arg0: i32) -> (i32, i32, i32) {
    %c0_i32 = arith.constant 0 : i32
    %c0_i32_0 = arith.constant 0 : i32
    %c0_i32_1 = arith.constant 0 : i32
    return %arg0, %c0_i32, %c0_i32_0 : i32, i32, i32
  }
  func.func @transform_4(%arg0: i32) -> (i32, i32) {
    %c0_i32 = arith.constant 0 : i32
    %c0_i32_0 = arith.constant 0 : i32
    %c0_i32_1 = arith.constant 0 : i32
    return %c0_i32, %c0_i32_0 : i32, i32
  }
  func.func @transform_5(%arg0: i32) -> (i32, i32) {
    %c0_i32 = arith.constant 0 : i32
    %c0_i32_0 = arith.constant 0 : i32
    %c0_i32_1 = arith.constant 0 : i32
    return %c0_i32, %c0_i32_0 : i32, i32
  }
  func.func @transform_6(%arg0: i32) -> (i32, i32) {
    %c0_i32 = arith.constant 0 : i32
    %c0_i32_0 = arith.constant 0 : i32
    %c0_i32_1 = arith.constant 0 : i32
    return %c0_i32, %c0_i32_0 : i32, i32
  }
  func.func @transform_7(%arg0: i32) -> (i32, i32) {
    %c0_i32 = arith.constant 0 : i32
    %c0_i32_0 = arith.constant 0 : i32
    %c0_i32_1 = arith.constant 0 : i32
    return %c0_i32, %c0_i32_0 : i32, i32
  }
}

</mosaic_0001>

<sc_bundles>
// kernel: kernel.10.cloned.1.call-start
scs
__scs_entry_jumppad:
0x0: {  	(pc) =	sbr.rel $0x88, $3  }
0x1: {  	(tag) =	ssettag $0x0;
	lr =	simm.s32 $0x1  }
0x2: {  	[smem:$0x3F90] =	sst lr;
	_ =	strace $0xD0000000  }
0x3: {  	_ = 	snop  }
0x4: {  	_ = 	snop  }
0x5: {  	_ = 	snop  }
0x6: {  	_ = 	snop  }
0x7: {  	_ = 	snop  }
__scs_overlays_trampoline_lowered:
0x8: {  	[smem:$0x3F9F] =	sst s0  }
0x9: {  	[smem:$0x3FA0] =	sst s1  }
0xa: {  	[smem:$0x3FA1] =	sst s2  }
0xb: {  	[smem:$0x3FA2] =	sst s3  }
0xc: {  	[smem:$0x3FA3] =	sst s4  }
0xd: {  	[smem:$0x3FA4] =	sst s5  }
0xe: {  	[smem:$0x3FA5] =	sst s6  }
0xf: {  	[smem:$0x3FA6] =	sst s7  }
0x10: {  	[smem:$0x3FA7] =	sst s8  }
0x11: {  	[smem:$0x3FA8] =	sst s9;
	s0 =	simm.s32 @!p0 $0x0  }
0x12: {  	s1 =	sld [smem:$0x3F8E];
	s0 =	simm.s32 @p0 $0x1  }
0x13: {  	[smem:$0x3FA9] =	sst s0;
	s0 =	simm.s32 @!p1 $0x0  }
0x14: {  	s2 =	sld [smem:$0x3F8D];
	s0 =	simm.s32 @p1 $0x1  }
0x15: {  	[smem:$0x3FAA] =	sst s0;
	s0 =	simm.s32 @!p2 $0x0  }
0x16: {  	s3 =	sld [smem:$0x3FDB];
	s0 =	simm.s32 @p2 $0x1  }
0x17: {  	s4 =	simm.s32 $0x1BF5;
	[smem:$0x3FAC] =	sst s0  }
0x18: {  	s0 =	sld [smem:$0x3F8F];
	_ =	swait.ge [sflag:s4], $0x0  }
0x19: {  	s7 =	sld [smem:$0x3F90]  }
0x1a: {  	s8 =	sadd.s32 $0xFFFFE003, lr  }
0x1b: {  	s9 =	sadd.s32 $0xFFFFFEF7, lr;
	s5 =	simm.s32 $0xFFFFFFFF;
	p2 =	slt.u32 s8, $0xFFFFF086  }
0x1c: {  	p1 =	slt.u32 s9, $0xF7A;
	s5 =	simm.s32 @!p2 $0x0  }
0x1d: {  	s5 =	simm.s32 @p1 $0x1;
	p0 =	seq.s32 s7, s2  }
0x1e: {  	s7 =	smul.u32 @!p0 $0xF7A, s2;
	p2 =	seq.s32 @!p0 s5, $0x0  }
0x1f: {  	s9 =	smul.u32 $0xF7A, s1;
	s8 =	simm.s32 @!p0 $0x1BF5;
	p2 =	por !p2, p0  }
0x20: {  	[sflag:s8] =	ssyncset.s32 @!p0 $0xFFFFF086;
	s6 =	sadd.s32 @!p0 s3, s7;
	s7 =	simm.s32 @!p0 $0x108  }
0x21: {  	s3 =	sadd.s32 s3, s9;
	s6 =	sadd.s32 @!p0 $0x88, s6;
	s7 =	simm.s32 @p2 $0x1082  }
0x22: {  	[simem:s7], [sflag:s8] =	dma.local @!p0 [hbm:s6], $0xF7A  }
0x23: {  	s9 =	sor.u32 $0xD0000000, s2;
	s6 =	simm.s32 $0x108;
	_ =	swait.ge @!p0 [sflag:s8], $0x0  }
0x24: {  	s3 =	sadd.s32 $0x88, s3;
	s6 =	simm.s32 @!p1 $0x1082;
	[sflag:s4] =	ssyncset.s32 $0xFFFFF086  }
0x25: {  	[simem:s6], [sflag:s4] =	dma.local [hbm:s3], $0xF7A  }
0x26: {  	[smem:$0x3F90] =	sst s1;
	(tag) =	ssettag s2;
	_ =	strace s9  }
0x27: {  	s1 =	sld [smem:$0x3FA0]  }
0x28: {  	s2 =	sld [smem:$0x3FA1]  }
0x29: {  	s4 =	sld [smem:$0x3FA3]  }
0x2a: {  	p0 =	seq.s32 s5, $0x0;
	s5 =	sld [smem:$0x3FA4]  }
0x2b: {  	s6 =	sld [smem:$0x3FA5]  }
0x2c: {  	s7 =	sld [smem:$0x3FA6]  }
0x2d: {  	s3 =	simm.s32 $0x108;
	s8 =	sld [smem:$0x3FA7]  }
0x2e: {  	s3 =	simm.s32 @!p0 $0x1082;
	s9 =	sld [smem:$0x3FA8]  }
0x2f: {  	lr =	sadd.s32 s0, s3;
	s0 =	sld [smem:$0x3F9F]  }
0x30: {  	s3 =	sld [smem:$0x3FA2]  }
0x31: {  	[smem:$0x3FAB] =	sst s10  }
0x32: {  	s10 =	sld [smem:$0x3FA9];
	_ =	sdelay $0x3  }
0x33: {  	p0 =	seq.s32 s10, $0x1;
	s10 =	sld [smem:$0x3FAB];
	_ =	sdelay $0x3  }
0x34: {  	[smem:$0x3FAB] =	sst s10  }
0x35: {  	s10 =	sld [smem:$0x3FAA];
	_ =	sdelay $0x3  }
0x36: {  	p1 =	seq.s32 s10, $0x1;
	s10 =	sld [smem:$0x3FAB];
	_ =	sdelay $0x3  }
0x37: {  	[smem:$0x3FAB] =	sst s10  }
0x38: {  	s10 =	sld [smem:$0x3FAC]  }
0x39: {  	_ = 	snop;
	(pc) =	sbr.ind lr, $3  }
0x3a: {  	_ = 	snop  }
0x3b: {  	_ = 	snop  }
0x3c: {  	p2 =	seq.s32 s10, $0x1;
	s10 =	sld [smem:$0x3FAB]  }
0x3d: {  	_ =	shalt  }
0x3e: {  	_ =	shalt  }
0x3f: {  	_ =	shalt  }
0x40: {  	_ =	shalt  }
0x41: {  	_ =	shalt  }
0x42: {  	_ =	shalt  }
0x43: {  	_ =	shalt  }
0x44: {  	_ =	shalt  }
0x45: {  	_ =	shalt  }
0x46: {  	_ =	shalt  }
0x47: {  	_ =	shalt  }
0x48: {  	_ =	shalt  }
0x49: {  	_ =	shalt  }
0x4a: {  	_ =	shalt  }
0x4b: {  	_ =	shalt  }
0x4c: {  	_ =	shalt  }
0x4d: {  	_ =	shalt  }
0x4e: {  	_ =	shalt  }
0x4f: {  	_ =	shalt  }
0x50: {  	_ =	shalt  }
0x51: {  	_ =	shalt  }
0x52: {  	_ =	shalt  }
0x53: {  	_ =	shalt  }
0x54: {  	_ =	shalt  }
0x55: {  	_ =	shalt  }
0x56: {  	_ =	shalt  }
0x57: {  	_ =	shalt  }
0x58: {  	_ =	shalt  }
0x59: {  	_ =	shalt  }
0x5a: {  	_ =	shalt  }
0x5b: {  	_ =	shalt  }
0x5c: {  	_ =	shalt  }
0x5d: {  	_ =	shalt  }
0x5e: {  	_ =	shalt  }
0x5f: {  	_ =	shalt  }
0x60: {  	_ =	shalt  }
0x61: {  	_ =	shalt  }
0x62: {  	_ =	shalt  }
0x63: {  	_ =	shalt  }
0x64: {  	_ =	shalt  }
0x65: {  	_ =	shalt  }
0x66: {  	_ =	shalt  }
0x67: {  	_ =	shalt  }
0x68: {  	_ =	shalt  }
0x69: {  	_ =	shalt  }
0x6a: {  	_ =	shalt  }
0x6b: {  	_ =	shalt  }
0x6c: {  	_ =	shalt  }
0x6d: {  	_ =	shalt  }
0x6e: {  	_ =	shalt  }
0x6f: {  	_ =	shalt  }
0x70: {  	_ =	shalt  }
0x71: {  	_ =	shalt  }
0x72: {  	_ =	shalt  }
0x73: {  	_ =	shalt  }
0x74: {  	_ =	shalt  }
0x75: {  	_ =	shalt  }
0x76: {  	_ =	shalt  }
0x77: {  	_ =	shalt  }
0x78: {  	_ =	shalt  }
0x79: {  	_ =	shalt  }
0x7a: {  	_ =	shalt  }
0x7b: {  	_ =	shalt  }
0x7c: {  	_ =	shalt  }
0x7d: {  	_ =	shalt  }
0x7e: {  	_ =	shalt  }
0x7f: {  	_ =	shalt  }
0x80: {  	_ =	shalt  }
0x81: {  	_ =	shalt  }
0x82: {  	_ =	shalt  }
0x83: {  	_ =	shalt  }
0x84: {  	_ =	shalt  }
0x85: {  	_ =	shalt  }
0x86: {  	_ =	shalt  }
0x87: {  	_ =	shalt  }
.Lfunc_end0:
.L_simem_size_0:
called_computation_lowered:
.L_overlay_start_0:
0x88: {  	s2 =	sld [smem:$0x3FD9]  }
0x89: {  	s3 =	sld [smem:$0x3FFE];
	_ =	sdelay $0x1  }
0x8a: {  	s1 =	srdreg.scid  }
0x8b: {  	s0 =	sand.u32 $0x1, s1  }
0x8c: {  	s16 =	sshll.u32 s0, $0xA;
	s2 =	sadd.s32 s3, s2  }
0x8d: {  	s2 =	sadd.s32 s2, s16  }
0x8e: {  	[smem:$0x3FB7] =	sst s2  }
0x8f: {  	_ = 	snop  }
0x90: {  	(tm) =	ssettm $0x1  }
0x91: {  	s17 =	sld [smem:$0x3FFB];
	_ =	sdelay $0x3  }
0x92: {  	_ =	strace s17  }
0x93: {  	s2 =	sld [smem:$0x3FFC];
	_ =	sdelay $0x3  }
0x94: {  	_ =	strace s2  }
0x95: {  	s2 =	sld [smem:$0x3FFD];
	_ =	sdelay $0x3  }
0x96: {  	_ =	strace s2  }
0x97: {  	_ =	strace $0x8FFFFFFF  }
0x98: {  	s18 =	sld [smem:$0x3FDB];
	_ =	sdelay $0x1  }
0x99: {  	s19 =	simm.s32 $_scs_section_size  }
0x9a: {  	s4 =	simm.s32 $_size__tile_overlayer_lowered;
	s5 =	simm.s32 $_tile_overlayer_lowered  }
0x9b: {  	s22 =	simm.s32 $0x1BFF;
	s21 =	sshll.u32 s5, $0x1;
	s2 =	sadd.s32 s19, s18  }
0x9c: {  	s6 =	simm.s32 $0x0;
	s20 =	sshll.u32 s4, $0x1;
	s4 =	sadd.s32 s21, s2  }
0x9d: {  	[timem:s6], [sflag:s22] =	dma.local [hbm:s4], s20  }
0x9e: {  	_ =	swait.ge [sflag:s22], s20  }
0x9f: {  	s3 =	ssub.s32 $0x0, s20;
	[sflag:s22] =	ssyncset.done $0x0  }
0xa0: {  	[sflag:s22] =	ssyncadd.s32 s3;
	_ =	sdelay $0x1  }
0xa1: {  	s23 =	simm.s32 $0x1B8B  }
0xa2: {  	_ =	swait.ge [sflag:s23], $0x1  }
0xa3: {  	[sflag:s23] =	ssyncset.done $0x0  }
0xa4: {  	s25 =	simm.s32 $0x1B8E;
	s24 =	sld [smem:$0x3FFE];
	[sflag:s23] =	ssyncadd.s32 $0xFFFFFFFF  }
0xa5: {  	s26 =	simm.s32 $execute0_lowered;
	[smem:$0x3FD2] =	sst s25  }
0xa6: {  	s4 =	sshll.u32 s26, $0x1;
	_ =	strace $0x80000046;
	[dreg:$0x1] =	wrdreg $0xFFFFFFFF  }
0xa7: {  	s28 =	simm.s32 $_size_execute0_lowered;
	s2 =	sadd.s32 s2, s4;
	[dreg:$0x0] =	wrdreg $0x0  }
0xa8: {  	s4 =	sshll.u32 s28, $0x1;
	[dreg:$0x2] =	wrdreg s2  }
0xa9: {  	[dreg:$0x3] =	wrdreg s4  }
0xaa: {  	[dreg:$0x4] =	wrdreg $0xC0  }
0xab: {  	_ =	task [dreg:s6], $0x5FFFF  }
0xac: {  	[dreg:$0x1] =	wrdreg $0xFFFFFFFF  }
0xad: {  	[dreg:$0x0] =	wrdreg $0x60  }
0xae: {  	[dreg:$0x2] =	wrdreg s24  }
0xaf: {  	[dreg:$0x3] =	wrdreg $0x9  }
0xb0: {  	_ =	task.clear_ibuf [dreg:s6], $0x4FFFF;
	_ =	strace $0x90000046  }
0xb1: {  	s29 =	simm.s32 $0x9;
	_ =	strace $0x80000048  }
0xb2: {  	_ =	swait.ge [sflag:s29], $0x1  }
0xb3: {  	[sflag:s29] =	ssyncadd.s32 $0xFFFFFFFF  }
0xb4: {  	_ =	strace $0x90000048  }
0xb5: {  	_ =	sfence  }
0xb6: {  	s30 =	sld [smem:$0x0];
	_ =	sdelay $0x2  }
0xb7: {  	s31 =	sshll.u32 s1, $0xD;
	s1 =	sshrl.u32 s1, $0x2  }
0xb8: {  	s3 =	sand.u32 $0x4000, s31;
	s1 =	sadd.s32 s1, s30  }
0xb9: {  	s0 =	sor.u32 s3, s0;
	s1 =	sshll.u32 s1, $0x11  }
0xba: {  	s0 =	sor.u32 s1, s0  }
0xbb: {  	s0 =	sadd.s32 $0x8F2B, s0  }
0xbc: {  	[sflag:s0] =	ssyncadd.remote.s32 $0x1  }
0xbd: {  	_ =	sfence.sel $0xFFFF  }
0xbe: {  	[dreg:$0x0] =	wrdreg $0xFFFFFFFF;
	(pc) =	sbr.abs _section_cstart, $3  }
0xbf: {  	[dreg:$0x1] =	wrdreg $0xFFFFFFFF  }
0xc0: {  	_ =	task.clear_ibuf [dreg:s6], $0x2FFFF;
	_ =	strace $0x9FFFFFFF  }
0xc1: {  	(tm) =	ssettm $0x7FFFFFFF  }
tec
execute0_lowered:
.L_overlay_start_1:
0x0: {  	(tag) =	ssettag $0x1  }
0x1: {  	s0 =	srdreg.scid  }
0x2: {  	s4 =	rddreg [dreg:$0x0];
	s1 =	stileid.u32;
	s9 =	simm.s32 $0x80  }
0x3: {  	s10 =	simm.s32 $0x400;
	s11 =	simm.s32 $0x0;
	s3 =	sand.u32 $0x1, s0  }
0x4: {  	s0 =	rddreg [dreg:$0x1];
	s7 =	smul.u32 $0x5000, s1;
	s2 =	sshll.u32 s3, $0x4  }
0x5: {  	s8 =	sshll.u32 s1, $0x7;
	s5 =	smul.u32 $0x50000, s3;
	s6 =	sor.u32 s1, s2  }
0x6: {  	s8 =	sand.u32 $0x380, s8;
	s3 =	ssub.s32 $0x2, s3;
	s6 =	sshrl.u32 s6, $0x3  }
0x7: {  	s2 =	simm.s32 $0x0;
	s28 =	sshrl.u32 s3, $0x1;
	s6 =	smul.u32 $0x14000, s6  }
0x8: {  	[smem:$0x7FF] =	sst s2;
	s5 =	sadd.s32 s7, s5;
	s31 =	ssub.s32 s3, s28  }
0x9: {  	s3 =	sadd.s32 $0x19400, s4;
	s7 =	simm.s32 $0x800;
	s6 =	sor.u32 s8, s6  }
0xa: {  	_ =	strace $0x80000047;
	s5 =	sshrl.u32 s5, $0x3;
	s6 =	sshrl.u32 s6, $0x3  }
0xb: {  	s29 =	sadd.s32 s5, s4;
	s5 =	smax.u32 s31, $0x1;
	s30 =	sadd.s32 s6, s4  }
0xc: {  	v0 =	vimm.f32 $1.000000000e+00;
	s8 =	simm.s32 $0x1;
	s6 =	sadd.s32 $0x5400, s29;
	s4 =	sadd.s32 $0x19A00, s30  }
.LBB2_1:
0xd: {  	[tilespmem:s7], [sflag:$0x1] =	stream.linear.gather [hbm4b:s3+s2], $0x2800, $0x38;
	[tilespmem:$0x3000] =	vst v63  }
0xe: {  	_ =	swait.ge [sflag:s8], $0x2800  }
0xf: {  	[sflag:s8] =	ssyncset.done $0x0  }
0x10: {  	s12 =	simm.s32 $0x0;
	[sflag:s8] =	ssyncadd.s32 $0xFFFFD800  }
.LBB2_2:
0x11: {  	s13 =	sadd.s32 s12, s6  }
0x12: {  	[tilespmem:s2], [sflag:$0x1] =	stream.linear.gather [hbm4b:s13+s2], $0x800, $0x38;
	[tilespmem:$0x3000] =	vst v63  }
0x13: {  	_ =	swait.ge [sflag:s8], $0x800  }
0x14: {  	[sflag:s8] =	ssyncset.done $0x0  }
0x15: {  	[sflag:s8] =	ssyncadd.s32 $0xFFFFF800  }
0x16: {  	v1 =	vld [tilespmem:$0x0];
	_ =	sdelay $0x4  }
0x17: {  	v1 =	vshrl.u32 v1, $0x10;
	_ =	sdelay $0x4  }
0x18: {  	[tilespmem:v1+s7+$0x0] =	vst.idx.add.f32.msk $0xffff, v0  }
0x19: {  	v1 =	vld [tilespmem:$0x10];
	_ =	sdelay $0x4  }
0x1a: {  	v1 =	vshrl.u32 v1, $0x10;
	_ =	sdelay $0x4  }
0x1b: {  	[tilespmem:v1+s7+$0x0] =	vst.idx.add.f32.msk $0xffff, v0  }
0x1c: {  	v1 =	vld [tilespmem:$0x20];
	_ =	sdelay $0x4  }
0x1d: {  	v1 =	vshrl.u32 v1, $0x10;
	_ =	sdelay $0x4  }
0x1e: {  	[tilespmem:v1+s7+$0x0] =	vst.idx.add.f32.msk $0xffff, v0  }
0x1f: {  	v1 =	vld [tilespmem:$0x30];
	_ =	sdelay $0x4  }
0x20: {  	v1 =	vshrl.u32 v1, $0x10;
	_ =	sdelay $0x4  }
0x21: {  	[tilespmem:v1+s7+$0x0] =	vst.idx.add.f32.msk $0xffff, v0  }
0x22: {  	v1 =	vld [tilespmem:$0x80];
	_ =	sdelay $0x4  }
0x23: {  	v1 =	vshrl.u32 v1, $0x10;
	_ =	sdelay $0x4  }
0x24: {  	[tilespmem:v1+s7+$0x0] =	vst.idx.add.f32.msk $0xffff, v0  }
0x25: {  	v1 =	vld [tilespmem:$0x90];
	_ =	sdelay $0x4  }
0x26: {  	v1 =	vshrl.u32 v1, $0x10;
	_ =	sdelay $0x4  }
0x27: {  	[tilespmem:v1+s7+$0x0] =	vst.idx.add.f32.msk $0xffff, v0  }
0x28: {  	v1 =	vld [tilespmem:$0xA0];
	_ =	sdelay $0x4  }
0x29: {  	v1 =	vshrl.u32 v1, $0x10;
	_ =	sdelay $0x4  }
0x2a: {  	[tilespmem:v1+s7+$0x0] =	vst.idx.add.f32.msk $0xffff, v0  }
0x2b: {  	v1 =	vld [tilespmem:$0xB0];
	_ =	sdelay $0x4  }
0x2c: {  	v1 =	vshrl.u32 v1, $0x10;
	_ =	sdelay $0x4  }
0x2d: {  	[tilespmem:v1+s7+$0x0] =	vst.idx.add.f32.msk $0xffff, v0  }
0x2e: {  	v1 =	vld [tilespmem:$0x100];
	_ =	sdelay $0x4  }
0x2f: {  	v1 =	vshrl.u32 v1, $0x10;
	_ =	sdelay $0x4  }
0x30: {  	[tilespmem:v1+s7+$0x0] =	vst.idx.add.f32.msk $0xffff, v0  }
0x31: {  	v1 =	vld [tilespmem:$0x110];
	_ =	sdelay $0x4  }
0x32: {  	v1 =	vshrl.u32 v1, $0x10;
	_ =	sdelay $0x4  }
0x33: {  	[tilespmem:v1+s7+$0x0] =	vst.idx.add.f32.msk $0xffff, v0  }
0x34: {  	v1 =	vld [tilespmem:$0x120];
	_ =	sdelay $0x4  }
0x35: {  	v1 =	vshrl.u32 v1, $0x10;
	_ =	sdelay $0x4  }
0x36: {  	[tilespmem:v1+s7+$0x0] =	vst.idx.add.f32.msk $0xffff, v0  }
0x37: {  	v1 =	vld [tilespmem:$0x130];
	_ =	sdelay $0x4  }
0x38: {  	v1 =	vshrl.u32 v1, $0x10;
	_ =	sdelay $0x4  }
0x39: {  	[tilespmem:v1+s7+$0x0] =	vst.idx.add.f32.msk $0xffff, v0  }
0x3a: {  	v1 =	vld [tilespmem:$0x180];
	_ =	sdelay $0x4  }
0x3b: {  	v1 =	vshrl.u32 v1, $0x10;
	_ =	sdelay $0x4  }
0x3c: {  	[tilespmem:v1+s7+$0x0] =	vst.idx.add.f32.msk $0xffff, v0  }
0x3d: {  	v1 =	vld [tilespmem:$0x190];
	_ =	sdelay $0x4  }
0x3e: {  	v1 =	vshrl.u32 v1, $0x10;
	_ =	sdelay $0x4  }
0x3f: {  	[tilespmem:v1+s7+$0x0] =	vst.idx.add.f32.msk $0xffff, v0  }
0x40: {  	v1 =	vld [tilespmem:$0x1A0];
	_ =	sdelay $0x4  }
0x41: {  	v1 =	vshrl.u32 v1, $0x10;
	_ =	sdelay $0x4  }
0x42: {  	[tilespmem:v1+s7+$0x0] =	vst.idx.add.f32.msk $0xffff, v0  }
0x43: {  	v1 =	vld [tilespmem:$0x1B0];
	_ =	sdelay $0x4  }
0x44: {  	v1 =	vshrl.u32 v1, $0x10;
	_ =	sdelay $0x4  }
0x45: {  	[tilespmem:v1+s7+$0x0] =	vst.idx.add.f32.msk $0xffff, v0  }
0x46: {  	v1 =	vld [tilespmem:$0x200];
	_ =	sdelay $0x4  }
0x47: {  	v1 =	vshrl.u32 v1, $0x10;
	_ =	sdelay $0x4  }
0x48: {  	[tilespmem:v1+s7+$0x0] =	vst.idx.add.f32.msk $0xffff, v0  }
0x49: {  	v1 =	vld [tilespmem:$0x210];
	_ =	sdelay $0x4  }
0x4a: {  	v1 =	vshrl.u32 v1, $0x10;
	_ =	sdelay $0x4  }
0x4b: {  	[tilespmem:v1+s7+$0x0] =	vst.idx.add.f32.msk $0xffff, v0  }
0x4c: {  	v1 =	vld [tilespmem:$0x220];
	_ =	sdelay $0x4  }
0x4d: {  	v1 =	vshrl.u32 v1, $0x10;
	_ =	sdelay $0x4  }
0x4e: {  	[tilespmem:v1+s7+$0x0] =	vst.idx.add.f32.msk $0xffff, v0  }
0x4f: {  	v1 =	vld [tilespmem:$0x230];
	_ =	sdelay $0x4  }
0x50: {  	v1 =	vshrl.u32 v1, $0x10;
	_ =	sdelay $0x4  }
0x51: {  	[tilespmem:v1+s7+$0x0] =	vst.idx.add.f32.msk $0xffff, v0  }
0x52: {  	v1 =	vld [tilespmem:$0x280];
	_ =	sdelay $0x4  }
0x53: {  	v1 =	vshrl.u32 v1, $0x10;
	_ =	sdelay $0x4  }
0x54: {  	[tilespmem:v1+s7+$0x0] =	vst.idx.add.f32.msk $0xffff, v0  }
0x55: {  	v1 =	vld [tilespmem:$0x290];
	_ =	sdelay $0x4  }
0x56: {  	v1 =	vshrl.u32 v1, $0x10;
	_ =	sdelay $0x4  }
0x57: {  	[tilespmem:v1+s7+$0x0] =	vst.idx.add.f32.msk $0xffff, v0  }
0x58: {  	v1 =	vld [tilespmem:$0x2A0];
	_ =	sdelay $0x4  }
0x59: {  	v1 =	vshrl.u32 v1, $0x10;
	_ =	sdelay $0x4  }
0x5a: {  	[tilespmem:v1+s7+$0x0] =	vst.idx.add.f32.msk $0xffff, v0  }
0x5b: {  	v1 =	vld [tilespmem:$0x2B0];
	_ =	sdelay $0x4  }
0x5c: {  	v1 =	vshrl.u32 v1, $0x10;
	_ =	sdelay $0x4  }
0x5d: {  	[tilespmem:v1+s7+$0x0] =	vst.idx.add.f32.msk $0xffff, v0  }
0x5e: {  	v1 =	vld [tilespmem:$0x300];
	_ =	sdelay $0x4  }
0x5f: {  	v1 =	vshrl.u32 v1, $0x10;
	_ =	sdelay $0x4  }
0x60: {  	[tilespmem:v1+s7+$0x0] =	vst.idx.add.f32.msk $0xffff, v0  }
0x61: {  	v1 =	vld [tilespmem:$0x310];
	_ =	sdelay $0x4  }
0x62: {  	v1 =	vshrl.u32 v1, $0x10;
	_ =	sdelay $0x4  }
0x63: {  	[tilespmem:v1+s7+$0x0] =	vst.idx.add.f32.msk $0xffff, v0  }
0x64: {  	v1 =	vld [tilespmem:$0x320];
	_ =	sdelay $0x4  }
0x65: {  	v1 =	vshrl.u32 v1, $0x10;
	_ =	sdelay $0x4  }
0x66: {  	[tilespmem:v1+s7+$0x0] =	vst.idx.add.f32.msk $0xffff, v0  }
0x67: {  	v1 =	vld [tilespmem:$0x330];
	_ =	sdelay $0x4  }
0x68: {  	v1 =	vshrl.u32 v1, $0x10;
	_ =	sdelay $0x4  }
0x69: {  	[tilespmem:v1+s7+$0x0] =	vst.idx.add.f32.msk $0xffff, v0  }
0x6a: {  	v1 =	vld [tilespmem:$0x380];
	_ =	sdelay $0x4  }
0x6b: {  	v1 =	vshrl.u32 v1, $0x10;
	_ =	sdelay $0x4  }
0x6c: {  	[tilespmem:v1+s7+$0x0] =	vst.idx.add.f32.msk $0xffff, v0  }
0x6d: {  	v1 =	vld [tilespmem:$0x390];
	_ =	sdelay $0x4  }
0x6e: {  	v1 =	vshrl.u32 v1, $0x10;
	_ =	sdelay $0x4  }
0x6f: {  	[tilespmem:v1+s7+$0x0] =	vst.idx.add.f32.msk $0xffff, v0  }
0x70: {  	v1 =	vld [tilespmem:$0x3A0];
	_ =	sdelay $0x4  }
0x71: {  	v1 =	vshrl.u32 v1, $0x10;
	_ =	sdelay $0x4  }
0x72: {  	[tilespmem:v1+s7+$0x0] =	vst.idx.add.f32.msk $0xffff, v0  }
0x73: {  	v1 =	vld [tilespmem:$0x3B0];
	_ =	sdelay $0x4  }
0x74: {  	v1 =	vshrl.u32 v1, $0x10;
	_ =	sdelay $0x4  }
0x75: {  	[tilespmem:v1+s7+$0x0] =	vst.idx.add.f32.msk $0xffff, v0  }
0x76: {  	v1 =	vld [tilespmem:$0x400];
	_ =	sdelay $0x4  }
0x77: {  	v1 =	vshrl.u32 v1, $0x10;
	_ =	sdelay $0x4  }
0x78: {  	[tilespmem:v1+s7+$0x0] =	vst.idx.add.f32.msk $0xffff, v0  }
0x79: {  	v1 =	vld [tilespmem:$0x410];
	_ =	sdelay $0x4  }
0x7a: {  	v1 =	vshrl.u32 v1, $0x10;
	_ =	sdelay $0x4  }
0x7b: {  	[tilespmem:v1+s7+$0x0] =	vst.idx.add.f32.msk $0xffff, v0  }
0x7c: {  	v1 =	vld [tilespmem:$0x420];
	_ =	sdelay $0x4  }
0x7d: {  	v1 =	vshrl.u32 v1, $0x10;
	_ =	sdelay $0x4  }
0x7e: {  	[tilespmem:v1+s7+$0x0] =	vst.idx.add.f32.msk $0xffff, v0  }
0x7f: {  	v1 =	vld [tilespmem:$0x430];
	_ =	sdelay $0x4  }
0x80: {  	v1 =	vshrl.u32 v1, $0x10;
	_ =	sdelay $0x4  }
0x81: {  	[tilespmem:v1+s7+$0x0] =	vst.idx.add.f32.msk $0xffff, v0  }
0x82: {  	v1 =	vld [tilespmem:$0x480];
	_ =	sdelay $0x4  }
0x83: {  	v1 =	vshrl.u32 v1, $0x10;
	_ =	sdelay $0x4  }
0x84: {  	[tilespmem:v1+s7+$0x0] =	vst.idx.add.f32.msk $0xffff, v0  }
0x85: {  	v1 =	vld [tilespmem:$0x490];
	_ =	sdelay $0x4  }
0x86: {  	v1 =	vshrl.u32 v1, $0x10;
	_ =	sdelay $0x4  }
0x87: {  	[tilespmem:v1+s7+$0x0] =	vst.idx.add.f32.msk $0xffff, v0  }
0x88: {  	v1 =	vld [tilespmem:$0x4A0];
	_ =	sdelay $0x4  }
0x89: {  	v1 =	vshrl.u32 v1, $0x10;
	_ =	sdelay $0x4  }
0x8a: {  	[tilespmem:v1+s7+$0x0] =	vst.idx.add.f32.msk $0xffff, v0  }
0x8b: {  	v1 =	vld [tilespmem:$0x4B0];
	_ =	sdelay $0x4  }
0x8c: {  	v1 =	vshrl.u32 v1, $0x10;
	_ =	sdelay $0x4  }
0x8d: {  	[tilespmem:v1+s7+$0x0] =	vst.idx.add.f32.msk $0xffff, v0  }
0x8e: {  	v1 =	vld [tilespmem:$0x500];
	_ =	sdelay $0x4  }
0x8f: {  	v1 =	vshrl.u32 v1, $0x10;
	_ =	sdelay $0x4  }
0x90: {  	[tilespmem:v1+s7+$0x0] =	vst.idx.add.f32.msk $0xffff, v0  }
0x91: {  	v1 =	vld [tilespmem:$0x510];
	_ =	sdelay $0x4  }
0x92: {  	v1 =	vshrl.u32 v1, $0x10;
	_ =	sdelay $0x4  }
0x93: {  	[tilespmem:v1+s7+$0x0] =	vst.idx.add.f32.msk $0xffff, v0  }
0x94: {  	v1 =	vld [tilespmem:$0x520];
	_ =	sdelay $0x4  }
0x95: {  	v1 =	vshrl.u32 v1, $0x10;
	_ =	sdelay $0x4  }
0x96: {  	[tilespmem:v1+s7+$0x0] =	vst.idx.add.f32.msk $0xffff, v0  }
0x97: {  	v1 =	vld [tilespmem:$0x530];
	_ =	sdelay $0x4  }
0x98: {  	v1 =	vshrl.u32 v1, $0x10;
	_ =	sdelay $0x4  }
0x99: {  	[tilespmem:v1+s7+$0x0] =	vst.idx.add.f32.msk $0xffff, v0  }
0x9a: {  	v1 =	vld [tilespmem:$0x580];
	_ =	sdelay $0x4  }
0x9b: {  	v1 =	vshrl.u32 v1, $0x10;
	_ =	sdelay $0x4  }
0x9c: {  	[tilespmem:v1+s7+$0x0] =	vst.idx.add.f32.msk $0xffff, v0  }
0x9d: {  	v1 =	vld [tilespmem:$0x590];
	_ =	sdelay $0x4  }
0x9e: {  	v1 =	vshrl.u32 v1, $0x10;
	_ =	sdelay $0x4  }
0x9f: {  	[tilespmem:v1+s7+$0x0] =	vst.idx.add.f32.msk $0xffff, v0  }
0xa0: {  	v1 =	vld [tilespmem:$0x5A0];
	_ =	sdelay $0x4  }
0xa1: {  	v1 =	vshrl.u32 v1, $0x10;
	_ =	sdelay $0x4  }
0xa2: {  	[tilespmem:v1+s7+$0x0] =	vst.idx.add.f32.msk $0xffff, v0  }
0xa3: {  	v1 =	vld [tilespmem:$0x5B0];
	_ =	sdelay $0x4  }
0xa4: {  	v1 =	vshrl.u32 v1, $0x10;
	_ =	sdelay $0x4  }
0xa5: {  	[tilespmem:v1+s7+$0x0] =	vst.idx.add.f32.msk $0xffff, v0  }
0xa6: {  	v1 =	vld [tilespmem:$0x600];
	_ =	sdelay $0x4  }
0xa7: {  	v1 =	vshrl.u32 v1, $0x10;
	_ =	sdelay $0x4  }
0xa8: {  	[tilespmem:v1+s7+$0x0] =	vst.idx.add.f32.msk $0xffff, v0  }
0xa9: {  	v1 =	vld [tilespmem:$0x610];
	_ =	sdelay $0x4  }
0xaa: {  	v1 =	vshrl.u32 v1, $0x10;
	_ =	sdelay $0x4  }
0xab: {  	[tilespmem:v1+s7+$0x0] =	vst.idx.add.f32.msk $0xffff, v0  }
0xac: {  	v1 =	vld [tilespmem:$0x620];
	_ =	sdelay $0x4  }
0xad: {  	v1 =	vshrl.u32 v1, $0x10;
	_ =	sdelay $0x4  }
0xae: {  	[tilespmem:v1+s7+$0x0] =	vst.idx.add.f32.msk $0xffff, v0  }
0xaf: {  	v1 =	vld [tilespmem:$0x630];
	_ =	sdelay $0x4  }
0xb0: {  	v1 =	vshrl.u32 v1, $0x10;
	_ =	sdelay $0x4  }
0xb1: {  	[tilespmem:v1+s7+$0x0] =	vst.idx.add.f32.msk $0xffff, v0  }
0xb2: {  	v1 =	vld [tilespmem:$0x680];
	_ =	sdelay $0x4  }
0xb3: {  	v1 =	vshrl.u32 v1, $0x10;
	_ =	sdelay $0x4  }
0xb4: {  	[tilespmem:v1+s7+$0x0] =	vst.idx.add.f32.msk $0xffff, v0  }
0xb5: {  	v1 =	vld [tilespmem:$0x690];
	_ =	sdelay $0x4  }
0xb6: {  	v1 =	vshrl.u32 v1, $0x10;
	_ =	sdelay $0x4  }
0xb7: {  	[tilespmem:v1+s7+$0x0] =	vst.idx.add.f32.msk $0xffff, v0  }
0xb8: {  	v1 =	vld [tilespmem:$0x6A0];
	_ =	sdelay $0x4  }
0xb9: {  	v1 =	vshrl.u32 v1, $0x10;
	_ =	sdelay $0x4  }
0xba: {  	[tilespmem:v1+s7+$0x0] =	vst.idx.add.f32.msk $0xffff, v0  }
0xbb: {  	v1 =	vld [tilespmem:$0x6B0];
	_ =	sdelay $0x4  }
0xbc: {  	v1 =	vshrl.u32 v1, $0x10;
	_ =	sdelay $0x4  }
0xbd: {  	[tilespmem:v1+s7+$0x0] =	vst.idx.add.f32.msk $0xffff, v0  }
0xbe: {  	v1 =	vld [tilespmem:$0x700];
	_ =	sdelay $0x4  }
0xbf: {  	v1 =	vshrl.u32 v1, $0x10;
	_ =	sdelay $0x4  }
0xc0: {  	[tilespmem:v1+s7+$0x0] =	vst.idx.add.f32.msk $0xffff, v0  }
0xc1: {  	v1 =	vld [tilespmem:$0x710];
	_ =	sdelay $0x4  }
0xc2: {  	v1 =	vshrl.u32 v1, $0x10;
	_ =	sdelay $0x4  }
0xc3: {  	[tilespmem:v1+s7+$0x0] =	vst.idx.add.f32.msk $0xffff, v0  }
0xc4: {  	v1 =	vld [tilespmem:$0x720];
	_ =	sdelay $0x4  }
0xc5: {  	v1 =	vshrl.u32 v1, $0x10;
	_ =	sdelay $0x4  }
0xc6: {  	[tilespmem:v1+s7+$0x0] =	vst.idx.add.f32.msk $0xffff, v0  }
0xc7: {  	v1 =	vld [tilespmem:$0x730];
	_ =	sdelay $0x4  }
0xc8: {  	v1 =	vshrl.u32 v1, $0x10;
	_ =	sdelay $0x4  }
0xc9: {  	[tilespmem:v1+s7+$0x0] =	vst.idx.add.f32.msk $0xffff, v0  }
0xca: {  	v1 =	vld [tilespmem:$0x780];
	_ =	sdelay $0x4  }
0xcb: {  	v1 =	vshrl.u32 v1, $0x10;
	_ =	sdelay $0x4  }
0xcc: {  	[tilespmem:v1+s7+$0x0] =	vst.idx.add.f32.msk $0xffff, v0  }
0xcd: {  	v1 =	vld [tilespmem:$0x790];
	_ =	sdelay $0x4  }
0xce: {  	v1 =	vshrl.u32 v1, $0x10;
	_ =	sdelay $0x4  }
0xcf: {  	[tilespmem:v1+s7+$0x0] =	vst.idx.add.f32.msk $0xffff, v0  }
0xd0: {  	v1 =	vld [tilespmem:$0x7A0];
	_ =	sdelay $0x4  }
0xd1: {  	v1 =	vshrl.u32 v1, $0x10;
	_ =	sdelay $0x4  }
0xd2: {  	[tilespmem:v1+s7+$0x0] =	vst.idx.add.f32.msk $0xffff, v0  }
0xd3: {  	v1 =	vld [tilespmem:$0x7B0];
	_ =	sdelay $0x4  }
0xd4: {  	p0 =	sne.s32 s12, $0x900;
	v1 =	vshrl.u32 v1, $0x10  }
.Ltmp0:
0xd5: {  	_ = 	snop;
	(pc) =	sbr.rel @p0 .LBB2_2-.Ltmp0, $2  }
0xd6: {  	_ =	sdelay $0x2  }
0xd7: {  	s12 =	sadd.s32 $0x100, s12;
	[tilespmem:v1+s7+$0x0] =	vst.idx.add.f32.msk $0xffff, v0  }
0xd8: {  	s11 =	sadd.s32 $0x1, s11  }
0xd9: {  	p0 =	sne.s32 s11, s5  }
.Ltmp1:
0xda: {  	_ = 	snop;
	(pc) =	sbr.rel @p0 .LBB2_1-.Ltmp1, $4  }
0xdb: {  	[hbm4b:s4+s9] =	stream.strided.scatter [tilespmem:s7], [sflag:$0x1], $0x2800, s10, s9, $0x38;
	[tilespmem:$0x3000] =	vst v63  }
0xdc: {  	_ =	swait.ge [sflag:s8], $0x2800  }
0xdd: {  	[sflag:s8] =	ssyncset.done $0x0  }
0xde: {  	[sflag:s8] =	ssyncadd.s32 $0xFFFFD800  }
0xdf: {  	_ =	sfence.sel $0x180000  }
0xe0: {  	[bflag:$0x0] =	sbarrier.arrive $0xFFFF  }
0xe1: {  	p0 =	sne.s32 s1, $0x0;
	_ =	strace $0x90000047  }
0xe2: {  	s0 =	sadd.s32 @!p0 $0x100000, s0;
	[bflag:$0x2] =	sbarrier.arrive $0xFFFF  }
0xe3: {  	[sflag:s0] =	ssyncadd.tile.s32 @!p0 $0x1;
	_ =	shalt  }
.Lfunc_end2:
_tile_overlayer_lowered:
.L_overlay_start_2:
0xe4: {  	(tag) =	ssettag $0x2  }
0xe5: {  	s0 =	rddreg [dreg:$0x0];
	s2 =	stileid.u32  }
0xe6: {  	s1 =	rddreg [dreg:$0x1];
	p0 =	sne.s32 s2, $0x0  }
0xe7: {  	s3 =	rddreg [dreg:$0x2];
	[bflag:$0x3] =	sbarrier.arrive $0xFFFF;
	s2 =	simm.s32 @!p0 $0x1C01  }
0xe8: {  	[timem:s3], [sflag:s2] =	dma.local @!p0 [hbm:s0], s1  }
0xe9: {  	s0 =	simm.s32 @!p0 $0x1  }
0xea: {  	_ =	swait.ge @!p0 [sflag:s0], s1  }
0xeb: {  	s1 =	ssub.s32 @!p0 $0x0, s1;
	[sflag:s0] =	ssyncset.done @!p0 $0x0  }
0xec: {  	[sflag:s0] =	ssyncadd.s32 @!p0 s1  }
0xed: {  	[bflag:$0x3] =	sbarrier.arrive $0xFFFF  }
0xee: {  	_ =	shalt  }

// kernel: kernel.13.cloned.1.call-start
scs
__scs_entry_jumppad:
0x0: {  	(pc) =	sbr.rel $0x88, $3  }
0x1: {  	(tag) =	ssettag $0x0;
	lr =	simm.s32 $0x1  }
0x2: {  	[smem:$0x3F90] =	sst lr;
	_ =	strace $0xD0000000  }
0x3: {  	_ = 	snop  }
0x4: {  	_ = 	snop  }
0x5: {  	_ = 	snop  }
0x6: {  	_ = 	snop  }
0x7: {  	_ = 	snop  }
__scs_overlays_trampoline_lowered:
0x8: {  	[smem:$0x3F9F] =	sst s0  }
0x9: {  	[smem:$0x3FA0] =	sst s1  }
0xa: {  	[smem:$0x3FA1] =	sst s2  }
0xb: {  	[smem:$0x3FA2] =	sst s3  }
0xc: {  	[smem:$0x3FA3] =	sst s4  }
0xd: {  	[smem:$0x3FA4] =	sst s5  }
0xe: {  	[smem:$0x3FA5] =	sst s6  }
0xf: {  	[smem:$0x3FA6] =	sst s7  }
0x10: {  	[smem:$0x3FA7] =	sst s8  }
0x11: {  	[smem:$0x3FA8] =	sst s9;
	s0 =	simm.s32 @!p0 $0x0  }
0x12: {  	s1 =	sld [smem:$0x3F8E];
	s0 =	simm.s32 @p0 $0x1  }
0x13: {  	[smem:$0x3FA9] =	sst s0;
	s0 =	simm.s32 @!p1 $0x0  }
0x14: {  	s2 =	sld [smem:$0x3F8D];
	s0 =	simm.s32 @p1 $0x1  }
0x15: {  	[smem:$0x3FAA] =	sst s0;
	s0 =	simm.s32 @!p2 $0x0  }
0x16: {  	s3 =	sld [smem:$0x3FDB];
	s0 =	simm.s32 @p2 $0x1  }
0x17: {  	s4 =	simm.s32 $0x1BF5;
	[smem:$0x3FAC] =	sst s0  }
0x18: {  	s0 =	sld [smem:$0x3F8F];
	_ =	swait.ge [sflag:s4], $0x0  }
0x19: {  	s7 =	sld [smem:$0x3F90]  }
0x1a: {  	s8 =	sadd.s32 $0xFFFFE003, lr  }
0x1b: {  	s9 =	sadd.s32 $0xFFFFFEF7, lr;
	s5 =	simm.s32 $0xFFFFFFFF;
	p2 =	slt.u32 s8, $0xFFFFF086  }
0x1c: {  	p1 =	slt.u32 s9, $0xF7A;
	s5 =	simm.s32 @!p2 $0x0  }
0x1d: {  	s5 =	simm.s32 @p1 $0x1;
	p0 =	seq.s32 s7, s2  }
0x1e: {  	s7 =	smul.u32 @!p0 $0xF7A, s2;
	p2 =	seq.s32 @!p0 s5, $0x0  }
0x1f: {  	s9 =	smul.u32 $0xF7A, s1;
	s8 =	simm.s32 @!p0 $0x1BF5;
	p2 =	por !p2, p0  }
0x20: {  	[sflag:s8] =	ssyncset.s32 @!p0 $0xFFFFF086;
	s6 =	sadd.s32 @!p0 s3, s7;
	s7 =	simm.s32 @!p0 $0x108  }
0x21: {  	s3 =	sadd.s32 s3, s9;
	s6 =	sadd.s32 @!p0 $0x88, s6;
	s7 =	simm.s32 @p2 $0x1082  }
0x22: {  	[simem:s7], [sflag:s8] =	dma.local @!p0 [hbm:s6], $0xF7A  }
0x23: {  	s9 =	sor.u32 $0xD0000000, s2;
	s6 =	simm.s32 $0x108;
	_ =	swait.ge @!p0 [sflag:s8], $0x0  }
0x24: {  	s3 =	sadd.s32 $0x88, s3;
	s6 =	simm.s32 @!p1 $0x1082;
	[sflag:s4] =	ssyncset.s32 $0xFFFFF086  }
0x25: {  	[simem:s6], [sflag:s4] =	dma.local [hbm:s3], $0xF7A  }
0x26: {  	[smem:$0x3F90] =	sst s1;
	(tag) =	ssettag s2;
	_ =	strace s9  }
0x27: {  	s1 =	sld [smem:$0x3FA0]  }
0x28: {  	s2 =	sld [smem:$0x3FA1]  }
0x29: {  	s4 =	sld [smem:$0x3FA3]  }
0x2a: {  	p0 =	seq.s32 s5, $0x0;
	s5 =	sld [smem:$0x3FA4]  }
0x2b: {  	s6 =	sld [smem:$0x3FA5]  }
0x2c: {  	s7 =	sld [smem:$0x3FA6]  }
0x2d: {  	s3 =	simm.s32 $0x108;
	s8 =	sld [smem:$0x3FA7]  }
0x2e: {  	s3 =	simm.s32 @!p0 $0x1082;
	s9 =	sld [smem:$0x3FA8]  }
0x2f: {  	lr =	sadd.s32 s0, s3;
	s0 =	sld [smem:$0x3F9F]  }
0x30: {  	s3 =	sld [smem:$0x3FA2]  }
0x31: {  	[smem:$0x3FAB] =	sst s10  }
0x32: {  	s10 =	sld [smem:$0x3FA9];
	_ =	sdelay $0x3  }
0x33: {  	p0 =	seq.s32 s10, $0x1;
	s10 =	sld [smem:$0x3FAB];
	_ =	sdelay $0x3  }
0x34: {  	[smem:$0x3FAB] =	sst s10  }
0x35: {  	s10 =	sld [smem:$0x3FAA];
	_ =	sdelay $0x3  }
0x36: {  	p1 =	seq.s32 s10, $0x1;
	s10 =	sld [smem:$0x3FAB];
	_ =	sdelay $0x3  }
0x37: {  	[smem:$0x3FAB] =	sst s10  }
0x38: {  	s10 =	sld [smem:$0x3FAC]  }
0x39: {  	_ = 	snop;
	(pc) =	sbr.ind lr, $3  }
0x3a: {  	_ = 	snop  }
0x3b: {  	_ = 	snop  }
0x3c: {  	p2 =	seq.s32 s10, $0x1;
	s10 =	sld [smem:$0x3FAB]  }
0x3d: {  	_ =	shalt  }
0x3e: {  	_ =	shalt  }
0x3f: {  	_ =	shalt  }
0x40: {  	_ =	shalt  }
0x41: {  	_ =	shalt  }
0x42: {  	_ =	shalt  }
0x43: {  	_ =	shalt  }
0x44: {  	_ =	shalt  }
0x45: {  	_ =	shalt  }
0x46: {  	_ =	shalt  }
0x47: {  	_ =	shalt  }
0x48: {  	_ =	shalt  }
0x49: {  	_ =	shalt  }
0x4a: {  	_ =	shalt  }
0x4b: {  	_ =	shalt  }
0x4c: {  	_ =	shalt  }
0x4d: {  	_ =	shalt  }
0x4e: {  	_ =	shalt  }
0x4f: {  	_ =	shalt  }
0x50: {  	_ =	shalt  }
0x51: {  	_ =	shalt  }
0x52: {  	_ =	shalt  }
0x53: {  	_ =	shalt  }
0x54: {  	_ =	shalt  }
0x55: {  	_ =	shalt  }
0x56: {  	_ =	shalt  }
0x57: {  	_ =	shalt  }
0x58: {  	_ =	shalt  }
0x59: {  	_ =	shalt  }
0x5a: {  	_ =	shalt  }
0x5b: {  	_ =	shalt  }
0x5c: {  	_ =	shalt  }
0x5d: {  	_ =	shalt  }
0x5e: {  	_ =	shalt  }
0x5f: {  	_ =	shalt  }
0x60: {  	_ =	shalt  }
0x61: {  	_ =	shalt  }
0x62: {  	_ =	shalt  }
0x63: {  	_ =	shalt  }
0x64: {  	_ =	shalt  }
0x65: {  	_ =	shalt  }
0x66: {  	_ =	shalt  }
0x67: {  	_ =	shalt  }
0x68: {  	_ =	shalt  }
0x69: {  	_ =	shalt  }
0x6a: {  	_ =	shalt  }
0x6b: {  	_ =	shalt  }
0x6c: {  	_ =	shalt  }
0x6d: {  	_ =	shalt  }
0x6e: {  	_ =	shalt  }
0x6f: {  	_ =	shalt  }
0x70: {  	_ =	shalt  }
0x71: {  	_ =	shalt  }
0x72: {  	_ =	shalt  }
0x73: {  	_ =	shalt  }
0x74: {  	_ =	shalt  }
0x75: {  	_ =	shalt  }
0x76: {  	_ =	shalt  }
0x77: {  	_ =	shalt  }
0x78: {  	_ =	shalt  }
0x79: {  	_ =	shalt  }
0x7a: {  	_ =	shalt  }
0x7b: {  	_ =	shalt  }
0x7c: {  	_ =	shalt  }
0x7d: {  	_ =	shalt  }
0x7e: {  	_ =	shalt  }
0x7f: {  	_ =	shalt  }
0x80: {  	_ =	shalt  }
0x81: {  	_ =	shalt  }
0x82: {  	_ =	shalt  }
0x83: {  	_ =	shalt  }
0x84: {  	_ =	shalt  }
0x85: {  	_ =	shalt  }
0x86: {  	_ =	shalt  }
0x87: {  	_ =	shalt  }
.Lfunc_end0:
.L_simem_size_0:
called_computation.1_lowered:
.L_overlay_start_0:
0x88: {  	s2 =	sld [smem:$0x3FD9]  }
0x89: {  	s3 =	sld [smem:$0x3FFE];
	_ =	sdelay $0x1  }
0x8a: {  	s1 =	srdreg.scid  }
0x8b: {  	s0 =	sand.u32 $0x1, s1  }
0x8c: {  	s16 =	sshll.u32 s0, $0xA;
	s2 =	sadd.s32 s3, s2  }
0x8d: {  	s2 =	sadd.s32 s2, s16  }
0x8e: {  	[smem:$0x3FB7] =	sst s2  }
0x8f: {  	_ = 	snop  }
0x90: {  	(tm) =	ssettm $0x1  }
0x91: {  	s17 =	sld [smem:$0x3FFB];
	_ =	sdelay $0x3  }
0x92: {  	_ =	strace s17  }
0x93: {  	s2 =	sld [smem:$0x3FFC];
	_ =	sdelay $0x3  }
0x94: {  	_ =	strace s2  }
0x95: {  	s2 =	sld [smem:$0x3FFD];
	_ =	sdelay $0x3  }
0x96: {  	_ =	strace s2  }
0x97: {  	_ =	strace $0x8FFFFFFF  }
0x98: {  	s18 =	sld [smem:$0x3FDB];
	_ =	sdelay $0x1  }
0x99: {  	s19 =	simm.s32 $_scs_section_size  }
0x9a: {  	s4 =	simm.s32 $_size__tile_overlayer_lowered;
	s5 =	simm.s32 $_tile_overlayer_lowered  }
0x9b: {  	s22 =	simm.s32 $0x1BFF;
	s21 =	sshll.u32 s5, $0x1;
	s2 =	sadd.s32 s19, s18  }
0x9c: {  	s6 =	simm.s32 $0x0;
	s20 =	sshll.u32 s4, $0x1;
	s4 =	sadd.s32 s21, s2  }
0x9d: {  	[timem:s6], [sflag:s22] =	dma.local [hbm:s4], s20  }
0x9e: {  	_ =	swait.ge [sflag:s22], s20  }
0x9f: {  	s3 =	ssub.s32 $0x0, s20;
	[sflag:s22] =	ssyncset.done $0x0  }
0xa0: {  	[sflag:s22] =	ssyncadd.s32 s3;
	_ =	sdelay $0x1  }
0xa1: {  	s23 =	simm.s32 $0x1B8B  }
0xa2: {  	_ =	swait.ge [sflag:s23], $0x1  }
0xa3: {  	[sflag:s23] =	ssyncset.done $0x0  }
0xa4: {  	s25 =	simm.s32 $0x1B8E;
	s24 =	sld [smem:$0x3FFE];
	[sflag:s23] =	ssyncadd.s32 $0xFFFFFFFF  }
0xa5: {  	s26 =	simm.s32 $execute0_lowered;
	[smem:$0x3FD2] =	sst s25  }
0xa6: {  	s4 =	sshll.u32 s26, $0x1;
	_ =	strace $0x80000049;
	[dreg:$0x1] =	wrdreg $0xFFFFFFFF  }
0xa7: {  	s28 =	simm.s32 $_size_execute0_lowered;
	s2 =	sadd.s32 s2, s4;
	[dreg:$0x0] =	wrdreg $0x0  }
0xa8: {  	s4 =	sshll.u32 s28, $0x1;
	[dreg:$0x2] =	wrdreg s2  }
0xa9: {  	[dreg:$0x3] =	wrdreg s4  }
0xaa: {  	[dreg:$0x4] =	wrdreg $0xC0  }
0xab: {  	_ =	task [dreg:s6], $0x5FFFF  }
0xac: {  	[dreg:$0x1] =	wrdreg $0xFFFFFFFF  }
0xad: {  	[dreg:$0x0] =	wrdreg $0x60  }
0xae: {  	[dreg:$0x2] =	wrdreg s24  }
0xaf: {  	[dreg:$0x3] =	wrdreg $0x92000  }
0xb0: {  	[dreg:$0x4] =	wrdreg $0x9  }
0xb1: {  	_ =	task.clear_ibuf [dreg:s6], $0x5FFFF;
	_ =	strace $0x90000049  }
0xb2: {  	s29 =	simm.s32 $0x9;
	_ =	strace $0x8000004B  }
0xb3: {  	_ =	swait.ge [sflag:s29], $0x1  }
0xb4: {  	[sflag:s29] =	ssyncadd.s32 $0xFFFFFFFF  }
0xb5: {  	_ =	strace $0x9000004B  }
0xb6: {  	_ =	sfence  }
0xb7: {  	s30 =	sld [smem:$0x0];
	_ =	sdelay $0x2  }
0xb8: {  	s31 =	sshll.u32 s1, $0xD;
	s1 =	sshrl.u32 s1, $0x2  }
0xb9: {  	s3 =	sand.u32 $0x4000, s31;
	s1 =	sadd.s32 s1, s30  }
0xba: {  	s0 =	sor.u32 s3, s0;
	s1 =	sshll.u32 s1, $0x11  }
0xbb: {  	s0 =	sor.u32 s1, s0  }
0xbc: {  	s0 =	sadd.s32 $0x8F2B, s0  }
0xbd: {  	[sflag:s0] =	ssyncadd.remote.s32 $0x1  }
0xbe: {  	_ =	sfence.sel $0xFFFF  }
0xbf: {  	[dreg:$0x0] =	wrdreg $0xFFFFFFFF;
	(pc) =	sbr.abs _section_cstart, $3  }
0xc0: {  	[dreg:$0x1] =	wrdreg $0xFFFFFFFF  }
0xc1: {  	_ =	task.clear_ibuf [dreg:s6], $0x2FFFF;
	_ =	strace $0x9FFFFFFF  }
0xc2: {  	(tm) =	ssettm $0x7FFFFFFF  }
0xc3: {  	_ =	shalt  }
tec
execute0_lowered:
.L_overlay_start_1:
0x0: {  	(tag) =	ssettag $0x1  }
0x1: {  	s6 =	rddreg [dreg:$0x0]  }
0x2: {  	s0 =	srdreg.scid;
	s2 =	rddreg [dreg:$0x1];
	s3 =	simm.s32 $0x0  }
0x3: {  	s12 =	simm.s32 $0x40;
	s13 =	simm.s32 $0x5000;
	s14 =	simm.s32 $0x5200  }
0x4: {  	s15 =	simm.s32 $0x5080;
	s16 =	simm.s32 $0x7200;
	s17 =	simm.s32 $0x1  }
0x5: {  	s18 =	simm.s32 $0x5100;
	s19 =	simm.s32 $0x2;
	s20 =	simm.s32 $0x5180  }
0x6: {  	s21 =	simm.s32 $0x0;
	s5 =	sand.u32 $0x1, s0;
	s0 =	stileid.u32  }
0x7: {  	[smem:$0x7FF] =	sst s3;
	s4 =	sadd.s32 $0x4AC00, s6;
	s8 =	smul.u32 $0x140000, s5  }
0x8: {  	s1 =	sshll.u32 s5, $0x4;
	s9 =	smul.u32 $0x14000, s0;
	s29 =	ssub.s32 $0x2, s5  }
0x9: {  	s10 =	smul.u32 $0x50000, s0;
	s5 =	sadd.s32 $0x19400, s6;
	s1 =	sor.u32 s0, s1  }
0xa: {  	s31 =	sshll.u32 s0, $0x6;
	s11 =	sshrl.u32 s29, $0x1;
	s7 =	smul.u32 $0xA00, s1  }
0xb: {  	s1 =	rddreg [dreg:$0x2];
	_ =	strace $0x8000004A;
	s8 =	sadd.s32 s9, s8  }
0xc: {  	s9 =	ssub.s32 s29, s11;
	s10 =	sshrl.u32 s10, $0x2;
	s8 =	sshrl.u32 s8, $0x3  }
0xd: {  	s30 =	sadd.s32 s10, s2;
	s10 =	sor.u32 $0x1C03, s31;
	s7 =	sadd.s32 s7, s6  }
0xe: {  	s8 =	sadd.s32 s8, s6;
	s11 =	sshrl.u32 s30, $0x3;
	s6 =	sadd.s32 $0x5400, s7  }
0xf: {  	s7 =	sadd.s32 $0x72C00, s8;
	s8 =	smax.u32 s9, $0x1;
	s9 =	simm.s32 $0x3  }
.LBB2_1:
0x10: {  	[tilespmem:s3], [sflag:$0x3] =	stream.linear.gather [hbm4b:s6+s3], $0x5000, $0x38;
	[tilespmem:$0x1D200] =	vst v63  }
0x11: {  	_ =	swait.ge [sflag:s9], $0x5000  }
0x12: {  	[sflag:s9] =	ssyncset.done $0x0  }
0x13: {  	[sflag:s9] =	ssyncadd.s32 $0xFFFFB000  }
0x14: {  	[spmem:s11], [sflag:s10] =	dma.local [hbm:s5], $0x2800  }
0x15: {  	_ =	swait.ge [sflag:s9], $0x2800  }
0x16: {  	[sflag:s9] =	ssyncset.done $0x0  }
0x17: {  	[sflag:s9] =	ssyncadd.s32 $0xFFFFD800  }
0x18: {  	[bflag:$0x0] =	sbarrier.arrive $0xFFFF  }
0x19: {  	v0 =	vld [tilespmem:$0x0];
	_ =	sdelay $0x1  }
0x1a: {  	v1 =	vld [tilespmem:$0x10];
	_ =	sdelay $0x1  }
0x1b: {  	v2 =	vld [tilespmem:$0x20]  }
0x1c: {  	v3 =	vand.u32 $0xFFFF, v0  }
0x1d: {  	v37 =	vld [tilespmem:$0x30];
	v0 =	vshrl.u32 v0, $0x10;
	[tilespmem:$0x5000] =	vst v3  }
0x1e: {  	v38 =	vand.u32 $0xFFFF, v1;
	[tilespmem:$0x5100] =	vst v0  }
0x1f: {  	v39 =	vshrl.u32 v1, $0x10;
	[tilespmem:$0x5010] =	vst v38  }
0x20: {  	v40 =	vand.u32 $0xFFFF, v2;
	[tilespmem:$0x5110] =	vst v39  }
0x21: {  	v41 =	vshrl.u32 v2, $0x10;
	[tilespmem:$0x5020] =	vst v40  }
0x22: {  	v42 =	vand.u32 $0xFFFF, v37;
	[tilespmem:$0x5120] =	vst v41  }
0x23: {  	v43 =	vshrl.u32 v37, $0x10;
	[tilespmem:$0x5030] =	vst v42  }
0x24: {  	[tilespmem:$0x5130] =	vst v43  }
0x25: {  	[tilespmem:s14], [sflag:$0x1] =	stream.indirect.gather [hbm4b:s4+s12], $0x80, s13, s12, $0xb8;
	[tilespmem:$0x1D200] =	vst v63  }
0x26: {  	v44 =	vld [tilespmem:$0x80];
	_ =	sdelay $0x1  }
0x27: {  	v45 =	vld [tilespmem:$0x90];
	_ =	sdelay $0x1  }
0x28: {  	v46 =	vld [tilespmem:$0xA0]  }
0x29: {  	v47 =	vand.u32 $0xFFFF, v44  }
0x2a: {  	v48 =	vld [tilespmem:$0xB0];
	v0 =	vshrl.u32 v44, $0x10;
	[tilespmem:$0x5080] =	vst v47  }
0x2b: {  	v49 =	vand.u32 $0xFFFF, v45;
	[tilespmem:$0x5180] =	vst v0  }
0x2c: {  	v50 =	vshrl.u32 v45, $0x10;
	[tilespmem:$0x5090] =	vst v49  }
0x2d: {  	v51 =	vand.u32 $0xFFFF, v46;
	[tilespmem:$0x5190] =	vst v50  }
0x2e: {  	v52 =	vshrl.u32 v46, $0x10;
	[tilespmem:$0x50A0] =	vst v51  }
0x2f: {  	v53 =	vand.u32 $0xFFFF, v48;
	[tilespmem:$0x51A0] =	vst v52  }
0x30: {  	v54 =	vshrl.u32 v48, $0x10;
	[tilespmem:$0x50B0] =	vst v53  }
0x31: {  	[tilespmem:$0x51B0] =	vst v54  }
0x32: {  	[tilespmem:s16], [sflag:$0x2] =	stream.indirect.gather [hbm4b:s4+s12], $0x80, s15, s12, $0xb8;
	[tilespmem:$0x1D200] =	vst v63  }
0x33: {  	_ =	swait.ge [sflag:s17], $0x2000  }
0x34: {  	[sflag:s17] =	ssyncset.done $0x0  }
0x35: {  	[sflag:s17] =	ssyncadd.s32 $0xFFFFE000  }
0x36: {  	[spmem:s2] =	stream.indirect.scatter.add.f32 [tilespmem:s14], [sflag:$0x3], $0x80, s18, s12, $0xb8;
	[tilespmem:$0x1D200] =	vst v63  }
0x37: {  	_ =	swait.ge [sflag:s9], $0x2000  }
0x38: {  	[sflag:s9] =	ssyncset.done $0x0  }
0x39: {  	s22 =	simm.s32 $0x1B0;
	[sflag:s9] =	ssyncadd.s32 $0xFFFFE000  }
0x3a: {  	v55 =	vld [tilespmem:s22+$0xFFFFFF50];
	_ =	sdelay $0x4  }
0x3b: {  	v56 =	vand.u32 $0xFFFF, v55  }
0x3c: {  	v0 =	vshrl.u32 v55, $0x10;
	[tilespmem:$0x5000] =	vst v56  }
0x3d: {  	[tilespmem:$0x5100] =	vst v0  }
0x3e: {  	v0 =	vld [tilespmem:s22+$0xFFFFFF60];
	_ =	sdelay $0x4  }
0x3f: {  	v57 =	vand.u32 $0xFFFF, v0  }
0x40: {  	v0 =	vshrl.u32 v0, $0x10;
	[tilespmem:$0x5010] =	vst v57  }
0x41: {  	[tilespmem:$0x5110] =	vst v0  }
0x42: {  	v0 =	vld [tilespmem:s22+$0xFFFFFF70];
	_ =	sdelay $0x4  }
0x43: {  	v58 =	vand.u32 $0xFFFF, v0  }
0x44: {  	v0 =	vshrl.u32 v0, $0x10;
	[tilespmem:$0x5020] =	vst v58  }
0x45: {  	[tilespmem:$0x5120] =	vst v0  }
0x46: {  	v0 =	vld [tilespmem:s22+$0xFFFFFF80];
	_ =	sdelay $0x4  }
0x47: {  	v59 =	vand.u32 $0xFFFF, v0  }
0x48: {  	v0 =	vshrl.u32 v0, $0x10;
	[tilespmem:$0x5030] =	vst v59  }
0x49: {  	[tilespmem:$0x5130] =	vst v0  }
0x4a: {  	[tilespmem:s14], [sflag:$0x1] =	stream.indirect.gather [hbm4b:s4+s12], $0x80, s13, s12, $0xb8;
	[tilespmem:$0x1D200] =	vst v63  }
0x4b: {  	_ =	swait.ge [sflag:s19], $0x2000  }
0x4c: {  	[sflag:s19] =	ssyncset.done $0x0  }
0x4d: {  	[sflag:s19] =	ssyncadd.s32 $0xFFFFE000  }
0x4e: {  	[spmem:s2] =	stream.indirect.scatter.add.f32 [tilespmem:s16], [sflag:$0x3], $0x80, s20, s12, $0xb8;
	[tilespmem:$0x1D200] =	vst v63  }
0x4f: {  	_ =	swait.ge [sflag:s9], $0x2000  }
0x50: {  	[sflag:s9] =	ssyncset.done $0x0  }
0x51: {  	[sflag:s9] =	ssyncadd.s32 $0xFFFFE000  }
0x52: {  	v60 =	vld [tilespmem:s22+$0xFFFFFFD0];
	_ =	sdelay $0x4  }
0x53: {  	v61 =	vand.u32 $0xFFFF, v60  }
0x54: {  	v0 =	vshrl.u32 v60, $0x10;
	[tilespmem:$0x5080] =	vst v61  }
0x55: {  	[tilespmem:$0x5180] =	vst v0  }
0x56: {  	v0 =	vld [tilespmem:s22+$0xFFFFFFE0];
	_ =	sdelay $0x4  }
0x57: {  	v62 =	vand.u32 $0xFFFF, v0  }
0x58: {  	v0 =	vshrl.u32 v0, $0x10;
	[tilespmem:$0x5090] =	vst v62  }
0x59: {  	[tilespmem:$0x5190] =	vst v0  }
0x5a: {  	v0 =	vld [tilespmem:s22+$0xFFFFFFF0];
	_ =	sdelay $0x4  }
0x5b: {  	v63 =	vand.u32 $0xFFFF, v0  }
0x5c: {  	v0 =	vshrl.u32 v0, $0x10;
	[tilespmem:$0x50A0] =	vst v63  }
0x5d: {  	s23 =	simm.s32 $0xAC0;
	[tilespmem:$0x51A0] =	vst v0  }
.LBB2_2:
0x5e: {  	p0 =	sne.s32 s23, $0x13EC0;
	v0 =	vld [tilespmem:s22+$0x0];
	s22 =	smov.u32 s23;
	s23 =	sadd.s32 $0x400, s23  }
0x5f: {  	_ =	sdelay $0x3  }
0x60: {  	v1 =	vand.u32 $0xFFFF, v0;
	v0 =	vshrl.u32 v0, $0x10  }
0x61: {  	[tilespmem:$0x50B0] =	vst v1  }
0x62: {  	[tilespmem:$0x51B0] =	vst v0  }
0x63: {  	[tilespmem:s16], [sflag:$0x2] =	stream.indirect.gather [hbm4b:s4+s12], $0x80, s15, s12, $0xb8;
	[tilespmem:$0x1D200] =	vst v63  }
0x64: {  	_ =	swait.ge [sflag:s17], $0x2000  }
0x65: {  	[sflag:s17] =	ssyncset.done $0x0  }
0x66: {  	[sflag:s17] =	ssyncadd.s32 $0xFFFFE000  }
0x67: {  	[spmem:s2] =	stream.indirect.scatter.add.f32 [tilespmem:s14], [sflag:$0x3], $0x80, s18, s12, $0xb8;
	[tilespmem:$0x1D200] =	vst v63  }
0x68: {  	_ =	swait.ge [sflag:s9], $0x2000  }
0x69: {  	[sflag:s9] =	ssyncset.done $0x0  }
0x6a: {  	s22 =	sshra.s32 s22, $0x2;
	[sflag:s9] =	ssyncadd.s32 $0xFFFFE000  }
0x6b: {  	v0 =	vld [tilespmem:s22+$0xFFFFFF50];
	_ =	sdelay $0x4  }
0x6c: {  	v1 =	vand.u32 $0xFFFF, v0;
	v0 =	vshrl.u32 v0, $0x10  }
0x6d: {  	[tilespmem:$0x5000] =	vst v1  }
0x6e: {  	[tilespmem:$0x5100] =	vst v0  }
0x6f: {  	v0 =	vld [tilespmem:s22+$0xFFFFFF60];
	_ =	sdelay $0x4  }
0x70: {  	v1 =	vand.u32 $0xFFFF, v0;
	v0 =	vshrl.u32 v0, $0x10  }
0x71: {  	[tilespmem:$0x5010] =	vst v1  }
0x72: {  	[tilespmem:$0x5110] =	vst v0  }
0x73: {  	v0 =	vld [tilespmem:s22+$0xFFFFFF70];
	_ =	sdelay $0x4  }
0x74: {  	v1 =	vand.u32 $0xFFFF, v0;
	v0 =	vshrl.u32 v0, $0x10  }
0x75: {  	[tilespmem:$0x5020] =	vst v1  }
0x76: {  	[tilespmem:$0x5120] =	vst v0  }
0x77: {  	v0 =	vld [tilespmem:s22+$0xFFFFFF80];
	_ =	sdelay $0x4  }
0x78: {  	v1 =	vand.u32 $0xFFFF, v0;
	v0 =	vshrl.u32 v0, $0x10  }
0x79: {  	[tilespmem:$0x5030] =	vst v1  }
0x7a: {  	[tilespmem:$0x5130] =	vst v0  }
0x7b: {  	[tilespmem:s14], [sflag:$0x1] =	stream.indirect.gather [hbm4b:s4+s12], $0x80, s13, s12, $0xb8;
	[tilespmem:$0x1D200] =	vst v63  }
0x7c: {  	_ =	swait.ge [sflag:s19], $0x2000  }
0x7d: {  	[sflag:s19] =	ssyncset.done $0x0  }
0x7e: {  	[sflag:s19] =	ssyncadd.s32 $0xFFFFE000  }
0x7f: {  	[spmem:s2] =	stream.indirect.scatter.add.f32 [tilespmem:s16], [sflag:$0x3], $0x80, s20, s12, $0xb8;
	[tilespmem:$0x1D200] =	vst v63  }
0x80: {  	_ =	swait.ge [sflag:s9], $0x2000  }
0x81: {  	[sflag:s9] =	ssyncset.done $0x0  }
0x82: {  	[sflag:s9] =	ssyncadd.s32 $0xFFFFE000  }
0x83: {  	v0 =	vld [tilespmem:s22+$0xFFFFFFD0];
	_ =	sdelay $0x4  }
0x84: {  	v1 =	vand.u32 $0xFFFF, v0;
	v0 =	vshrl.u32 v0, $0x10  }
0x85: {  	[tilespmem:$0x5080] =	vst v1  }
0x86: {  	[tilespmem:$0x5180] =	vst v0  }
0x87: {  	v0 =	vld [tilespmem:s22+$0xFFFFFFE0];
	_ =	sdelay $0x4  }
0x88: {  	v1 =	vand.u32 $0xFFFF, v0;
	v0 =	vshrl.u32 v0, $0x10  }
0x89: {  	[tilespmem:$0x5090] =	vst v1  }
0x8a: {  	[tilespmem:$0x5190] =	vst v0  }
0x8b: {  	v0 =	vld [tilespmem:s22+$0xFFFFFFF0];
	_ =	sdelay $0x2  }
.Ltmp0:
0x8c: {  	(pc) =	sbr.rel @p0 .LBB2_2-.Ltmp0, $4  }
0x8d: {  	_ = 	snop  }
0x8e: {  	v1 =	vand.u32 $0xFFFF, v0;
	v0 =	vshrl.u32 v0, $0x10  }
0x8f: {  	[tilespmem:$0x50A0] =	vst v1  }
0x90: {  	[tilespmem:$0x51A0] =	vst v0  }
0x91: {  	v0 =	vld [tilespmem:s22+$0x0];
	_ =	sdelay $0x4  }
0x92: {  	v1 =	vand.u32 $0xFFFF, v0  }
0x93: {  	v0 =	vshrl.u32 v0, $0x10;
	[tilespmem:$0x50B0] =	vst v1  }
0x94: {  	[tilespmem:$0x51B0] =	vst v0  }
0x95: {  	[tilespmem:s16], [sflag:$0x2] =	stream.indirect.gather [hbm4b:s4+s12], $0x80, s15, s12, $0xb8;
	[tilespmem:$0x1D200] =	vst v63  }
0x96: {  	_ =	swait.ge [sflag:s17], $0x2000  }
0x97: {  	[sflag:s17] =	ssyncset.done $0x0  }
0x98: {  	[sflag:s17] =	ssyncadd.s32 $0xFFFFE000  }
0x99: {  	[spmem:s2] =	stream.indirect.scatter.add.f32 [tilespmem:s14], [sflag:$0x3], $0x80, s18, s12, $0xb8;
	[tilespmem:$0x1D200] =	vst v63  }
0x9a: {  	_ =	swait.ge [sflag:s9], $0x2000  }
0x9b: {  	[sflag:s9] =	ssyncset.done $0x0  }
0x9c: {  	[sflag:s9] =	ssyncadd.s32 $0xFFFFE000  }
0x9d: {  	_ =	swait.ge [sflag:s19], $0x2000  }
0x9e: {  	[sflag:s19] =	ssyncset.done $0x0  }
0x9f: {  	[sflag:s19] =	ssyncadd.s32 $0xFFFFE000  }
0xa0: {  	[spmem:s2] =	stream.indirect.scatter.add.f32 [tilespmem:s16], [sflag:$0x3], $0x80, s20, s12, $0xb8;
	[tilespmem:$0x1D200] =	vst v63  }
0xa1: {  	_ =	swait.ge [sflag:s9], $0x2000  }
0xa2: {  	s21 =	sadd.s32 $0x1, s21;
	[sflag:s9] =	ssyncset.done $0x0  }
0xa3: {  	p0 =	sne.s32 s21, s8;
	[sflag:s9] =	ssyncadd.s32 $0xFFFFE000  }
.Ltmp1:
0xa4: {  	[bflag:$0x0] =	sbarrier.arrive $0xFFFF;
	(pc) =	sbr.rel @p0 .LBB2_1-.Ltmp1, $4  }
0xa5: {  	[hbm:s7], [sflag:s10] =	dma.local [spmem:s11], $0x2800  }
0xa6: {  	_ =	swait.ge [sflag:s9], $0x2800  }
0xa7: {  	[sflag:s9] =	ssyncset.done $0x0  }
0xa8: {  	[sflag:s9] =	ssyncadd.s32 $0xFFFFD800  }
0xa9: {  	_ =	sfence.sel $0x180000  }
0xaa: {  	[bflag:$0x0] =	sbarrier.arrive $0xFFFF  }
0xab: {  	p0 =	sne.s32 s0, $0x0;
	_ =	strace $0x9000004A  }
0xac: {  	s0 =	sadd.s32 @!p0 $0x100000, s1;
	[bflag:$0x2] =	sbarrier.arrive $0xFFFF  }
0xad: {  	[sflag:s0] =	ssyncadd.tile.s32 @!p0 $0x1;
	_ =	shalt  }
.Lfunc_end2:
_tile_overlayer_lowered:
.L_overlay_start_2:
0xae: {  	(tag) =	ssettag $0x2  }
0xaf: {  	s0 =	rddreg [dreg:$0x0];
	s2 =	stileid.u32  }
0xb0: {  	s1 =	rddreg [dreg:$0x1];
	p0 =	sne.s32 s2, $0x0  }
0xb1: {  	s3 =	rddreg [dreg:$0x2];
	[bflag:$0x3] =	sbarrier.arrive $0xFFFF;
	s2 =	simm.s32 @!p0 $0x1C03  }
0xb2: {  	[timem:s3], [sflag:s2] =	dma.local @!p0 [hbm:s0], s1  }
0xb3: {  	s0 =	simm.s32 @!p0 $0x3  }
0xb4: {  	_ =	swait.ge @!p0 [sflag:s0], s1  }
0xb5: {  	s1 =	ssub.s32 @!p0 $0x0, s1;
	[sflag:s0] =	ssyncset.done @!p0 $0x0  }
0xb6: {  	[sflag:s0] =	ssyncadd.s32 @!p0 s1  }
0xb7: {  	[bflag:$0x3] =	sbarrier.arrive $0xFFFF  }
0xb8: {  	_ =	shalt  }

// kernel: kernel.16.cloned.1.call-start
scs
__scs_entry_jumppad:
0x0: {  	(pc) =	sbr.rel $0x88, $3  }
0x1: {  	(tag) =	ssettag $0x0;
	lr =	simm.s32 $0x1  }
0x2: {  	[smem:$0x3F90] =	sst lr;
	_ =	strace $0xD0000000  }
0x3: {  	_ = 	snop  }
0x4: {  	_ = 	snop  }
0x5: {  	_ = 	snop  }
0x6: {  	_ = 	snop  }
0x7: {  	_ = 	snop  }
__scs_overlays_trampoline_lowered:
0x8: {  	[smem:$0x3F9F] =	sst s0  }
0x9: {  	[smem:$0x3FA0] =	sst s1  }
0xa: {  	[smem:$0x3FA1] =	sst s2  }
0xb: {  	[smem:$0x3FA2] =	sst s3  }
0xc: {  	[smem:$0x3FA3] =	sst s4  }
0xd: {  	[smem:$0x3FA4] =	sst s5  }
0xe: {  	[smem:$0x3FA5] =	sst s6  }
0xf: {  	[smem:$0x3FA6] =	sst s7  }
0x10: {  	[smem:$0x3FA7] =	sst s8  }
0x11: {  	[smem:$0x3FA8] =	sst s9;
	s0 =	simm.s32 @!p0 $0x0  }
0x12: {  	s1 =	sld [smem:$0x3F8E];
	s0 =	simm.s32 @p0 $0x1  }
0x13: {  	[smem:$0x3FA9] =	sst s0;
	s0 =	simm.s32 @!p1 $0x0  }
0x14: {  	s2 =	sld [smem:$0x3F8D];
	s0 =	simm.s32 @p1 $0x1  }
0x15: {  	[smem:$0x3FAA] =	sst s0;
	s0 =	simm.s32 @!p2 $0x0  }
0x16: {  	s3 =	sld [smem:$0x3FDB];
	s0 =	simm.s32 @p2 $0x1  }
0x17: {  	s4 =	simm.s32 $0x1BF5;
	[smem:$0x3FAC] =	sst s0  }
0x18: {  	s0 =	sld [smem:$0x3F8F];
	_ =	swait.ge [sflag:s4], $0x0  }
0x19: {  	s7 =	sld [smem:$0x3F90]  }
0x1a: {  	s8 =	sadd.s32 $0xFFFFE003, lr  }
0x1b: {  	s9 =	sadd.s32 $0xFFFFFEF7, lr;
	s5 =	simm.s32 $0xFFFFFFFF;
	p2 =	slt.u32 s8, $0xFFFFF086  }
0x1c: {  	p1 =	slt.u32 s9, $0xF7A;
	s5 =	simm.s32 @!p2 $0x0  }
0x1d: {  	s5 =	simm.s32 @p1 $0x1;
	p0 =	seq.s32 s7, s2  }
0x1e: {  	s7 =	smul.u32 @!p0 $0xF7A, s2;
	p2 =	seq.s32 @!p0 s5, $0x0  }
0x1f: {  	s9 =	smul.u32 $0xF7A, s1;
	s8 =	simm.s32 @!p0 $0x1BF5;
	p2 =	por !p2, p0  }
0x20: {  	[sflag:s8] =	ssyncset.s32 @!p0 $0xFFFFF086;
	s6 =	sadd.s32 @!p0 s3, s7;
	s7 =	simm.s32 @!p0 $0x108  }
0x21: {  	s3 =	sadd.s32 s3, s9;
	s6 =	sadd.s32 @!p0 $0x88, s6;
	s7 =	simm.s32 @p2 $0x1082  }
0x22: {  	[simem:s7], [sflag:s8] =	dma.local @!p0 [hbm:s6], $0xF7A  }
0x23: {  	s9 =	sor.u32 $0xD0000000, s2;
	s6 =	simm.s32 $0x108;
	_ =	swait.ge @!p0 [sflag:s8], $0x0  }
0x24: {  	s3 =	sadd.s32 $0x88, s3;
	s6 =	simm.s32 @!p1 $0x1082;
	[sflag:s4] =	ssyncset.s32 $0xFFFFF086  }
0x25: {  	[simem:s6], [sflag:s4] =	dma.local [hbm:s3], $0xF7A  }
0x26: {  	[smem:$0x3F90] =	sst s1;
	(tag) =	ssettag s2;
	_ =	strace s9  }
0x27: {  	s1 =	sld [smem:$0x3FA0]  }
0x28: {  	s2 =	sld [smem:$0x3FA1]  }
0x29: {  	s4 =	sld [smem:$0x3FA3]  }
0x2a: {  	p0 =	seq.s32 s5, $0x0;
	s5 =	sld [smem:$0x3FA4]  }
0x2b: {  	s6 =	sld [smem:$0x3FA5]  }
0x2c: {  	s7 =	sld [smem:$0x3FA6]  }
0x2d: {  	s3 =	simm.s32 $0x108;
	s8 =	sld [smem:$0x3FA7]  }
0x2e: {  	s3 =	simm.s32 @!p0 $0x1082;
	s9 =	sld [smem:$0x3FA8]  }
0x2f: {  	lr =	sadd.s32 s0, s3;
	s0 =	sld [smem:$0x3F9F]  }
0x30: {  	s3 =	sld [smem:$0x3FA2]  }
0x31: {  	[smem:$0x3FAB] =	sst s10  }
0x32: {  	s10 =	sld [smem:$0x3FA9];
	_ =	sdelay $0x3  }
0x33: {  	p0 =	seq.s32 s10, $0x1;
	s10 =	sld [smem:$0x3FAB];
	_ =	sdelay $0x3  }
0x34: {  	[smem:$0x3FAB] =	sst s10  }
0x35: {  	s10 =	sld [smem:$0x3FAA];
	_ =	sdelay $0x3  }
0x36: {  	p1 =	seq.s32 s10, $0x1;
	s10 =	sld [smem:$0x3FAB];
	_ =	sdelay $0x3  }
0x37: {  	[smem:$0x3FAB] =	sst s10  }
0x38: {  	s10 =	sld [smem:$0x3FAC]  }
0x39: {  	_ = 	snop;
	(pc) =	sbr.ind lr, $3  }
0x3a: {  	_ = 	snop  }
0x3b: {  	_ = 	snop  }
0x3c: {  	p2 =	seq.s32 s10, $0x1;
	s10 =	sld [smem:$0x3FAB]  }
0x3d: {  	_ =	shalt  }
0x3e: {  	_ =	shalt  }
0x3f: {  	_ =	shalt  }
0x40: {  	_ =	shalt  }
0x41: {  	_ =	shalt  }
0x42: {  	_ =	shalt  }
0x43: {  	_ =	shalt  }
0x44: {  	_ =	shalt  }
0x45: {  	_ =	shalt  }
0x46: {  	_ =	shalt  }
0x47: {  	_ =	shalt  }
0x48: {  	_ =	shalt  }
0x49: {  	_ =	shalt  }
0x4a: {  	_ =	shalt  }
0x4b: {  	_ =	shalt  }
0x4c: {  	_ =	shalt  }
0x4d: {  	_ =	shalt  }
0x4e: {  	_ =	shalt  }
0x4f: {  	_ =	shalt  }
0x50: {  	_ =	shalt  }
0x51: {  	_ =	shalt  }
0x52: {  	_ =	shalt  }
0x53: {  	_ =	shalt  }
0x54: {  	_ =	shalt  }
0x55: {  	_ =	shalt  }
0x56: {  	_ =	shalt  }
0x57: {  	_ =	shalt  }
0x58: {  	_ =	shalt  }
0x59: {  	_ =	shalt  }
0x5a: {  	_ =	shalt  }
0x5b: {  	_ =	shalt  }
0x5c: {  	_ =	shalt  }
0x5d: {  	_ =	shalt  }
0x5e: {  	_ =	shalt  }
0x5f: {  	_ =	shalt  }
0x60: {  	_ =	shalt  }
0x61: {  	_ =	shalt  }
0x62: {  	_ =	shalt  }
0x63: {  	_ =	shalt  }
0x64: {  	_ =	shalt  }
0x65: {  	_ =	shalt  }
0x66: {  	_ =	shalt  }
0x67: {  	_ =	shalt  }
0x68: {  	_ =	shalt  }
0x69: {  	_ =	shalt  }
0x6a: {  	_ =	shalt  }
0x6b: {  	_ =	shalt  }
0x6c: {  	_ =	shalt  }
0x6d: {  	_ =	shalt  }
0x6e: {  	_ =	shalt  }
0x6f: {  	_ =	shalt  }
0x70: {  	_ =	shalt  }
0x71: {  	_ =	shalt  }
0x72: {  	_ =	shalt  }
0x73: {  	_ =	shalt  }
0x74: {  	_ =	shalt  }
0x75: {  	_ =	shalt  }
0x76: {  	_ =	shalt  }
0x77: {  	_ =	shalt  }
0x78: {  	_ =	shalt  }
0x79: {  	_ =	shalt  }
0x7a: {  	_ =	shalt  }
0x7b: {  	_ =	shalt  }
0x7c: {  	_ =	shalt  }
0x7d: {  	_ =	shalt  }
0x7e: {  	_ =	shalt  }
0x7f: {  	_ =	shalt  }
0x80: {  	_ =	shalt  }
0x81: {  	_ =	shalt  }
0x82: {  	_ =	shalt  }
0x83: {  	_ =	shalt  }
0x84: {  	_ =	shalt  }
0x85: {  	_ =	shalt  }
0x86: {  	_ =	shalt  }
0x87: {  	_ =	shalt  }
.Lfunc_end0:
.L_simem_size_0:
called_computation.2_lowered:
.L_overlay_start_0:
0x88: {  	s2 =	sld [smem:$0x3FD9]  }
0x89: {  	s3 =	sld [smem:$0x3FFE];
	_ =	sdelay $0x1  }
0x8a: {  	s1 =	srdreg.scid  }
0x8b: {  	s0 =	sand.u32 $0x1, s1  }
0x8c: {  	s16 =	sshll.u32 s0, $0xA;
	s2 =	sadd.s32 s3, s2  }
0x8d: {  	s2 =	sadd.s32 s2, s16  }
0x8e: {  	[smem:$0x3FB7] =	sst s2  }
0x8f: {  	_ = 	snop  }
0x90: {  	(tm) =	ssettm $0x1  }
0x91: {  	s17 =	sld [smem:$0x3FFB];
	_ =	sdelay $0x3  }
0x92: {  	_ =	strace s17  }
0x93: {  	s2 =	sld [smem:$0x3FFC];
	_ =	sdelay $0x3  }
0x94: {  	_ =	strace s2  }
0x95: {  	s2 =	sld [smem:$0x3FFD];
	_ =	sdelay $0x3  }
0x96: {  	_ =	strace s2  }
0x97: {  	_ =	strace $0x8FFFFFFF  }
0x98: {  	s18 =	sld [smem:$0x3FDB];
	_ =	sdelay $0x1  }
0x99: {  	s19 =	simm.s32 $_scs_section_size  }
0x9a: {  	s4 =	simm.s32 $_size__tile_overlayer_lowered;
	s5 =	simm.s32 $_tile_overlayer_lowered  }
0x9b: {  	s22 =	simm.s32 $0x1BFF;
	s21 =	sshll.u32 s5, $0x1;
	s2 =	sadd.s32 s19, s18  }
0x9c: {  	s6 =	simm.s32 $0x0;
	s20 =	sshll.u32 s4, $0x1;
	s4 =	sadd.s32 s21, s2  }
0x9d: {  	[timem:s6], [sflag:s22] =	dma.local [hbm:s4], s20  }
0x9e: {  	_ =	swait.ge [sflag:s22], s20  }
0x9f: {  	s3 =	ssub.s32 $0x0, s20;
	[sflag:s22] =	ssyncset.done $0x0  }
0xa0: {  	[sflag:s22] =	ssyncadd.s32 s3;
	_ =	sdelay $0x1  }
0xa1: {  	s23 =	simm.s32 $0x1B8B  }
0xa2: {  	_ =	swait.ge [sflag:s23], $0x1  }
0xa3: {  	[sflag:s23] =	ssyncset.done $0x0  }
0xa4: {  	s25 =	simm.s32 $0x1B8E;
	s24 =	sld [smem:$0x3FFE];
	[sflag:s23] =	ssyncadd.s32 $0xFFFFFFFF  }
0xa5: {  	s26 =	simm.s32 $execute0_lowered;
	[smem:$0x3FD2] =	sst s25  }
0xa6: {  	s4 =	sshll.u32 s26, $0x1;
	_ =	strace $0x8000004C;
	[dreg:$0x1] =	wrdreg $0xFFFFFFFF  }
0xa7: {  	s28 =	simm.s32 $_size_execute0_lowered;
	s2 =	sadd.s32 s2, s4;
	[dreg:$0x0] =	wrdreg $0x0  }
0xa8: {  	s4 =	sshll.u32 s28, $0x1;
	[dreg:$0x2] =	wrdreg s2  }
0xa9: {  	[dreg:$0x3] =	wrdreg s4  }
0xaa: {  	[dreg:$0x4] =	wrdreg $0xC0  }
0xab: {  	_ =	task [dreg:s6], $0x5FFFF  }
0xac: {  	[dreg:$0x1] =	wrdreg $0xFFFFFFFF  }
0xad: {  	[dreg:$0x0] =	wrdreg $0x60  }
0xae: {  	[dreg:$0x2] =	wrdreg s24  }
0xaf: {  	[dreg:$0x3] =	wrdreg $0x92000  }
0xb0: {  	[dreg:$0x4] =	wrdreg $0x9  }
0xb1: {  	_ =	task.clear_ibuf [dreg:s6], $0x5FFFF;
	_ =	strace $0x9000004C  }
0xb2: {  	s29 =	simm.s32 $0x9;
	_ =	strace $0x8000004E  }
0xb3: {  	_ =	swait.ge [sflag:s29], $0x1  }
0xb4: {  	[sflag:s29] =	ssyncadd.s32 $0xFFFFFFFF  }
0xb5: {  	_ =	strace $0x9000004E  }
0xb6: {  	_ =	sfence  }
0xb7: {  	s30 =	sld [smem:$0x0];
	_ =	sdelay $0x2  }
0xb8: {  	s31 =	sshll.u32 s1, $0xD;
	s1 =	sshrl.u32 s1, $0x2  }
0xb9: {  	s3 =	sand.u32 $0x4000, s31;
	s1 =	sadd.s32 s1, s30  }
0xba: {  	s0 =	sor.u32 s3, s0;
	s1 =	sshll.u32 s1, $0x11  }
0xbb: {  	s0 =	sor.u32 s1, s0  }
0xbc: {  	s0 =	sadd.s32 $0x8F2B, s0  }
0xbd: {  	[sflag:s0] =	ssyncadd.remote.s32 $0x1  }
0xbe: {  	_ =	sfence.sel $0xFFFF  }
0xbf: {  	[dreg:$0x0] =	wrdreg $0xFFFFFFFF;
	(pc) =	sbr.abs _section_cstart, $3  }
0xc0: {  	[dreg:$0x1] =	wrdreg $0xFFFFFFFF  }
0xc1: {  	_ =	task.clear_ibuf [dreg:s6], $0x2FFFF;
	_ =	strace $0x9FFFFFFF  }
0xc2: {  	(tm) =	ssettm $0x7FFFFFFF  }
0xc3: {  	_ =	shalt  }
tec
execute0_lowered:
.L_overlay_start_1:
0x0: {  	(tag) =	ssettag $0x1  }
0x1: {  	s6 =	rddreg [dreg:$0x0]  }
0x2: {  	s0 =	srdreg.scid;
	s2 =	rddreg [dreg:$0x1];
	s3 =	simm.s32 $0x0  }
0x3: {  	s12 =	simm.s32 $0x40;
	s13 =	simm.s32 $0x5000;
	s14 =	simm.s32 $0x5200  }
0x4: {  	s15 =	simm.s32 $0x5080;
	s16 =	simm.s32 $0x7200;
	s17 =	simm.s32 $0x1  }
0x5: {  	s18 =	simm.s32 $0x5100;
	s19 =	simm.s32 $0x2;
	s20 =	simm.s32 $0x5180  }
0x6: {  	s21 =	simm.s32 $0x0;
	s5 =	sand.u32 $0x1, s0;
	s0 =	stileid.u32  }
0x7: {  	[smem:$0x7FF] =	sst s3;
	s4 =	sadd.s32 $0x1BC00, s6;
	s8 =	smul.u32 $0x140000, s5  }
0x8: {  	s1 =	sshll.u32 s5, $0x4;
	s9 =	smul.u32 $0x14000, s0;
	s29 =	ssub.s32 $0x2, s5  }
0x9: {  	s10 =	smul.u32 $0x50000, s0;
	s5 =	sadd.s32 $0x19400, s6;
	s1 =	sor.u32 s0, s1  }
0xa: {  	s31 =	sshll.u32 s0, $0x6;
	s11 =	sshrl.u32 s29, $0x1;
	s7 =	smul.u32 $0xA00, s1  }
0xb: {  	s1 =	rddreg [dreg:$0x2];
	_ =	strace $0x8000004D;
	s8 =	sadd.s32 s9, s8  }
0xc: {  	s9 =	ssub.s32 s29, s11;
	s10 =	sshrl.u32 s10, $0x2;
	s8 =	sshrl.u32 s8, $0x3  }
0xd: {  	s30 =	sadd.s32 s10, s2;
	s10 =	sor.u32 $0x1C03, s31;
	s7 =	sadd.s32 s7, s6  }
0xe: {  	s8 =	sadd.s32 s8, s6;
	s11 =	sshrl.u32 s30, $0x3;
	s6 =	sadd.s32 $0x5400, s7  }
0xf: {  	s7 =	sadd.s32 $0x43C00, s8;
	s8 =	smax.u32 s9, $0x1;
	s9 =	simm.s32 $0x3  }
.LBB2_1:
0x10: {  	[tilespmem:s3], [sflag:$0x3] =	stream.linear.gather [hbm4b:s6+s3], $0x5000, $0x38;
	[tilespmem:$0x1D200] =	vst v63  }
0x11: {  	_ =	swait.ge [sflag:s9], $0x5000  }
0x12: {  	[sflag:s9] =	ssyncset.done $0x0  }
0x13: {  	[sflag:s9] =	ssyncadd.s32 $0xFFFFB000  }
0x14: {  	[spmem:s11], [sflag:s10] =	dma.local [hbm:s5], $0x2800  }
0x15: {  	_ =	swait.ge [sflag:s9], $0x2800  }
0x16: {  	[sflag:s9] =	ssyncset.done $0x0  }
0x17: {  	[sflag:s9] =	ssyncadd.s32 $0xFFFFD800  }
0x18: {  	[bflag:$0x0] =	sbarrier.arrive $0xFFFF  }
0x19: {  	v0 =	vld [tilespmem:$0x0];
	_ =	sdelay $0x1  }
0x1a: {  	v1 =	vld [tilespmem:$0x10];
	_ =	sdelay $0x1  }
0x1b: {  	v2 =	vld [tilespmem:$0x20]  }
0x1c: {  	v3 =	vand.u32 $0xFFFF, v0  }
0x1d: {  	v37 =	vld [tilespmem:$0x30];
	v0 =	vshrl.u32 v0, $0x10;
	[tilespmem:$0x5000] =	vst v3  }
0x1e: {  	v38 =	vand.u32 $0xFFFF, v1;
	[tilespmem:$0x5100] =	vst v0  }
0x1f: {  	v39 =	vshrl.u32 v1, $0x10;
	[tilespmem:$0x5010] =	vst v38  }
0x20: {  	v40 =	vand.u32 $0xFFFF, v2;
	[tilespmem:$0x5110] =	vst v39  }
0x21: {  	v41 =	vshrl.u32 v2, $0x10;
	[tilespmem:$0x5020] =	vst v40  }
0x22: {  	v42 =	vand.u32 $0xFFFF, v37;
	[tilespmem:$0x5120] =	vst v41  }
0x23: {  	v43 =	vshrl.u32 v37, $0x10;
	[tilespmem:$0x5030] =	vst v42  }
0x24: {  	[tilespmem:$0x5130] =	vst v43  }
0x25: {  	[tilespmem:s14], [sflag:$0x1] =	stream.indirect.gather [hbm4b:s4+s12], $0x80, s13, s12, $0xb8;
	[tilespmem:$0x1D200] =	vst v63  }
0x26: {  	v44 =	vld [tilespmem:$0x80];
	_ =	sdelay $0x1  }
0x27: {  	v45 =	vld [tilespmem:$0x90];
	_ =	sdelay $0x1  }
0x28: {  	v46 =	vld [tilespmem:$0xA0]  }
0x29: {  	v47 =	vand.u32 $0xFFFF, v44  }
0x2a: {  	v48 =	vld [tilespmem:$0xB0];
	v0 =	vshrl.u32 v44, $0x10;
	[tilespmem:$0x5080] =	vst v47  }
0x2b: {  	v49 =	vand.u32 $0xFFFF, v45;
	[tilespmem:$0x5180] =	vst v0  }
0x2c: {  	v50 =	vshrl.u32 v45, $0x10;
	[tilespmem:$0x5090] =	vst v49  }
0x2d: {  	v51 =	vand.u32 $0xFFFF, v46;
	[tilespmem:$0x5190] =	vst v50  }
0x2e: {  	v52 =	vshrl.u32 v46, $0x10;
	[tilespmem:$0x50A0] =	vst v51  }
0x2f: {  	v53 =	vand.u32 $0xFFFF, v48;
	[tilespmem:$0x51A0] =	vst v52  }
0x30: {  	v54 =	vshrl.u32 v48, $0x10;
	[tilespmem:$0x50B0] =	vst v53  }
0x31: {  	[tilespmem:$0x51B0] =	vst v54  }
0x32: {  	[tilespmem:s16], [sflag:$0x2] =	stream.indirect.gather [hbm4b:s4+s12], $0x80, s15, s12, $0xb8;
	[tilespmem:$0x1D200] =	vst v63  }
0x33: {  	_ =	swait.ge [sflag:s17], $0x2000  }
0x34: {  	[sflag:s17] =	ssyncset.done $0x0  }
0x35: {  	[sflag:s17] =	ssyncadd.s32 $0xFFFFE000  }
0x36: {  	[spmem:s2] =	stream.indirect.scatter.add.f32 [tilespmem:s14], [sflag:$0x3], $0x80, s18, s12, $0xb8;
	[tilespmem:$0x1D200] =	vst v63  }
0x37: {  	_ =	swait.ge [sflag:s9], $0x2000  }
0x38: {  	[sflag:s9] =	ssyncset.done $0x0  }
0x39: {  	s22 =	simm.s32 $0x1B0;
	[sflag:s9] =	ssyncadd.s32 $0xFFFFE000  }
0x3a: {  	v55 =	vld [tilespmem:s22+$0xFFFFFF50];
	_ =	sdelay $0x4  }
0x3b: {  	v56 =	vand.u32 $0xFFFF, v55  }
0x3c: {  	v0 =	vshrl.u32 v55, $0x10;
	[tilespmem:$0x5000] =	vst v56  }
0x3d: {  	[tilespmem:$0x5100] =	vst v0  }
0x3e: {  	v0 =	vld [tilespmem:s22+$0xFFFFFF60];
	_ =	sdelay $0x4  }
0x3f: {  	v57 =	vand.u32 $0xFFFF, v0  }
0x40: {  	v0 =	vshrl.u32 v0, $0x10;
	[tilespmem:$0x5010] =	vst v57  }
0x41: {  	[tilespmem:$0x5110] =	vst v0  }
0x42: {  	v0 =	vld [tilespmem:s22+$0xFFFFFF70];
	_ =	sdelay $0x4  }
0x43: {  	v58 =	vand.u32 $0xFFFF, v0  }
0x44: {  	v0 =	vshrl.u32 v0, $0x10;
	[tilespmem:$0x5020] =	vst v58  }
0x45: {  	[tilespmem:$0x5120] =	vst v0  }
0x46: {  	v0 =	vld [tilespmem:s22+$0xFFFFFF80];
	_ =	sdelay $0x4  }
0x47: {  	v59 =	vand.u32 $0xFFFF, v0  }
0x48: {  	v0 =	vshrl.u32 v0, $0x10;
	[tilespmem:$0x5030] =	vst v59  }
0x49: {  	[tilespmem:$0x5130] =	vst v0  }
0x4a: {  	[tilespmem:s14], [sflag:$0x1] =	stream.indirect.gather [hbm4b:s4+s12], $0x80, s13, s12, $0xb8;
	[tilespmem:$0x1D200] =	vst v63  }
0x4b: {  	_ =	swait.ge [sflag:s19], $0x2000  }
0x4c: {  	[sflag:s19] =	ssyncset.done $0x0  }
0x4d: {  	[sflag:s19] =	ssyncadd.s32 $0xFFFFE000  }
0x4e: {  	[spmem:s2] =	stream.indirect.scatter.add.f32 [tilespmem:s16], [sflag:$0x3], $0x80, s20, s12, $0xb8;
	[tilespmem:$0x1D200] =	vst v63  }
0x4f: {  	_ =	swait.ge [sflag:s9], $0x2000  }
0x50: {  	[sflag:s9] =	ssyncset.done $0x0  }
0x51: {  	[sflag:s9] =	ssyncadd.s32 $0xFFFFE000  }
0x52: {  	v60 =	vld [tilespmem:s22+$0xFFFFFFD0];
	_ =	sdelay $0x4  }
0x53: {  	v61 =	vand.u32 $0xFFFF, v60  }
0x54: {  	v0 =	vshrl.u32 v60, $0x10;
	[tilespmem:$0x5080] =	vst v61  }
0x55: {  	[tilespmem:$0x5180] =	vst v0  }
0x56: {  	v0 =	vld [tilespmem:s22+$0xFFFFFFE0];
	_ =	sdelay $0x4  }
0x57: {  	v62 =	vand.u32 $0xFFFF, v0  }
0x58: {  	v0 =	vshrl.u32 v0, $0x10;
	[tilespmem:$0x5090] =	vst v62  }
0x59: {  	[tilespmem:$0x5190] =	vst v0  }
0x5a: {  	v0 =	vld [tilespmem:s22+$0xFFFFFFF0];
	_ =	sdelay $0x4  }
0x5b: {  	v63 =	vand.u32 $0xFFFF, v0  }
0x5c: {  	v0 =	vshrl.u32 v0, $0x10;
	[tilespmem:$0x50A0] =	vst v63  }
0x5d: {  	s23 =	simm.s32 $0xAC0;
	[tilespmem:$0x51A0] =	vst v0  }
.LBB2_2:
0x5e: {  	p0 =	sne.s32 s23, $0x13EC0;
	v0 =	vld [tilespmem:s22+$0x0];
	s22 =	smov.u32 s23;
	s23 =	sadd.s32 $0x400, s23  }
0x5f: {  	_ =	sdelay $0x3  }
0x60: {  	v1 =	vand.u32 $0xFFFF, v0;
	v0 =	vshrl.u32 v0, $0x10  }
0x61: {  	[tilespmem:$0x50B0] =	vst v1  }
0x62: {  	[tilespmem:$0x51B0] =	vst v0  }
0x63: {  	[tilespmem:s16], [sflag:$0x2] =	stream.indirect.gather [hbm4b:s4+s12], $0x80, s15, s12, $0xb8;
	[tilespmem:$0x1D200] =	vst v63  }
0x64: {  	_ =	swait.ge [sflag:s17], $0x2000  }
0x65: {  	[sflag:s17] =	ssyncset.done $0x0  }
0x66: {  	[sflag:s17] =	ssyncadd.s32 $0xFFFFE000  }
0x67: {  	[spmem:s2] =	stream.indirect.scatter.add.f32 [tilespmem:s14], [sflag:$0x3], $0x80, s18, s12, $0xb8;
	[tilespmem:$0x1D200] =	vst v63  }
0x68: {  	_ =	swait.ge [sflag:s9], $0x2000  }
0x69: {  	[sflag:s9] =	ssyncset.done $0x0  }
0x6a: {  	s22 =	sshra.s32 s22, $0x2;
	[sflag:s9] =	ssyncadd.s32 $0xFFFFE000  }
0x6b: {  	v0 =	vld [tilespmem:s22+$0xFFFFFF50];
	_ =	sdelay $0x4  }
0x6c: {  	v1 =	vand.u32 $0xFFFF, v0;
	v0 =	vshrl.u32 v0, $0x10  }
0x6d: {  	[tilespmem:$0x5000] =	vst v1  }
0x6e: {  	[tilespmem:$0x5100] =	vst v0  }
0x6f: {  	v0 =	vld [tilespmem:s22+$0xFFFFFF60];
	_ =	sdelay $0x4  }
0x70: {  	v1 =	vand.u32 $0xFFFF, v0;
	v0 =	vshrl.u32 v0, $0x10  }
0x71: {  	[tilespmem:$0x5010] =	vst v1  }
0x72: {  	[tilespmem:$0x5110] =	vst v0  }
0x73: {  	v0 =	vld [tilespmem:s22+$0xFFFFFF70];
	_ =	sdelay $0x4  }
0x74: {  	v1 =	vand.u32 $0xFFFF, v0;
	v0 =	vshrl.u32 v0, $0x10  }
0x75: {  	[tilespmem:$0x5020] =	vst v1  }
0x76: {  	[tilespmem:$0x5120] =	vst v0  }
0x77: {  	v0 =	vld [tilespmem:s22+$0xFFFFFF80];
	_ =	sdelay $0x4  }
0x78: {  	v1 =	vand.u32 $0xFFFF, v0;
	v0 =	vshrl.u32 v0, $0x10  }
0x79: {  	[tilespmem:$0x5030] =	vst v1  }
0x7a: {  	[tilespmem:$0x5130] =	vst v0  }
0x7b: {  	[tilespmem:s14], [sflag:$0x1] =	stream.indirect.gather [hbm4b:s4+s12], $0x80, s13, s12, $0xb8;
	[tilespmem:$0x1D200] =	vst v63  }
0x7c: {  	_ =	swait.ge [sflag:s19], $0x2000  }
0x7d: {  	[sflag:s19] =	ssyncset.done $0x0  }
0x7e: {  	[sflag:s19] =	ssyncadd.s32 $0xFFFFE000  }
0x7f: {  	[spmem:s2] =	stream.indirect.scatter.add.f32 [tilespmem:s16], [sflag:$0x3], $0x80, s20, s12, $0xb8;
	[tilespmem:$0x1D200] =	vst v63  }
0x80: {  	_ =	swait.ge [sflag:s9], $0x2000  }
0x81: {  	[sflag:s9] =	ssyncset.done $0x0  }
0x82: {  	[sflag:s9] =	ssyncadd.s32 $0xFFFFE000  }
0x83: {  	v0 =	vld [tilespmem:s22+$0xFFFFFFD0];
	_ =	sdelay $0x4  }
0x84: {  	v1 =	vand.u32 $0xFFFF, v0;
	v0 =	vshrl.u32 v0, $0x10  }
0x85: {  	[tilespmem:$0x5080] =	vst v1  }
0x86: {  	[tilespmem:$0x5180] =	vst v0  }
0x87: {  	v0 =	vld [tilespmem:s22+$0xFFFFFFE0];
	_ =	sdelay $0x4  }
0x88: {  	v1 =	vand.u32 $0xFFFF, v0;
	v0 =	vshrl.u32 v0, $0x10  }
0x89: {  	[tilespmem:$0x5090] =	vst v1  }
0x8a: {  	[tilespmem:$0x5190] =	vst v0  }
0x8b: {  	v0 =	vld [tilespmem:s22+$0xFFFFFFF0];
	_ =	sdelay $0x2  }
.Ltmp0:
0x8c: {  	(pc) =	sbr.rel @p0 .LBB2_2-.Ltmp0, $4  }
0x8d: {  	_ = 	snop  }
0x8e: {  	v1 =	vand.u32 $0xFFFF, v0;
	v0 =	vshrl.u32 v0, $0x10  }
0x8f: {  	[tilespmem:$0x50A0] =	vst v1  }
0x90: {  	[tilespmem:$0x51A0] =	vst v0  }
0x91: {  	v0 =	vld [tilespmem:s22+$0x0];
	_ =	sdelay $0x4  }
0x92: {  	v1 =	vand.u32 $0xFFFF, v0  }
0x93: {  	v0 =	vshrl.u32 v0, $0x10;
	[tilespmem:$0x50B0] =	vst v1  }
0x94: {  	[tilespmem:$0x51B0] =	vst v0  }
0x95: {  	[tilespmem:s16], [sflag:$0x2] =	stream.indirect.gather [hbm4b:s4+s12], $0x80, s15, s12, $0xb8;
	[tilespmem:$0x1D200] =	vst v63  }
0x96: {  	_ =	swait.ge [sflag:s17], $0x2000  }
0x97: {  	[sflag:s17] =	ssyncset.done $0x0  }
0x98: {  	[sflag:s17] =	ssyncadd.s32 $0xFFFFE000  }
0x99: {  	[spmem:s2] =	stream.indirect.scatter.add.f32 [tilespmem:s14], [sflag:$0x3], $0x80, s18, s12, $0xb8;
	[tilespmem:$0x1D200] =	vst v63  }
0x9a: {  	_ =	swait.ge [sflag:s9], $0x2000  }
0x9b: {  	[sflag:s9] =	ssyncset.done $0x0  }
0x9c: {  	[sflag:s9] =	ssyncadd.s32 $0xFFFFE000  }
0x9d: {  	_ =	swait.ge [sflag:s19], $0x2000  }
0x9e: {  	[sflag:s19] =	ssyncset.done $0x0  }
0x9f: {  	[sflag:s19] =	ssyncadd.s32 $0xFFFFE000  }
0xa0: {  	[spmem:s2] =	stream.indirect.scatter.add.f32 [tilespmem:s16], [sflag:$0x3], $0x80, s20, s12, $0xb8;
	[tilespmem:$0x1D200] =	vst v63  }
0xa1: {  	_ =	swait.ge [sflag:s9], $0x2000  }
0xa2: {  	s21 =	sadd.s32 $0x1, s21;
	[sflag:s9] =	ssyncset.done $0x0  }
0xa3: {  	p0 =	sne.s32 s21, s8;
	[sflag:s9] =	ssyncadd.s32 $0xFFFFE000  }
.Ltmp1:
0xa4: {  	[bflag:$0x0] =	sbarrier.arrive $0xFFFF;
	(pc) =	sbr.rel @p0 .LBB2_1-.Ltmp1, $4  }
0xa5: {  	[hbm:s7], [sflag:s10] =	dma.local [spmem:s11], $0x2800  }
0xa6: {  	_ =	swait.ge [sflag:s9], $0x2800  }
0xa7: {  	[sflag:s9] =	ssyncset.done $0x0  }
0xa8: {  	[sflag:s9] =	ssyncadd.s32 $0xFFFFD800  }
0xa9: {  	_ =	sfence.sel $0x180000  }
0xaa: {  	[bflag:$0x0] =	sbarrier.arrive $0xFFFF  }
0xab: {  	p0 =	sne.s32 s0, $0x0;
	_ =	strace $0x9000004D  }
0xac: {  	s0 =	sadd.s32 @!p0 $0x100000, s1;
	[bflag:$0x2] =	sbarrier.arrive $0xFFFF  }
0xad: {  	[sflag:s0] =	ssyncadd.tile.s32 @!p0 $0x1;
	_ =	shalt  }
.Lfunc_end2:
_tile_overlayer_lowered:
.L_overlay_start_2:
0xae: {  	(tag) =	ssettag $0x2  }
0xaf: {  	s0 =	rddreg [dreg:$0x0];
	s2 =	stileid.u32  }
0xb0: {  	s1 =	rddreg [dreg:$0x1];
	p0 =	sne.s32 s2, $0x0  }
0xb1: {  	s3 =	rddreg [dreg:$0x2];
	[bflag:$0x3] =	sbarrier.arrive $0xFFFF;
	s2 =	simm.s32 @!p0 $0x1C03  }
0xb2: {  	[timem:s3], [sflag:s2] =	dma.local @!p0 [hbm:s0], s1  }
0xb3: {  	s0 =	simm.s32 @!p0 $0x3  }
0xb4: {  	_ =	swait.ge @!p0 [sflag:s0], s1  }
0xb5: {  	s1 =	ssub.s32 @!p0 $0x0, s1;
	[sflag:s0] =	ssyncset.done @!p0 $0x0  }
0xb6: {  	[sflag:s0] =	ssyncadd.s32 @!p0 s1  }
0xb7: {  	[bflag:$0x3] =	sbarrier.arrive $0xFFFF  }
0xb8: {  	_ =	shalt  }

// kernel: kernel.19.cloned.1.call-start
scs
__scs_entry_jumppad:
0x0: {  	(pc) =	sbr.rel $0x88, $3  }
0x1: {  	(tag) =	ssettag $0x0;
	lr =	simm.s32 $0x1  }
0x2: {  	[smem:$0x3F90] =	sst lr;
	_ =	strace $0xD0000000  }
0x3: {  	_ = 	snop  }
0x4: {  	_ = 	snop  }
0x5: {  	_ = 	snop  }
0x6: {  	_ = 	snop  }
0x7: {  	_ = 	snop  }
__scs_overlays_trampoline_lowered:
0x8: {  	[smem:$0x3F9F] =	sst s0  }
0x9: {  	[smem:$0x3FA0] =	sst s1  }
0xa: {  	[smem:$0x3FA1] =	sst s2  }
0xb: {  	[smem:$0x3FA2] =	sst s3  }
0xc: {  	[smem:$0x3FA3] =	sst s4  }
0xd: {  	[smem:$0x3FA4] =	sst s5  }
0xe: {  	[smem:$0x3FA5] =	sst s6  }
0xf: {  	[smem:$0x3FA6] =	sst s7  }
0x10: {  	[smem:$0x3FA7] =	sst s8  }
0x11: {  	[smem:$0x3FA8] =	sst s9;
	s0 =	simm.s32 @!p0 $0x0  }
0x12: {  	s1 =	sld [smem:$0x3F8E];
	s0 =	simm.s32 @p0 $0x1  }
0x13: {  	[smem:$0x3FA9] =	sst s0;
	s0 =	simm.s32 @!p1 $0x0  }
0x14: {  	s2 =	sld [smem:$0x3F8D];
	s0 =	simm.s32 @p1 $0x1  }
0x15: {  	[smem:$0x3FAA] =	sst s0;
	s0 =	simm.s32 @!p2 $0x0  }
0x16: {  	s3 =	sld [smem:$0x3FDB];
	s0 =	simm.s32 @p2 $0x1  }
0x17: {  	s4 =	simm.s32 $0x1BF5;
	[smem:$0x3FAC] =	sst s0  }
0x18: {  	s0 =	sld [smem:$0x3F8F];
	_ =	swait.ge [sflag:s4], $0x0  }
0x19: {  	s7 =	sld [smem:$0x3F90]  }
0x1a: {  	s8 =	sadd.s32 $0xFFFFE003, lr  }
0x1b: {  	s9 =	sadd.s32 $0xFFFFFEF7, lr;
	s5 =	simm.s32 $0xFFFFFFFF;
	p2 =	slt.u32 s8, $0xFFFFF086  }
0x1c: {  	p1 =	slt.u32 s9, $0xF7A;
	s5 =	simm.s32 @!p2 $0x0  }
0x1d: {  	s5 =	simm.s32 @p1 $0x1;
	p0 =	seq.s32 s7, s2  }
0x1e: {  	s7 =	smul.u32 @!p0 $0xF7A, s2;
	p2 =	seq.s32 @!p0 s5, $0x0  }
0x1f: {  	s9 =	smul.u32 $0xF7A, s1;
	s8 =	simm.s32 @!p0 $0x1BF5;
	p2 =	por !p2, p0  }
0x20: {  	[sflag:s8] =	ssyncset.s32 @!p0 $0xFFFFF086;
	s6 =	sadd.s32 @!p0 s3, s7;
	s7 =	simm.s32 @!p0 $0x108  }
0x21: {  	s3 =	sadd.s32 s3, s9;
	s6 =	sadd.s32 @!p0 $0x88, s6;
	s7 =	simm.s32 @p2 $0x1082  }
0x22: {  	[simem:s7], [sflag:s8] =	dma.local @!p0 [hbm:s6], $0xF7A  }
0x23: {  	s9 =	sor.u32 $0xD0000000, s2;
	s6 =	simm.s32 $0x108;
	_ =	swait.ge @!p0 [sflag:s8], $0x0  }
0x24: {  	s3 =	sadd.s32 $0x88, s3;
	s6 =	simm.s32 @!p1 $0x1082;
	[sflag:s4] =	ssyncset.s32 $0xFFFFF086  }
0x25: {  	[simem:s6], [sflag:s4] =	dma.local [hbm:s3], $0xF7A  }
0x26: {  	[smem:$0x3F90] =	sst s1;
	(tag) =	ssettag s2;
	_ =	strace s9  }
0x27: {  	s1 =	sld [smem:$0x3FA0]  }
0x28: {  	s2 =	sld [smem:$0x3FA1]  }
0x29: {  	s4 =	sld [smem:$0x3FA3]  }
0x2a: {  	p0 =	seq.s32 s5, $0x0;
	s5 =	sld [smem:$0x3FA4]  }
0x2b: {  	s6 =	sld [smem:$0x3FA5]  }
0x2c: {  	s7 =	sld [smem:$0x3FA6]  }
0x2d: {  	s3 =	simm.s32 $0x108;
	s8 =	sld [smem:$0x3FA7]  }
0x2e: {  	s3 =	simm.s32 @!p0 $0x1082;
	s9 =	sld [smem:$0x3FA8]  }
0x2f: {  	lr =	sadd.s32 s0, s3;
	s0 =	sld [smem:$0x3F9F]  }
0x30: {  	s3 =	sld [smem:$0x3FA2]  }
0x31: {  	[smem:$0x3FAB] =	sst s10  }
0x32: {  	s10 =	sld [smem:$0x3FA9];
	_ =	sdelay $0x3  }
0x33: {  	p0 =	seq.s32 s10, $0x1;
	s10 =	sld [smem:$0x3FAB];
	_ =	sdelay $0x3  }
0x34: {  	[smem:$0x3FAB] =	sst s10  }
0x35: {  	s10 =	sld [smem:$0x3FAA];
	_ =	sdelay $0x3  }
0x36: {  	p1 =	seq.s32 s10, $0x1;
	s10 =	sld [smem:$0x3FAB];
	_ =	sdelay $0x3  }
0x37: {  	[smem:$0x3FAB] =	sst s10  }
0x38: {  	s10 =	sld [smem:$0x3FAC]  }
0x39: {  	_ = 	snop;
	(pc) =	sbr.ind lr, $3  }
0x3a: {  	_ = 	snop  }
0x3b: {  	_ = 	snop  }
0x3c: {  	p2 =	seq.s32 s10, $0x1;
	s10 =	sld [smem:$0x3FAB]  }
0x3d: {  	_ =	shalt  }
0x3e: {  	_ =	shalt  }
0x3f: {  	_ =	shalt  }
0x40: {  	_ =	shalt  }
0x41: {  	_ =	shalt  }
0x42: {  	_ =	shalt  }
0x43: {  	_ =	shalt  }
0x44: {  	_ =	shalt  }
0x45: {  	_ =	shalt  }
0x46: {  	_ =	shalt  }
0x47: {  	_ =	shalt  }
0x48: {  	_ =	shalt  }
0x49: {  	_ =	shalt  }
0x4a: {  	_ =	shalt  }
0x4b: {  	_ =	shalt  }
0x4c: {  	_ =	shalt  }
0x4d: {  	_ =	shalt  }
0x4e: {  	_ =	shalt  }
0x4f: {  	_ =	shalt  }
0x50: {  	_ =	shalt  }
0x51: {  	_ =	shalt  }
0x52: {  	_ =	shalt  }
0x53: {  	_ =	shalt  }
0x54: {  	_ =	shalt  }
0x55: {  	_ =	shalt  }
0x56: {  	_ =	shalt  }
0x57: {  	_ =	shalt  }
0x58: {  	_ =	shalt  }
0x59: {  	_ =	shalt  }
0x5a: {  	_ =	shalt  }
0x5b: {  	_ =	shalt  }
0x5c: {  	_ =	shalt  }
0x5d: {  	_ =	shalt  }
0x5e: {  	_ =	shalt  }
0x5f: {  	_ =	shalt  }
0x60: {  	_ =	shalt  }
0x61: {  	_ =	shalt  }
0x62: {  	_ =	shalt  }
0x63: {  	_ =	shalt  }
0x64: {  	_ =	shalt  }
0x65: {  	_ =	shalt  }
0x66: {  	_ =	shalt  }
0x67: {  	_ =	shalt  }
0x68: {  	_ =	shalt  }
0x69: {  	_ =	shalt  }
0x6a: {  	_ =	shalt  }
0x6b: {  	_ =	shalt  }
0x6c: {  	_ =	shalt  }
0x6d: {  	_ =	shalt  }
0x6e: {  	_ =	shalt  }
0x6f: {  	_ =	shalt  }
0x70: {  	_ =	shalt  }
0x71: {  	_ =	shalt  }
0x72: {  	_ =	shalt  }
0x73: {  	_ =	shalt  }
0x74: {  	_ =	shalt  }
0x75: {  	_ =	shalt  }
0x76: {  	_ =	shalt  }
0x77: {  	_ =	shalt  }
0x78: {  	_ =	shalt  }
0x79: {  	_ =	shalt  }
0x7a: {  	_ =	shalt  }
0x7b: {  	_ =	shalt  }
0x7c: {  	_ =	shalt  }
0x7d: {  	_ =	shalt  }
0x7e: {  	_ =	shalt  }
0x7f: {  	_ =	shalt  }
0x80: {  	_ =	shalt  }
0x81: {  	_ =	shalt  }
0x82: {  	_ =	shalt  }
0x83: {  	_ =	shalt  }
0x84: {  	_ =	shalt  }
0x85: {  	_ =	shalt  }
0x86: {  	_ =	shalt  }
0x87: {  	_ =	shalt  }
.Lfunc_end0:
.L_simem_size_0:
called_computation.3_lowered:
.L_overlay_start_0:
0x88: {  	s2 =	sld [smem:$0x3FD9]  }
0x89: {  	s3 =	sld [smem:$0x3FFE];
	_ =	sdelay $0x1  }
0x8a: {  	s1 =	srdreg.scid  }
0x8b: {  	s0 =	sand.u32 $0x1, s1  }
0x8c: {  	s16 =	sshll.u32 s0, $0xA;
	s2 =	sadd.s32 s3, s2  }
0x8d: {  	s2 =	sadd.s32 s2, s16  }
0x8e: {  	[smem:$0x3FB7] =	sst s2  }
0x8f: {  	_ = 	snop  }
0x90: {  	(tm) =	ssettm $0x1  }
0x91: {  	s17 =	sld [smem:$0x3FFB];
	_ =	sdelay $0x3  }
0x92: {  	_ =	strace s17  }
0x93: {  	s2 =	sld [smem:$0x3FFC];
	_ =	sdelay $0x3  }
0x94: {  	_ =	strace s2  }
0x95: {  	s2 =	sld [smem:$0x3FFD];
	_ =	sdelay $0x3  }
0x96: {  	_ =	strace s2  }
0x97: {  	_ =	strace $0x8FFFFFFF  }
0x98: {  	s18 =	sld [smem:$0x3FDB];
	_ =	sdelay $0x1  }
0x99: {  	s19 =	simm.s32 $_scs_section_size  }
0x9a: {  	s4 =	simm.s32 $_size__tile_overlayer_lowered;
	s5 =	simm.s32 $_tile_overlayer_lowered  }
0x9b: {  	s22 =	simm.s32 $0x1BFF;
	s21 =	sshll.u32 s5, $0x1;
	s2 =	sadd.s32 s19, s18  }
0x9c: {  	s6 =	simm.s32 $0x0;
	s20 =	sshll.u32 s4, $0x1;
	s4 =	sadd.s32 s21, s2  }
0x9d: {  	[timem:s6], [sflag:s22] =	dma.local [hbm:s4], s20  }
0x9e: {  	_ =	swait.ge [sflag:s22], s20  }
0x9f: {  	s3 =	ssub.s32 $0x0, s20;
	[sflag:s22] =	ssyncset.done $0x0  }
0xa0: {  	[sflag:s22] =	ssyncadd.s32 s3;
	_ =	sdelay $0x1  }
0xa1: {  	s23 =	simm.s32 $0x1B8B  }
0xa2: {  	_ =	swait.ge [sflag:s23], $0x1  }
0xa3: {  	[sflag:s23] =	ssyncset.done $0x0  }
0xa4: {  	s25 =	simm.s32 $0x1B8E;
	s24 =	sld [smem:$0x3FFE];
	[sflag:s23] =	ssyncadd.s32 $0xFFFFFFFF  }
0xa5: {  	s26 =	simm.s32 $execute0_lowered;
	[smem:$0x3FD2] =	sst s25  }
0xa6: {  	s4 =	sshll.u32 s26, $0x1;
	_ =	strace $0x8000004F;
	[dreg:$0x1] =	wrdreg $0xFFFFFFFF  }
0xa7: {  	s28 =	simm.s32 $_size_execute0_lowered;
	s2 =	sadd.s32 s2, s4;
	[dreg:$0x0] =	wrdreg $0x0  }
0xa8: {  	s4 =	sshll.u32 s28, $0x1;
	[dreg:$0x2] =	wrdreg s2  }
0xa9: {  	[dreg:$0x3] =	wrdreg s4  }
0xaa: {  	[dreg:$0x4] =	wrdreg $0xC0  }
0xab: {  	_ =	task [dreg:s6], $0x5FFFF  }
0xac: {  	[dreg:$0x1] =	wrdreg $0xFFFFFFFF  }
0xad: {  	[dreg:$0x0] =	wrdreg $0x60  }
0xae: {  	[dreg:$0x2] =	wrdreg s24  }
0xaf: {  	[dreg:$0x3] =	wrdreg $0x92000  }
0xb0: {  	[dreg:$0x4] =	wrdreg $0x9  }
0xb1: {  	_ =	task.clear_ibuf [dreg:s6], $0x5FFFF;
	_ =	strace $0x9000004F  }
0xb2: {  	s29 =	simm.s32 $0x9;
	_ =	strace $0x80000051  }
0xb3: {  	_ =	swait.ge [sflag:s29], $0x1  }
0xb4: {  	[sflag:s29] =	ssyncadd.s32 $0xFFFFFFFF  }
0xb5: {  	_ =	strace $0x90000051  }
0xb6: {  	_ =	sfence  }
0xb7: {  	s30 =	sld [smem:$0x0];
	_ =	sdelay $0x2  }
0xb8: {  	s31 =	sshll.u32 s1, $0xD;
	s1 =	sshrl.u32 s1, $0x2  }
0xb9: {  	s3 =	sand.u32 $0x4000, s31;
	s1 =	sadd.s32 s1, s30  }
0xba: {  	s0 =	sor.u32 s3, s0;
	s1 =	sshll.u32 s1, $0x11  }
0xbb: {  	s0 =	sor.u32 s1, s0  }
0xbc: {  	s0 =	sadd.s32 $0x8F2B, s0  }
0xbd: {  	[sflag:s0] =	ssyncadd.remote.s32 $0x1  }
0xbe: {  	_ =	sfence.sel $0xFFFF  }
0xbf: {  	[dreg:$0x0] =	wrdreg $0xFFFFFFFF;
	(pc) =	sbr.abs _section_cstart, $3  }
0xc0: {  	[dreg:$0x1] =	wrdreg $0xFFFFFFFF  }
0xc1: {  	_ =	task.clear_ibuf [dreg:s6], $0x2FFFF;
	_ =	strace $0x9FFFFFFF  }
0xc2: {  	(tm) =	ssettm $0x7FFFFFFF  }
0xc3: {  	_ =	shalt  }
tec
execute0_lowered:
.L_overlay_start_1:
0x0: {  	(tag) =	ssettag $0x1  }
0x1: {  	s6 =	rddreg [dreg:$0x0]  }
0x2: {  	s0 =	srdreg.scid;
	s2 =	rddreg [dreg:$0x1];
	s3 =	simm.s32 $0x0  }
0x3: {  	s12 =	simm.s32 $0x40;
	s13 =	simm.s32 $0x5000;
	s14 =	simm.s32 $0x5200  }
0x4: {  	s15 =	simm.s32 $0x5080;
	s16 =	simm.s32 $0x7200;
	s17 =	simm.s32 $0x1  }
0x5: {  	s18 =	simm.s32 $0x5100;
	s19 =	simm.s32 $0x2;
	s20 =	simm.s32 $0x5180  }
0x6: {  	s21 =	simm.s32 $0x0;
	s5 =	sand.u32 $0x1, s0;
	s0 =	stileid.u32  }
0x7: {  	[smem:$0x7FF] =	sst s3;
	s4 =	sadd.s32 $0x1BC00, s6;
	s8 =	smul.u32 $0x140000, s5  }
0x8: {  	s1 =	sshll.u32 s5, $0x4;
	s9 =	smul.u32 $0x14000, s0;
	s29 =	ssub.s32 $0x2, s5  }
0x9: {  	s10 =	smul.u32 $0x50000, s0;
	s5 =	sadd.s32 $0x19400, s6;
	s1 =	sor.u32 s0, s1  }
0xa: {  	s31 =	sshll.u32 s0, $0x6;
	s11 =	sshrl.u32 s29, $0x1;
	s7 =	smul.u32 $0xA00, s1  }
0xb: {  	s1 =	rddreg [dreg:$0x2];
	_ =	strace $0x80000050;
	s8 =	sadd.s32 s9, s8  }
0xc: {  	s9 =	ssub.s32 s29, s11;
	s10 =	sshrl.u32 s10, $0x2;
	s8 =	sshrl.u32 s8, $0x3  }
0xd: {  	s30 =	sadd.s32 s10, s2;
	s10 =	sor.u32 $0x1C03, s31;
	s7 =	sadd.s32 s7, s6  }
0xe: {  	s8 =	sadd.s32 s8, s6;
	s11 =	sshrl.u32 s30, $0x3;
	s6 =	sadd.s32 $0x5400, s7  }
0xf: {  	s7 =	sadd.s32 $0x43C00, s8;
	s8 =	smax.u32 s9, $0x1;
	s9 =	simm.s32 $0x3  }
.LBB2_1:
0x10: {  	[tilespmem:s3], [sflag:$0x3] =	stream.linear.gather [hbm4b:s6+s3], $0x5000, $0x38;
	[tilespmem:$0x1D200] =	vst v63  }
0x11: {  	_ =	swait.ge [sflag:s9], $0x5000  }
0x12: {  	[sflag:s9] =	ssyncset.done $0x0  }
0x13: {  	[sflag:s9] =	ssyncadd.s32 $0xFFFFB000  }
0x14: {  	[spmem:s11], [sflag:s10] =	dma.local [hbm:s5], $0x2800  }
0x15: {  	_ =	swait.ge [sflag:s9], $0x2800  }
0x16: {  	[sflag:s9] =	ssyncset.done $0x0  }
0x17: {  	[sflag:s9] =	ssyncadd.s32 $0xFFFFD800  }
0x18: {  	[bflag:$0x0] =	sbarrier.arrive $0xFFFF  }
0x19: {  	v0 =	vld [tilespmem:$0x0];
	_ =	sdelay $0x1  }
0x1a: {  	v1 =	vld [tilespmem:$0x10];
	_ =	sdelay $0x1  }
0x1b: {  	v2 =	vld [tilespmem:$0x20]  }
0x1c: {  	v3 =	vand.u32 $0xFFFF, v0  }
0x1d: {  	v37 =	vld [tilespmem:$0x30];
	v0 =	vshrl.u32 v0, $0x10;
	[tilespmem:$0x5000] =	vst v3  }
0x1e: {  	v38 =	vand.u32 $0xFFFF, v1;
	[tilespmem:$0x5100] =	vst v0  }
0x1f: {  	v39 =	vshrl.u32 v1, $0x10;
	[tilespmem:$0x5010] =	vst v38  }
0x20: {  	v40 =	vand.u32 $0xFFFF, v2;
	[tilespmem:$0x5110] =	vst v39  }
0x21: {  	v41 =	vshrl.u32 v2, $0x10;
	[tilespmem:$0x5020] =	vst v40  }
0x22: {  	v42 =	vand.u32 $0xFFFF, v37;
	[tilespmem:$0x5120] =	vst v41  }
0x23: {  	v43 =	vshrl.u32 v37, $0x10;
	[tilespmem:$0x5030] =	vst v42  }
0x24: {  	[tilespmem:$0x5130] =	vst v43  }
0x25: {  	[tilespmem:s14], [sflag:$0x1] =	stream.indirect.gather [hbm4b:s4+s12], $0x80, s13, s12, $0xb8;
	[tilespmem:$0x1D200] =	vst v63  }
0x26: {  	v44 =	vld [tilespmem:$0x80];
	_ =	sdelay $0x1  }
0x27: {  	v45 =	vld [tilespmem:$0x90];
	_ =	sdelay $0x1  }
0x28: {  	v46 =	vld [tilespmem:$0xA0]  }
0x29: {  	v47 =	vand.u32 $0xFFFF, v44  }
0x2a: {  	v48 =	vld [tilespmem:$0xB0];
	v0 =	vshrl.u32 v44, $0x10;
	[tilespmem:$0x5080] =	vst v47  }
0x2b: {  	v49 =	vand.u32 $0xFFFF, v45;
	[tilespmem:$0x5180] =	vst v0  }
0x2c: {  	v50 =	vshrl.u32 v45, $0x10;
	[tilespmem:$0x5090] =	vst v49  }
0x2d: {  	v51 =	vand.u32 $0xFFFF, v46;
	[tilespmem:$0x5190] =	vst v50  }
0x2e: {  	v52 =	vshrl.u32 v46, $0x10;
	[tilespmem:$0x50A0] =	vst v51  }
0x2f: {  	v53 =	vand.u32 $0xFFFF, v48;
	[tilespmem:$0x51A0] =	vst v52  }
0x30: {  	v54 =	vshrl.u32 v48, $0x10;
	[tilespmem:$0x50B0] =	vst v53  }
0x31: {  	[tilespmem:$0x51B0] =	vst v54  }
0x32: {  	[tilespmem:s16], [sflag:$0x2] =	stream.indirect.gather [hbm4b:s4+s12], $0x80, s15, s12, $0xb8;
	[tilespmem:$0x1D200] =	vst v63  }
0x33: {  	_ =	swait.ge [sflag:s17], $0x2000  }
0x34: {  	[sflag:s17] =	ssyncset.done $0x0  }
0x35: {  	[sflag:s17] =	ssyncadd.s32 $0xFFFFE000  }
0x36: {  	[spmem:s2] =	stream.indirect.scatter.add.f32 [tilespmem:s14], [sflag:$0x3], $0x80, s18, s12, $0xb8;
	[tilespmem:$0x1D200] =	vst v63  }
0x37: {  	_ =	swait.ge [sflag:s9], $0x2000  }
0x38: {  	[sflag:s9] =	ssyncset.done $0x0  }
0x39: {  	s22 =	simm.s32 $0x1B0;
	[sflag:s9] =	ssyncadd.s32 $0xFFFFE000  }
0x3a: {  	v55 =	vld [tilespmem:s22+$0xFFFFFF50];
	_ =	sdelay $0x4  }
0x3b: {  	v56 =	vand.u32 $0xFFFF, v55  }
0x3c: {  	v0 =	vshrl.u32 v55, $0x10;
	[tilespmem:$0x5000] =	vst v56  }
0x3d: {  	[tilespmem:$0x5100] =	vst v0  }
0x3e: {  	v0 =	vld [tilespmem:s22+$0xFFFFFF60];
	_ =	sdelay $0x4  }
0x3f: {  	v57 =	vand.u32 $0xFFFF, v0  }
0x40: {  	v0 =	vshrl.u32 v0, $0x10;
	[tilespmem:$0x5010] =	vst v57  }
0x41: {  	[tilespmem:$0x5110] =	vst v0  }
0x42: {  	v0 =	vld [tilespmem:s22+$0xFFFFFF70];
	_ =	sdelay $0x4  }
0x43: {  	v58 =	vand.u32 $0xFFFF, v0  }
0x44: {  	v0 =	vshrl.u32 v0, $0x10;
	[tilespmem:$0x5020] =	vst v58  }
0x45: {  	[tilespmem:$0x5120] =	vst v0  }
0x46: {  	v0 =	vld [tilespmem:s22+$0xFFFFFF80];
	_ =	sdelay $0x4  }
0x47: {  	v59 =	vand.u32 $0xFFFF, v0  }
0x48: {  	v0 =	vshrl.u32 v0, $0x10;
	[tilespmem:$0x5030] =	vst v59  }
0x49: {  	[tilespmem:$0x5130] =	vst v0  }
0x4a: {  	[tilespmem:s14], [sflag:$0x1] =	stream.indirect.gather [hbm4b:s4+s12], $0x80, s13, s12, $0xb8;
	[tilespmem:$0x1D200] =	vst v63  }
0x4b: {  	_ =	swait.ge [sflag:s19], $0x2000  }
0x4c: {  	[sflag:s19] =	ssyncset.done $0x0  }
0x4d: {  	[sflag:s19] =	ssyncadd.s32 $0xFFFFE000  }
0x4e: {  	[spmem:s2] =	stream.indirect.scatter.add.f32 [tilespmem:s16], [sflag:$0x3], $0x80, s20, s12, $0xb8;
	[tilespmem:$0x1D200] =	vst v63  }
0x4f: {  	_ =	swait.ge [sflag:s9], $0x2000  }
0x50: {  	[sflag:s9] =	ssyncset.done $0x0  }
0x51: {  	[sflag:s9] =	ssyncadd.s32 $0xFFFFE000  }
0x52: {  	v60 =	vld [tilespmem:s22+$0xFFFFFFD0];
	_ =	sdelay $0x4  }
0x53: {  	v61 =	vand.u32 $0xFFFF, v60  }
0x54: {  	v0 =	vshrl.u32 v60, $0x10;
	[tilespmem:$0x5080] =	vst v61  }
0x55: {  	[tilespmem:$0x5180] =	vst v0  }
0x56: {  	v0 =	vld [tilespmem:s22+$0xFFFFFFE0];
	_ =	sdelay $0x4  }
0x57: {  	v62 =	vand.u32 $0xFFFF, v0  }
0x58: {  	v0 =	vshrl.u32 v0, $0x10;
	[tilespmem:$0x5090] =	vst v62  }
0x59: {  	[tilespmem:$0x5190] =	vst v0  }
0x5a: {  	v0 =	vld [tilespmem:s22+$0xFFFFFFF0];
	_ =	sdelay $0x4  }
0x5b: {  	v63 =	vand.u32 $0xFFFF, v0  }
0x5c: {  	v0 =	vshrl.u32 v0, $0x10;
	[tilespmem:$0x50A0] =	vst v63  }
0x5d: {  	s23 =	simm.s32 $0xAC0;
	[tilespmem:$0x51A0] =	vst v0  }
.LBB2_2:
0x5e: {  	p0 =	sne.s32 s23, $0x13EC0;
	v0 =	vld [tilespmem:s22+$0x0];
	s22 =	smov.u32 s23;
	s23 =	sadd.s32 $0x400, s23  }
0x5f: {  	_ =	sdelay $0x3  }
0x60: {  	v1 =	vand.u32 $0xFFFF, v0;
	v0 =	vshrl.u32 v0, $0x10  }
0x61: {  	[tilespmem:$0x50B0] =	vst v1  }
0x62: {  	[tilespmem:$0x51B0] =	vst v0  }
0x63: {  	[tilespmem:s16], [sflag:$0x2] =	stream.indirect.gather [hbm4b:s4+s12], $0x80, s15, s12, $0xb8;
	[tilespmem:$0x1D200] =	vst v63  }
0x64: {  	_ =	swait.ge [sflag:s17], $0x2000  }
0x65: {  	[sflag:s17] =	ssyncset.done $0x0  }
0x66: {  	[sflag:s17] =	ssyncadd.s32 $0xFFFFE000  }
0x67: {  	[spmem:s2] =	stream.indirect.scatter.add.f32 [tilespmem:s14], [sflag:$0x3], $0x80, s18, s12, $0xb8;
	[tilespmem:$0x1D200] =	vst v63  }
0x68: {  	_ =	swait.ge [sflag:s9], $0x2000  }
0x69: {  	[sflag:s9] =	ssyncset.done $0x0  }
0x6a: {  	s22 =	sshra.s32 s22, $0x2;
	[sflag:s9] =	ssyncadd.s32 $0xFFFFE000  }
0x6b: {  	v0 =	vld [tilespmem:s22+$0xFFFFFF50];
	_ =	sdelay $0x4  }
0x6c: {  	v1 =	vand.u32 $0xFFFF, v0;
	v0 =	vshrl.u32 v0, $0x10  }
0x6d: {  	[tilespmem:$0x5000] =	vst v1  }
0x6e: {  	[tilespmem:$0x5100] =	vst v0  }
0x6f: {  	v0 =	vld [tilespmem:s22+$0xFFFFFF60];
	_ =	sdelay $0x4  }
0x70: {  	v1 =	vand.u32 $0xFFFF, v0;
	v0 =	vshrl.u32 v0, $0x10  }
0x71: {  	[tilespmem:$0x5010] =	vst v1  }
0x72: {  	[tilespmem:$0x5110] =	vst v0  }
0x73: {  	v0 =	vld [tilespmem:s22+$0xFFFFFF70];
	_ =	sdelay $0x4  }
0x74: {  	v1 =	vand.u32 $0xFFFF, v0;
	v0 =	vshrl.u32 v0, $0x10  }
0x75: {  	[tilespmem:$0x5020] =	vst v1  }
0x76: {  	[tilespmem:$0x5120] =	vst v0  }
0x77: {  	v0 =	vld [tilespmem:s22+$0xFFFFFF80];
	_ =	sdelay $0x4  }
0x78: {  	v1 =	vand.u32 $0xFFFF, v0;
	v0 =	vshrl.u32 v0, $0x10  }
0x79: {  	[tilespmem:$0x5030] =	vst v1  }
0x7a: {  	[tilespmem:$0x5130] =	vst v0  }
0x7b: {  	[tilespmem:s14], [sflag:$0x1] =	stream.indirect.gather [hbm4b:s4+s12], $0x80, s13, s12, $0xb8;
	[tilespmem:$0x1D200] =	vst v63  }
0x7c: {  	_ =	swait.ge [sflag:s19], $0x2000  }
0x7d: {  	[sflag:s19] =	ssyncset.done $0x0  }
0x7e: {  	[sflag:s19] =	ssyncadd.s32 $0xFFFFE000  }
0x7f: {  	[spmem:s2] =	stream.indirect.scatter.add.f32 [tilespmem:s16], [sflag:$0x3], $0x80, s20, s12, $0xb8;
	[tilespmem:$0x1D200] =	vst v63  }
0x80: {  	_ =	swait.ge [sflag:s9], $0x2000  }
0x81: {  	[sflag:s9] =	ssyncset.done $0x0  }
0x82: {  	[sflag:s9] =	ssyncadd.s32 $0xFFFFE000  }
0x83: {  	v0 =	vld [tilespmem:s22+$0xFFFFFFD0];
	_ =	sdelay $0x4  }
0x84: {  	v1 =	vand.u32 $0xFFFF, v0;
	v0 =	vshrl.u32 v0, $0x10  }
0x85: {  	[tilespmem:$0x5080] =	vst v1  }
0x86: {  	[tilespmem:$0x5180] =	vst v0  }
0x87: {  	v0 =	vld [tilespmem:s22+$0xFFFFFFE0];
	_ =	sdelay $0x4  }
0x88: {  	v1 =	vand.u32 $0xFFFF, v0;
	v0 =	vshrl.u32 v0, $0x10  }
0x89: {  	[tilespmem:$0x5090] =	vst v1  }
0x8a: {  	[tilespmem:$0x5190] =	vst v0  }
0x8b: {  	v0 =	vld [tilespmem:s22+$0xFFFFFFF0];
	_ =	sdelay $0x2  }
.Ltmp0:
0x8c: {  	(pc) =	sbr.rel @p0 .LBB2_2-.Ltmp0, $4  }
0x8d: {  	_ = 	snop  }
0x8e: {  	v1 =	vand.u32 $0xFFFF, v0;
	v0 =	vshrl.u32 v0, $0x10  }
0x8f: {  	[tilespmem:$0x50A0] =	vst v1  }
0x90: {  	[tilespmem:$0x51A0] =	vst v0  }
0x91: {  	v0 =	vld [tilespmem:s22+$0x0];
	_ =	sdelay $0x4  }
0x92: {  	v1 =	vand.u32 $0xFFFF, v0  }
0x93: {  	v0 =	vshrl.u32 v0, $0x10;
	[tilespmem:$0x50B0] =	vst v1  }
0x94: {  	[tilespmem:$0x51B0] =	vst v0  }
0x95: {  	[tilespmem:s16], [sflag:$0x2] =	stream.indirect.gather [hbm4b:s4+s12], $0x80, s15, s12, $0xb8;
	[tilespmem:$0x1D200] =	vst v63  }
0x96: {  	_ =	swait.ge [sflag:s17], $0x2000  }
0x97: {  	[sflag:s17] =	ssyncset.done $0x0  }
0x98: {  	[sflag:s17] =	ssyncadd.s32 $0xFFFFE000  }
0x99: {  	[spmem:s2] =	stream.indirect.scatter.add.f32 [tilespmem:s14], [sflag:$0x3], $0x80, s18, s12, $0xb8;
	[tilespmem:$0x1D200] =	vst v63  }
0x9a: {  	_ =	swait.ge [sflag:s9], $0x2000  }
0x9b: {  	[sflag:s9] =	ssyncset.done $0x0  }
0x9c: {  	[sflag:s9] =	ssyncadd.s32 $0xFFFFE000  }
0x9d: {  	_ =	swait.ge [sflag:s19], $0x2000  }
0x9e: {  	[sflag:s19] =	ssyncset.done $0x0  }
0x9f: {  	[sflag:s19] =	ssyncadd.s32 $0xFFFFE000  }
0xa0: {  	[spmem:s2] =	stream.indirect.scatter.add.f32 [tilespmem:s16], [sflag:$0x3], $0x80, s20, s12, $0xb8;
	[tilespmem:$0x1D200] =	vst v63  }
0xa1: {  	_ =	swait.ge [sflag:s9], $0x2000  }
0xa2: {  	s21 =	sadd.s32 $0x1, s21;
	[sflag:s9] =	ssyncset.done $0x0  }
0xa3: {  	p0 =	sne.s32 s21, s8;
	[sflag:s9] =	ssyncadd.s32 $0xFFFFE000  }
.Ltmp1:
0xa4: {  	[bflag:$0x0] =	sbarrier.arrive $0xFFFF;
	(pc) =	sbr.rel @p0 .LBB2_1-.Ltmp1, $4  }
0xa5: {  	[hbm:s7], [sflag:s10] =	dma.local [spmem:s11], $0x2800  }
0xa6: {  	_ =	swait.ge [sflag:s9], $0x2800  }
0xa7: {  	[sflag:s9] =	ssyncset.done $0x0  }
0xa8: {  	[sflag:s9] =	ssyncadd.s32 $0xFFFFD800  }
0xa9: {  	_ =	sfence.sel $0x180000  }
0xaa: {  	[bflag:$0x0] =	sbarrier.arrive $0xFFFF  }
0xab: {  	p0 =	sne.s32 s0, $0x0;
	_ =	strace $0x90000050  }
0xac: {  	s0 =	sadd.s32 @!p0 $0x100000, s1;
	[bflag:$0x2] =	sbarrier.arrive $0xFFFF  }
0xad: {  	[sflag:s0] =	ssyncadd.tile.s32 @!p0 $0x1;
	_ =	shalt  }
.Lfunc_end2:
_tile_overlayer_lowered:
.L_overlay_start_2:
0xae: {  	(tag) =	ssettag $0x2  }
0xaf: {  	s0 =	rddreg [dreg:$0x0];
	s2 =	stileid.u32  }
0xb0: {  	s1 =	rddreg [dreg:$0x1];
	p0 =	sne.s32 s2, $0x0  }
0xb1: {  	s3 =	rddreg [dreg:$0x2];
	[bflag:$0x3] =	sbarrier.arrive $0xFFFF;
	s2 =	simm.s32 @!p0 $0x1C03  }
0xb2: {  	[timem:s3], [sflag:s2] =	dma.local @!p0 [hbm:s0], s1  }
0xb3: {  	s0 =	simm.s32 @!p0 $0x3  }
0xb4: {  	_ =	swait.ge @!p0 [sflag:s0], s1  }
0xb5: {  	s1 =	ssub.s32 @!p0 $0x0, s1;
	[sflag:s0] =	ssyncset.done @!p0 $0x0  }
0xb6: {  	[sflag:s0] =	ssyncadd.s32 @!p0 s1  }
0xb7: {  	[bflag:$0x3] =	sbarrier.arrive $0xFFFF  }
0xb8: {  	_ =	shalt  }

</sc_bundles>
